<compile_context>
chip_gen: v7x
topology: tpu7x:2x2x1
jax: 0.10.2.dev20260603
libtpu: 0.0.44.dev20260713+nightly
codegen_flags: <defaults>
</compile_context>

<pallas_src>
import functools

import jax
import jax.numpy as jnp
from jax import lax
from jax.experimental import pallas as pl
from jax.experimental.pallas import tpu as pltpu
from jax.experimental.pallas import tpu_sc as plsc

N_NODES = 10000
N_EDGES = 320000
HIDDEN = 128
TBL_W = 8

NC = 2
NS = 16
L = 16
NW = NC * NS
E_PER_W = N_EDGES // NW
C = 2000
N_CHUNKS = E_PER_W // C
UNROLL = 5

LN2 = 0.6931471805599453


def _tc_table_body(z_ref, w_ref, b_ref, out_ref):
    z = z_ref[...]
    t1 = jnp.dot(z, w_ref[:HIDDEN, :], preferred_element_type=jnp.float32) + b_ref[...]
    t2 = jnp.dot(z, w_ref[HIDDEN:, :], preferred_element_type=jnp.float32)
    pad = jnp.zeros((N_NODES, TBL_W - 6), jnp.float32)
    out_ref[...] = jnp.concatenate([t1, t2, pad], axis=1)


def _build_table(z, w, b2d):
    return pl.pallas_call(
        _tc_table_body,
        out_shape=jax.ShapeDtypeStruct((N_NODES, TBL_W), jnp.float32),
    )(z, w, b2d)


_SC_MESH = plsc.VectorSubcoreMesh(core_axis_name="c", subcore_axis_name="s")


@functools.partial(
    pl.kernel,
    mesh=_SC_MESH,
    compiler_params=pltpu.CompilerParams(
        needs_layout_passes=False, use_tc_tiling_on_sc=False
    ),
    out_type=jax.ShapeDtypeStruct((3, N_EDGES), jnp.float32),
    scratch_types=[
        pltpu.VMEM((2, E_PER_W), jnp.int32),
        pltpu.VMEM((C, TBL_W), jnp.float32),
        pltpu.VMEM((C, TBL_W), jnp.float32),
        pltpu.VMEM((C, TBL_W), jnp.float32),
        pltpu.VMEM((C, TBL_W), jnp.float32),
        pltpu.VMEM((3, E_PER_W), jnp.float32),
        pltpu.SemaphoreType.DMA,
        pltpu.SemaphoreType.DMA,
    ],
)
def _sc_gather_softmax(tbl_hbm, ei_hbm, out_hbm, idx_v, rs0, rd0, rs1, rd1, out_v, sem0, sem1):
    wid = lax.axis_index("s") * NC + lax.axis_index("c")
    base = wid * E_PER_W
    pltpu.sync_copy(ei_hbm.at[:, pl.ds(base, E_PER_W)], idx_v)
    iota = lax.iota(jnp.int32, L)
    zc = jnp.zeros((L,), jnp.int32)
    bufs = ((rs0, rd0, sem0), (rs1, rd1, sem1))

    def issue(k):
        rs, rd, sem = bufs[k % 2]
        cs = pltpu.async_copy(tbl_hbm.at[idx_v.at[0, pl.ds(k * C, C)]], rs, sem)
        cd = pltpu.async_copy(tbl_hbm.at[idx_v.at[1, pl.ds(k * C, C)]], rd, sem)
        return cs, cd

    pending = {0: issue(0)}
    for k in range(N_CHUNKS):
        if k + 1 < N_CHUNKS:
            pending[k + 1] = issue(k + 1)
        cs, cd = pending.pop(k)
        cs.wait()
        cd.wait()
        rs, rd, _ = bufs[k % 2]
        obase = k * C

        def one_vec(off):
            e = iota + off
            a0 = plsc.load_gather(rs, [e, zc]) + plsc.load_gather(rd, [e, zc + 3])
            a1 = plsc.load_gather(rs, [e, zc + 1]) + plsc.load_gather(rd, [e, zc + 4])
            a2 = plsc.load_gather(rs, [e, zc + 2]) + plsc.load_gather(rd, [e, zc + 5])
            hi01 = jnp.maximum(a0, a1)
            lo01 = jnp.minimum(a0, a1)
            m = jnp.maximum(hi01, a2)
            xa = lo01 - m
            xb = jnp.minimum(hi01, a2) - m
            s = 1.0 + jnp.exp(xa) + jnp.exp(xb)
            t = 0.5 * s
            r = (t - 1.0) / (t + 1.0)
            r2 = r * r
            p = r * (2.0 + r2 * (2.0 / 3.0 + r2 * 0.4))
            q = m + (LN2 + p)
            out_v[0, pl.ds(obase + off, L)] = a0 - q
            out_v[1, pl.ds(obase + off, L)] = a1 - q
            out_v[2, pl.ds(obase + off, L)] = a2 - q

        n_vecs = C // L
        n_full = n_vecs // UNROLL

        def vec_body(i, _):
            off = i * (UNROLL * L)
            for u in range(UNROLL):
                one_vec(off + u * L)
            return 0

        lax.fori_loop(0, n_full, vec_body, 0)
        for v in range(n_full * UNROLL, n_vecs):
            one_vec(v * L)

    pltpu.sync_copy(out_v, out_hbm.at[:, pl.ds(base, E_PER_W)])


def kernel(z, edge_index, W, b):
    ei = edge_index.astype(jnp.int32)
    tbl = _build_table(z, W, b.reshape(1, 3))
    out_t = _sc_gather_softmax(tbl, ei)
    return out_t.T

# --- scband reference (transcript-rebuilt; emitter-appended) ---
"""Pipeline reference for scband-base-model-87179246174217 (READ-ONLY COPY).

The authoritative reference and input builder live on the scoring server;
editing this copy changes nothing except your own understanding.
"""

import jax, jax.numpy as jnp
import numpy as np

N_NODES = 10000
N_EDGES = 320000
HIDDEN = 128

def setup_inputs(seed: int = 0) -> dict:
    key = jax.random.key(seed)
    k1, k2, k3 = jax.random.split(key, 3)
    z = jax.random.normal(k1, (N_NODES, HIDDEN), dtype=jnp.float32)
    edge_index = jax.random.randint(k2, (2, N_EDGES), 0, N_NODES, dtype=jnp.int64)
    # Learned params of self.lin = nn.Linear(2*hidden_channels, 3)
    W = jax.random.normal(k3, (2 * HIDDEN, 3), dtype=jnp.float32) * (1.0 / np.sqrt(2 * HIDDEN))
    b = jnp.zeros((3,), dtype=jnp.float32)
    return {"z": z, "edge_index": edge_index, "W": W, "b": b}

def reference(z, edge_index, W, b):
    # discriminate(z, edge_index): gather node embeddings for both edge endpoints,
    # concat, apply linear layer, log_softmax over 3 classes (pos/neg/none).
    src = jnp.take(z, edge_index[0], axis=0)
    dst = jnp.take(z, edge_index[1], axis=0)
    value = jnp.concatenate([src, dst], axis=1)
    logits = value @ W + b
    return jax.nn.log_softmax(logits, axis=1)

if __name__ == "__main__":
    import jax
    _d = setup_inputs()
    print(jax.jit(kernel)(*tuple(_d.values())))

</pallas_src>

<mosaic_0001>
#map = affine_map<(d0, d1) -> (0, 0)>
module attributes {stable_mosaic.version = 14 : i64} {
  func.func @_sc_gather_softmax(%arg0: i32, %arg1: i32, %arg2: memref<10000x8xf32, #tpu.memory_space<hbm>>, %arg3: memref<2x320000xi32, #tpu.memory_space<hbm>>, %arg4: memref<3x320000xf32, #tpu.memory_space<hbm>>, %arg5: memref<2x10000xi32, #tpu.memory_space<vmem>>, %arg6: memref<2000x8xf32, #tpu.memory_space<vmem>>, %arg7: memref<2000x8xf32, #tpu.memory_space<vmem>>, %arg8: memref<2000x8xf32, #tpu.memory_space<vmem>>, %arg9: memref<2000x8xf32, #tpu.memory_space<vmem>>, %arg10: memref<3x10000xf32, #tpu.memory_space<vmem>>, %arg11: memref<!tpu.dma_semaphore, #tpu.memory_space<semaphore_mem>>, %arg12: memref<!tpu.dma_semaphore, #tpu.memory_space<semaphore_mem>>) attributes {dimension_semantics = [#tpu.dimension_semantics<core_parallel>, #tpu.dimension_semantics<subcore_parallel>], iteration_bounds = array<i64: 2, 16>, scalar_prefetch = 0 : i64, scratch_operands = 8 : i64, tpu.core_type = #tpu.core_type<sc_vector_subcore>, window_params = [{transform_indices = #map}, {transform_indices = #map}, {transform_indices = #map}]} {
    %mul3A = arith.constant 2 : i32
    %mul3A_0 = arith.muli %arg1, %mul3A : i32
    %add3A = arith.addi %mul3A_0, %arg0 : i32
    %mul3A_1 = arith.constant 10000 : i32
    %mul3A_2 = arith.muli %add3A, %mul3A_1 : i32
    "tpu.region"() ({
      %run_scoped3A = tpu.sem_alloc : memref<!tpu.dma_semaphore, #tpu.memory_space<semaphore_mem>>
      %dma_start3A_176 = arith.constant 0 : i32
      %dma_start3A_177 = tpu.memref_slice %arg3[%dma_start3A_176, %mul3A_2] : memref<2x320000xi32, #tpu.memory_space<hbm>> -> memref<2x10000xi32, #tpu.memory_space<hbm>>
      %dma_start3A_178 = arith.constant 0 : i32
      %dma_start3A_179 = tpu.memref_slice %arg3[%dma_start3A_178, %mul3A_2] : memref<2x320000xi32, #tpu.memory_space<hbm>> -> memref<2x10000xi32, #tpu.memory_space<hbm>>
      tpu.enqueue_dma source(%dma_start3A_179 : memref<2x10000xi32, #tpu.memory_space<hbm>>) target(%arg5 : memref<2x10000xi32, #tpu.memory_space<vmem>>) target_semaphore(%run_scoped3A : memref<!tpu.dma_semaphore, #tpu.memory_space<semaphore_mem>>)
      %dma_wait3A_180 = arith.constant 0 : i32
      %dma_wait3A_181 = tpu.memref_slice %arg3[%dma_wait3A_180, %mul3A_2] : memref<2x320000xi32, #tpu.memory_space<hbm>> -> memref<2x10000xi32, #tpu.memory_space<hbm>>
      %dma_wait3A_182 = arith.constant 0 : i32
      %dma_wait3A_183 = tpu.memref_slice %arg3[%dma_wait3A_182, %mul3A_2] : memref<2x320000xi32, #tpu.memory_space<hbm>> -> memref<2x10000xi32, #tpu.memory_space<hbm>>
      tpu.wait_dma2 semaphore(%run_scoped3A : memref<!tpu.dma_semaphore, #tpu.memory_space<semaphore_mem>>) src(%dma_wait3A_183 : memref<2x10000xi32, #tpu.memory_space<hbm>>) dst(%arg5 : memref<2x10000xi32, #tpu.memory_space<vmem>>)
      tpu.yield
    }) : () -> ()
    %iota3A = tpu.iota {dimensions = array<i32: 0>} : vector<16xi32>
    %broadcast_in_dim3A = arith.constant 0 : i32
    %broadcast_in_dim3A_3 = vector.broadcast %broadcast_in_dim3A : i32 to vector<16xi32>
    %dma_start3A = arith.constant 0 : i32
    %dma_start3A_4 = arith.constant 0 : i32
    %dma_start3A_5 = tpu.memref_slice %arg5[%dma_start3A, %dma_start3A_4] : memref<2x10000xi32, #tpu.memory_space<vmem>> -> memref<1x2000xi32, #tpu.memory_space<vmem>>
    %dma_start3A_6 = tpu.memref_squeeze %dma_start3A_5 : memref<1x2000xi32, #tpu.memory_space<vmem>> -> memref<2000xi32, #tpu.memory_space<vmem>>
    %dma_start3A_7 = arith.constant 0 : i32
    %dma_start3A_8 = arith.constant 0 : i32
    %dma_start3A_9 = tpu.memref_slice %arg2[%dma_start3A_7, %dma_start3A_8] : memref<10000x8xf32, #tpu.memory_space<hbm>> -> memref<10000x8xf32, #tpu.memory_space<hbm>>
    tpu.enqueue_indirect_dma source(%dma_start3A_9 : memref<10000x8xf32, #tpu.memory_space<hbm>>) target(%arg6 : memref<2000x8xf32, #tpu.memory_space<vmem>>) offsets(%dma_start3A_6 : memref<2000xi32, #tpu.memory_space<vmem>>) semaphore(%arg11 : memref<!tpu.dma_semaphore, #tpu.memory_space<semaphore_mem>>)
    %dma_start3A_10 = arith.constant 1 : i32
    %dma_start3A_11 = arith.constant 0 : i32
    %dma_start3A_12 = tpu.memref_slice %arg5[%dma_start3A_10, %dma_start3A_11] : memref<2x10000xi32, #tpu.memory_space<vmem>> -> memref<1x2000xi32, #tpu.memory_space<vmem>>
    %dma_start3A_13 = tpu.memref_squeeze %dma_start3A_12 : memref<1x2000xi32, #tpu.memory_space<vmem>> -> memref<2000xi32, #tpu.memory_space<vmem>>
    %dma_start3A_14 = arith.constant 0 : i32
    %dma_start3A_15 = arith.constant 0 : i32
    %dma_start3A_16 = tpu.memref_slice %arg2[%dma_start3A_14, %dma_start3A_15] : memref<10000x8xf32, #tpu.memory_space<hbm>> -> memref<10000x8xf32, #tpu.memory_space<hbm>>
    tpu.enqueue_indirect_dma source(%dma_start3A_16 : memref<10000x8xf32, #tpu.memory_space<hbm>>) target(%arg7 : memref<2000x8xf32, #tpu.memory_space<vmem>>) offsets(%dma_start3A_13 : memref<2000xi32, #tpu.memory_space<vmem>>) semaphore(%arg11 : memref<!tpu.dma_semaphore, #tpu.memory_space<semaphore_mem>>)
    %dma_start3A_17 = arith.constant 0 : i32
    %dma_start3A_18 = arith.constant 2000 : i32
    %dma_start3A_19 = tpu.memref_slice %arg5[%dma_start3A_17, %dma_start3A_18] : memref<2x10000xi32, #tpu.memory_space<vmem>> -> memref<1x2000xi32, #tpu.memory_space<vmem>>
    %dma_start3A_20 = tpu.memref_squeeze %dma_start3A_19 : memref<1x2000xi32, #tpu.memory_space<vmem>> -> memref<2000xi32, #tpu.memory_space<vmem>>
    %dma_start3A_21 = arith.constant 0 : i32
    %dma_start3A_22 = arith.constant 0 : i32
    %dma_start3A_23 = tpu.memref_slice %arg2[%dma_start3A_21, %dma_start3A_22] : memref<10000x8xf32, #tpu.memory_space<hbm>> -> memref<10000x8xf32, #tpu.memory_space<hbm>>
    tpu.enqueue_indirect_dma source(%dma_start3A_23 : memref<10000x8xf32, #tpu.memory_space<hbm>>) target(%arg8 : memref<2000x8xf32, #tpu.memory_space<vmem>>) offsets(%dma_start3A_20 : memref<2000xi32, #tpu.memory_space<vmem>>) semaphore(%arg12 : memref<!tpu.dma_semaphore, #tpu.memory_space<semaphore_mem>>)
    %dma_start3A_24 = arith.constant 1 : i32
    %dma_start3A_25 = arith.constant 2000 : i32
    %dma_start3A_26 = tpu.memref_slice %arg5[%dma_start3A_24, %dma_start3A_25] : memref<2x10000xi32, #tpu.memory_space<vmem>> -> memref<1x2000xi32, #tpu.memory_space<vmem>>
    %dma_start3A_27 = tpu.memref_squeeze %dma_start3A_26 : memref<1x2000xi32, #tpu.memory_space<vmem>> -> memref<2000xi32, #tpu.memory_space<vmem>>
    %dma_start3A_28 = arith.constant 0 : i32
    %dma_start3A_29 = arith.constant 0 : i32
    %dma_start3A_30 = tpu.memref_slice %arg2[%dma_start3A_28, %dma_start3A_29] : memref<10000x8xf32, #tpu.memory_space<hbm>> -> memref<10000x8xf32, #tpu.memory_space<hbm>>
    tpu.enqueue_indirect_dma source(%dma_start3A_30 : memref<10000x8xf32, #tpu.memory_space<hbm>>) target(%arg9 : memref<2000x8xf32, #tpu.memory_space<vmem>>) offsets(%dma_start3A_27 : memref<2000xi32, #tpu.memory_space<vmem>>) semaphore(%arg12 : memref<!tpu.dma_semaphore, #tpu.memory_space<semaphore_mem>>)
    %dma_wait3A = arith.constant 0 : i32
    %dma_wait3A_31 = arith.constant 0 : i32
    %dma_wait3A_32 = tpu.memref_slice %arg5[%dma_wait3A, %dma_wait3A_31] : memref<2x10000xi32, #tpu.memory_space<vmem>> -> memref<1x2000xi32, #tpu.memory_space<vmem>>
    %dma_wait3A_33 = tpu.memref_squeeze %dma_wait3A_32 : memref<1x2000xi32, #tpu.memory_space<vmem>> -> memref<2000xi32, #tpu.memory_space<vmem>>
    %dma_wait3A_34 = arith.constant 0 : i32
    %dma_wait3A_35 = arith.constant 0 : i32
    %dma_wait3A_36 = tpu.memref_slice %arg2[%dma_wait3A_34, %dma_wait3A_35] : memref<10000x8xf32, #tpu.memory_space<hbm>> -> memref<10000x8xf32, #tpu.memory_space<hbm>>
    tpu.wait_indirect_dma semaphore(%arg11 : memref<!tpu.dma_semaphore, #tpu.memory_space<semaphore_mem>>) src(%dma_wait3A_36 : memref<10000x8xf32, #tpu.memory_space<hbm>>) dst(%arg6 : memref<2000x8xf32, #tpu.memory_space<vmem>>)
    %dma_wait3A_37 = arith.constant 1 : i32
    %dma_wait3A_38 = arith.constant 0 : i32
    %dma_wait3A_39 = tpu.memref_slice %arg5[%dma_wait3A_37, %dma_wait3A_38] : memref<2x10000xi32, #tpu.memory_space<vmem>> -> memref<1x2000xi32, #tpu.memory_space<vmem>>
    %dma_wait3A_40 = tpu.memref_squeeze %dma_wait3A_39 : memref<1x2000xi32, #tpu.memory_space<vmem>> -> memref<2000xi32, #tpu.memory_space<vmem>>
    %dma_wait3A_41 = arith.constant 0 : i32
    %dma_wait3A_42 = arith.constant 0 : i32
    %dma_wait3A_43 = tpu.memref_slice %arg2[%dma_wait3A_41, %dma_wait3A_42] : memref<10000x8xf32, #tpu.memory_space<hbm>> -> memref<10000x8xf32, #tpu.memory_space<hbm>>
    tpu.wait_indirect_dma semaphore(%arg11 : memref<!tpu.dma_semaphore, #tpu.memory_space<semaphore_mem>>) src(%dma_wait3A_43 : memref<10000x8xf32, #tpu.memory_space<hbm>>) dst(%arg7 : memref<2000x8xf32, #tpu.memory_space<vmem>>)
    %scan3A = arith.constant 0 : i32
    %scan3A_44 = arith.constant 0 : i32
    %scan3A_45 = arith.constant 25 : i32
    %scan3A_46 = arith.addi %scan3A_44, %scan3A_45 : i32
    %scan3A_47 = arith.constant 1 : i32
    %scan3A_48 = scf.for %scan3A_176 = %scan3A_44 to %scan3A_46 step %scan3A_47 iter_args(%scan3A_177 = %scan3A) -> (i32)  : i32 {
      %mul3A_178 = arith.constant 80 : i32
      %mul3A_179 = arith.muli %scan3A_176, %mul3A_178 : i32
      %add3A_180 = arith.constant 0 : i32
      %add3A_181 = arith.addi %mul3A_179, %add3A_180 : i32
      %add3A_182 = vector.broadcast %add3A_181 : i32 to vector<16xi32>
      %add3A_183 = arith.addi %iota3A, %add3A_182 : vector<16xi32>
      %gather3A = tpu.vector_load_idx %arg6[%add3A_183, %broadcast_in_dim3A_3] : memref<2000x8xf32, #tpu.memory_space<vmem>>[vector<16xi32>, vector<16xi32>], vector<16xf32>,
      %add3A_184 = arith.constant 3 : i32
      %add3A_185 = vector.broadcast %add3A_184 : i32 to vector<16xi32>
      %add3A_186 = arith.addi %broadcast_in_dim3A_3, %add3A_185 : vector<16xi32>
      %gather3A_187 = tpu.vector_load_idx %arg7[%add3A_183, %add3A_186] : memref<2000x8xf32, #tpu.memory_space<vmem>>[vector<16xi32>, vector<16xi32>], vector<16xf32>,
      %add3A_188 = arith.addf %gather3A, %gather3A_187 : vector<16xf32>
      %add3A_189 = arith.constant 1 : i32
      %add3A_190 = vector.broadcast %add3A_189 : i32 to vector<16xi32>
      %add3A_191 = arith.addi %broadcast_in_dim3A_3, %add3A_190 : vector<16xi32>
      %gather3A_192 = tpu.vector_load_idx %arg6[%add3A_183, %add3A_191] : memref<2000x8xf32, #tpu.memory_space<vmem>>[vector<16xi32>, vector<16xi32>], vector<16xf32>,
      %add3A_193 = arith.constant 4 : i32
      %add3A_194 = vector.broadcast %add3A_193 : i32 to vector<16xi32>
      %add3A_195 = arith.addi %broadcast_in_dim3A_3, %add3A_194 : vector<16xi32>
      %gather3A_196 = tpu.vector_load_idx %arg7[%add3A_183, %add3A_195] : memref<2000x8xf32, #tpu.memory_space<vmem>>[vector<16xi32>, vector<16xi32>], vector<16xf32>,
      %add3A_197 = arith.addf %gather3A_192, %gather3A_196 : vector<16xf32>
      %add3A_198 = arith.constant 2 : i32
      %add3A_199 = vector.broadcast %add3A_198 : i32 to vector<16xi32>
      %add3A_200 = arith.addi %broadcast_in_dim3A_3, %add3A_199 : vector<16xi32>
      %gather3A_201 = tpu.vector_load_idx %arg6[%add3A_183, %add3A_200] : memref<2000x8xf32, #tpu.memory_space<vmem>>[vector<16xi32>, vector<16xi32>], vector<16xf32>,
      %add3A_202 = arith.constant 5 : i32
      %add3A_203 = vector.broadcast %add3A_202 : i32 to vector<16xi32>
      %add3A_204 = arith.addi %broadcast_in_dim3A_3, %add3A_203 : vector<16xi32>
      %gather3A_205 = tpu.vector_load_idx %arg7[%add3A_183, %add3A_204] : memref<2000x8xf32, #tpu.memory_space<vmem>>[vector<16xi32>, vector<16xi32>], vector<16xf32>,
      %add3A_206 = arith.addf %gather3A_201, %gather3A_205 : vector<16xf32>
      %max3A = arith.maximumf %add3A_188, %add3A_197 : vector<16xf32>
      %min3A = arith.minimumf %add3A_188, %add3A_197 : vector<16xf32>
      %max3A_207 = arith.maximumf %max3A, %add3A_206 : vector<16xf32>
      %sub3A = arith.subf %min3A, %max3A_207 : vector<16xf32>
      %min3A_208 = arith.minimumf %max3A, %add3A_206 : vector<16xf32>
      %sub3A_209 = arith.subf %min3A_208, %max3A_207 : vector<16xf32>
      %exp3A = math.exp %sub3A : vector<16xf32>
      %add3A_210 = arith.constant 1.000000e+00 : f32
      %add3A_211 = vector.broadcast %add3A_210 : f32 to vector<16xf32>
      %add3A_212 = arith.addf %add3A_211, %exp3A : vector<16xf32>
      %exp3A_213 = math.exp %sub3A_209 : vector<16xf32>
      %add3A_214 = arith.addf %add3A_212, %exp3A_213 : vector<16xf32>
      %mul3A_215 = arith.constant 5.000000e-01 : f32
      %mul3A_216 = vector.broadcast %mul3A_215 : f32 to vector<16xf32>
      %mul3A_217 = arith.mulf %mul3A_216, %add3A_214 : vector<16xf32>
      %sub3A_218 = arith.constant 1.000000e+00 : f32
      %sub3A_219 = vector.broadcast %sub3A_218 : f32 to vector<16xf32>
      %sub3A_220 = arith.subf %mul3A_217, %sub3A_219 : vector<16xf32>
      %add3A_221 = arith.constant 1.000000e+00 : f32
      %add3A_222 = vector.broadcast %add3A_221 : f32 to vector<16xf32>
      %add3A_223 = arith.addf %mul3A_217, %add3A_222 : vector<16xf32>
      %div3A = arith.divf %sub3A_220, %add3A_223 : vector<16xf32>
      %mul3A_224 = arith.mulf %div3A, %div3A : vector<16xf32>
      %mul3A_225 = arith.constant 4.000000e-01 : f32
      %mul3A_226 = vector.broadcast %mul3A_225 : f32 to vector<16xf32>
      %mul3A_227 = arith.mulf %mul3A_224, %mul3A_226 : vector<16xf32>
      %add3A_228 = arith.constant 0.666666686 : f32
      %add3A_229 = vector.broadcast %add3A_228 : f32 to vector<16xf32>
      %add3A_230 = arith.addf %add3A_229, %mul3A_227 : vector<16xf32>
      %mul3A_231 = arith.mulf %mul3A_224, %add3A_230 : vector<16xf32>
      %add3A_232 = arith.constant 2.000000e+00 : f32
      %add3A_233 = vector.broadcast %add3A_232 : f32 to vector<16xf32>
      %add3A_234 = arith.addf %add3A_233, %mul3A_231 : vector<16xf32>
      %mul3A_235 = arith.mulf %div3A, %add3A_234 : vector<16xf32>
      %add3A_236 = arith.constant 0.693147182 : f32
      %add3A_237 = vector.broadcast %add3A_236 : f32 to vector<16xf32>
      %add3A_238 = arith.addf %add3A_237, %mul3A_235 : vector<16xf32>
      %add3A_239 = arith.addf %max3A_207, %add3A_238 : vector<16xf32>
      %sub3A_240 = arith.subf %add3A_188, %add3A_239 : vector<16xf32>
      %add3A_241 = arith.constant 0 : i32
      %add3A_242 = arith.addi %add3A_241, %add3A_181 : i32
      %swap3A = arith.constant 0 : i32
      %swap3A_243 = arith.index_cast %swap3A : i32 to index
      %swap3A_244 = arith.index_cast %add3A_242 : i32 to index
      %swap3A_245 = tpu.vector_load %arg10[%swap3A_243, %swap3A_244] {strides = array<i32>} : memref<3x10000xf32, #tpu.memory_space<vmem>>, vector<16xf32>,
      tpu.vector_store %arg10[%swap3A_243, %swap3A_244], %sub3A_240 {strides = array<i32>} : memref<3x10000xf32, #tpu.memory_space<vmem>>, vector<16xf32>,
      %sub3A_246 = arith.subf %add3A_197, %add3A_239 : vector<16xf32>
      %add3A_247 = arith.constant 0 : i32
      %add3A_248 = arith.addi %add3A_247, %add3A_181 : i32
      %swap3A_249 = arith.constant 1 : i32
      %swap3A_250 = arith.index_cast %swap3A_249 : i32 to index
      %swap3A_251 = arith.index_cast %add3A_248 : i32 to index
      %swap3A_252 = tpu.vector_load %arg10[%swap3A_250, %swap3A_251] {strides = array<i32>} : memref<3x10000xf32, #tpu.memory_space<vmem>>, vector<16xf32>,
      tpu.vector_store %arg10[%swap3A_250, %swap3A_251], %sub3A_246 {strides = array<i32>} : memref<3x10000xf32, #tpu.memory_space<vmem>>, vector<16xf32>,
      %sub3A_253 = arith.subf %add3A_206, %add3A_239 : vector<16xf32>
      %add3A_254 = arith.constant 0 : i32
      %add3A_255 = arith.addi %add3A_254, %add3A_181 : i32
      %swap3A_256 = arith.constant 2 : i32
      %swap3A_257 = arith.index_cast %swap3A_256 : i32 to index
      %swap3A_258 = arith.index_cast %add3A_255 : i32 to index
      %swap3A_259 = tpu.vector_load %arg10[%swap3A_257, %swap3A_258] {strides = array<i32>} : memref<3x10000xf32, #tpu.memory_space<vmem>>, vector<16xf32>,
      tpu.vector_store %arg10[%swap3A_257, %swap3A_258], %sub3A_253 {strides = array<i32>} : memref<3x10000xf32, #tpu.memory_space<vmem>>, vector<16xf32>,
      %add3A_260 = arith.constant 16 : i32
      %add3A_261 = arith.addi %mul3A_179, %add3A_260 : i32
      %add3A_262 = vector.broadcast %add3A_261 : i32 to vector<16xi32>
      %add3A_263 = arith.addi %iota3A, %add3A_262 : vector<16xi32>
      %gather3A_264 = tpu.vector_load_idx %arg6[%add3A_263, %broadcast_in_dim3A_3] : memref<2000x8xf32, #tpu.memory_space<vmem>>[vector<16xi32>, vector<16xi32>], vector<16xf32>,
      %add3A_265 = arith.constant 3 : i32
      %add3A_266 = vector.broadcast %add3A_265 : i32 to vector<16xi32>
      %add3A_267 = arith.addi %broadcast_in_dim3A_3, %add3A_266 : vector<16xi32>
      %gather3A_268 = tpu.vector_load_idx %arg7[%add3A_263, %add3A_267] : memref<2000x8xf32, #tpu.memory_space<vmem>>[vector<16xi32>, vector<16xi32>], vector<16xf32>,
      %add3A_269 = arith.addf %gather3A_264, %gather3A_268 : vector<16xf32>
      %add3A_270 = arith.constant 1 : i32
      %add3A_271 = vector.broadcast %add3A_270 : i32 to vector<16xi32>
      %add3A_272 = arith.addi %broadcast_in_dim3A_3, %add3A_271 : vector<16xi32>
      %gather3A_273 = tpu.vector_load_idx %arg6[%add3A_263, %add3A_272] : memref<2000x8xf32, #tpu.memory_space<vmem>>[vector<16xi32>, vector<16xi32>], vector<16xf32>,
      %add3A_274 = arith.constant 4 : i32
      %add3A_275 = vector.broadcast %add3A_274 : i32 to vector<16xi32>
      %add3A_276 = arith.addi %broadcast_in_dim3A_3, %add3A_275 : vector<16xi32>
      %gather3A_277 = tpu.vector_load_idx %arg7[%add3A_263, %add3A_276] : memref<2000x8xf32, #tpu.memory_space<vmem>>[vector<16xi32>, vector<16xi32>], vector<16xf32>,
      %add3A_278 = arith.addf %gather3A_273, %gather3A_277 : vector<16xf32>
      %add3A_279 = arith.constant 2 : i32
      %add3A_280 = vector.broadcast %add3A_279 : i32 to vector<16xi32>
      %add3A_281 = arith.addi %broadcast_in_dim3A_3, %add3A_280 : vector<16xi32>
      %gather3A_282 = tpu.vector_load_idx %arg6[%add3A_263, %add3A_281] : memref<2000x8xf32, #tpu.memory_space<vmem>>[vector<16xi32>, vector<16xi32>], vector<16xf32>,
      %add3A_283 = arith.constant 5 : i32
      %add3A_284 = vector.broadcast %add3A_283 : i32 to vector<16xi32>
      %add3A_285 = arith.addi %broadcast_in_dim3A_3, %add3A_284 : vector<16xi32>
      %gather3A_286 = tpu.vector_load_idx %arg7[%add3A_263, %add3A_285] : memref<2000x8xf32, #tpu.memory_space<vmem>>[vector<16xi32>, vector<16xi32>], vector<16xf32>,
      %add3A_287 = arith.addf %gather3A_282, %gather3A_286 : vector<16xf32>
      %max3A_288 = arith.maximumf %add3A_269, %add3A_278 : vector<16xf32>
      %min3A_289 = arith.minimumf %add3A_269, %add3A_278 : vector<16xf32>
      %max3A_290 = arith.maximumf %max3A_288, %add3A_287 : vector<16xf32>
      %sub3A_291 = arith.subf %min3A_289, %max3A_290 : vector<16xf32>
      %min3A_292 = arith.minimumf %max3A_288, %add3A_287 : vector<16xf32>
      %sub3A_293 = arith.subf %min3A_292, %max3A_290 : vector<16xf32>
      %exp3A_294 = math.exp %sub3A_291 : vector<16xf32>
      %add3A_295 = arith.constant 1.000000e+00 : f32
      %add3A_296 = vector.broadcast %add3A_295 : f32 to vector<16xf32>
      %add3A_297 = arith.addf %add3A_296, %exp3A_294 : vector<16xf32>
      %exp3A_298 = math.exp %sub3A_293 : vector<16xf32>
      %add3A_299 = arith.addf %add3A_297, %exp3A_298 : vector<16xf32>
      %mul3A_300 = arith.constant 5.000000e-01 : f32
      %mul3A_301 = vector.broadcast %mul3A_300 : f32 to vector<16xf32>
      %mul3A_302 = arith.mulf %mul3A_301, %add3A_299 : vector<16xf32>
      %sub3A_303 = arith.constant 1.000000e+00 : f32
      %sub3A_304 = vector.broadcast %sub3A_303 : f32 to vector<16xf32>
      %sub3A_305 = arith.subf %mul3A_302, %sub3A_304 : vector<16xf32>
      %add3A_306 = arith.constant 1.000000e+00 : f32
      %add3A_307 = vector.broadcast %add3A_306 : f32 to vector<16xf32>
      %add3A_308 = arith.addf %mul3A_302, %add3A_307 : vector<16xf32>
      %div3A_309 = arith.divf %sub3A_305, %add3A_308 : vector<16xf32>
      %mul3A_310 = arith.mulf %div3A_309, %div3A_309 : vector<16xf32>
      %mul3A_311 = arith.constant 4.000000e-01 : f32
      %mul3A_312 = vector.broadcast %mul3A_311 : f32 to vector<16xf32>
      %mul3A_313 = arith.mulf %mul3A_310, %mul3A_312 : vector<16xf32>
      %add3A_314 = arith.constant 0.666666686 : f32
      %add3A_315 = vector.broadcast %add3A_314 : f32 to vector<16xf32>
      %add3A_316 = arith.addf %add3A_315, %mul3A_313 : vector<16xf32>
      %mul3A_317 = arith.mulf %mul3A_310, %add3A_316 : vector<16xf32>
      %add3A_318 = arith.constant 2.000000e+00 : f32
      %add3A_319 = vector.broadcast %add3A_318 : f32 to vector<16xf32>
      %add3A_320 = arith.addf %add3A_319, %mul3A_317 : vector<16xf32>
      %mul3A_321 = arith.mulf %div3A_309, %add3A_320 : vector<16xf32>
      %add3A_322 = arith.constant 0.693147182 : f32
      %add3A_323 = vector.broadcast %add3A_322 : f32 to vector<16xf32>
      %add3A_324 = arith.addf %add3A_323, %mul3A_321 : vector<16xf32>
      %add3A_325 = arith.addf %max3A_290, %add3A_324 : vector<16xf32>
      %sub3A_326 = arith.subf %add3A_269, %add3A_325 : vector<16xf32>
      %add3A_327 = arith.constant 0 : i32
      %add3A_328 = arith.addi %add3A_327, %add3A_261 : i32
      %swap3A_329 = arith.constant 0 : i32
      %swap3A_330 = arith.index_cast %swap3A_329 : i32 to index
      %swap3A_331 = arith.index_cast %add3A_328 : i32 to index
      %swap3A_332 = tpu.vector_load %arg10[%swap3A_330, %swap3A_331] {strides = array<i32>} : memref<3x10000xf32, #tpu.memory_space<vmem>>, vector<16xf32>,
      tpu.vector_store %arg10[%swap3A_330, %swap3A_331], %sub3A_326 {strides = array<i32>} : memref<3x10000xf32, #tpu.memory_space<vmem>>, vector<16xf32>,
      %sub3A_333 = arith.subf %add3A_278, %add3A_325 : vector<16xf32>
      %add3A_334 = arith.constant 0 : i32
      %add3A_335 = arith.addi %add3A_334, %add3A_261 : i32
      %swap3A_336 = arith.constant 1 : i32
      %swap3A_337 = arith.index_cast %swap3A_336 : i32 to index
      %swap3A_338 = arith.index_cast %add3A_335 : i32 to index
      %swap3A_339 = tpu.vector_load %arg10[%swap3A_337, %swap3A_338] {strides = array<i32>} : memref<3x10000xf32, #tpu.memory_space<vmem>>, vector<16xf32>,
      tpu.vector_store %arg10[%swap3A_337, %swap3A_338], %sub3A_333 {strides = array<i32>} : memref<3x10000xf32, #tpu.memory_space<vmem>>, vector<16xf32>,
      %sub3A_340 = arith.subf %add3A_287, %add3A_325 : vector<16xf32>
      %add3A_341 = arith.constant 0 : i32
      %add3A_342 = arith.addi %add3A_341, %add3A_261 : i32
      %swap3A_343 = arith.constant 2 : i32
      %swap3A_344 = arith.index_cast %swap3A_343 : i32 to index
      %swap3A_345 = arith.index_cast %add3A_342 : i32 to index
      %swap3A_346 = tpu.vector_load %arg10[%swap3A_344, %swap3A_345] {strides = array<i32>} : memref<3x10000xf32, #tpu.memory_space<vmem>>, vector<16xf32>,
      tpu.vector_store %arg10[%swap3A_344, %swap3A_345], %sub3A_340 {strides = array<i32>} : memref<3x10000xf32, #tpu.memory_space<vmem>>, vector<16xf32>,
      %add3A_347 = arith.constant 32 : i32
      %add3A_348 = arith.addi %mul3A_179, %add3A_347 : i32
      %add3A_349 = vector.broadcast %add3A_348 : i32 to vector<16xi32>
      %add3A_350 = arith.addi %iota3A, %add3A_349 : vector<16xi32>
      %gather3A_351 = tpu.vector_load_idx %arg6[%add3A_350, %broadcast_in_dim3A_3] : memref<2000x8xf32, #tpu.memory_space<vmem>>[vector<16xi32>, vector<16xi32>], vector<16xf32>,
      %add3A_352 = arith.constant 3 : i32
      %add3A_353 = vector.broadcast %add3A_352 : i32 to vector<16xi32>
      %add3A_354 = arith.addi %broadcast_in_dim3A_3, %add3A_353 : vector<16xi32>
      %gather3A_355 = tpu.vector_load_idx %arg7[%add3A_350, %add3A_354] : memref<2000x8xf32, #tpu.memory_space<vmem>>[vector<16xi32>, vector<16xi32>], vector<16xf32>,
      %add3A_356 = arith.addf %gather3A_351, %gather3A_355 : vector<16xf32>
      %add3A_357 = arith.constant 1 : i32
      %add3A_358 = vector.broadcast %add3A_357 : i32 to vector<16xi32>
      %add3A_359 = arith.addi %broadcast_in_dim3A_3, %add3A_358 : vector<16xi32>
      %gather3A_360 = tpu.vector_load_idx %arg6[%add3A_350, %add3A_359] : memref<2000x8xf32, #tpu.memory_space<vmem>>[vector<16xi32>, vector<16xi32>], vector<16xf32>,
      %add3A_361 = arith.constant 4 : i32
      %add3A_362 = vector.broadcast %add3A_361 : i32 to vector<16xi32>
      %add3A_363 = arith.addi %broadcast_in_dim3A_3, %add3A_362 : vector<16xi32>
      %gather3A_364 = tpu.vector_load_idx %arg7[%add3A_350, %add3A_363] : memref<2000x8xf32, #tpu.memory_space<vmem>>[vector<16xi32>, vector<16xi32>], vector<16xf32>,
      %add3A_365 = arith.addf %gather3A_360, %gather3A_364 : vector<16xf32>
      %add3A_366 = arith.constant 2 : i32
      %add3A_367 = vector.broadcast %add3A_366 : i32 to vector<16xi32>
      %add3A_368 = arith.addi %broadcast_in_dim3A_3, %add3A_367 : vector<16xi32>
      %gather3A_369 = tpu.vector_load_idx %arg6[%add3A_350, %add3A_368] : memref<2000x8xf32, #tpu.memory_space<vmem>>[vector<16xi32>, vector<16xi32>], vector<16xf32>,
      %add3A_370 = arith.constant 5 : i32
      %add3A_371 = vector.broadcast %add3A_370 : i32 to vector<16xi32>
      %add3A_372 = arith.addi %broadcast_in_dim3A_3, %add3A_371 : vector<16xi32>
      %gather3A_373 = tpu.vector_load_idx %arg7[%add3A_350, %add3A_372] : memref<2000x8xf32, #tpu.memory_space<vmem>>[vector<16xi32>, vector<16xi32>], vector<16xf32>,
      %add3A_374 = arith.addf %gather3A_369, %gather3A_373 : vector<16xf32>
      %max3A_375 = arith.maximumf %add3A_356, %add3A_365 : vector<16xf32>
      %min3A_376 = arith.minimumf %add3A_356, %add3A_365 : vector<16xf32>
      %max3A_377 = arith.maximumf %max3A_375, %add3A_374 : vector<16xf32>
      %sub3A_378 = arith.subf %min3A_376, %max3A_377 : vector<16xf32>
      %min3A_379 = arith.minimumf %max3A_375, %add3A_374 : vector<16xf32>
      %sub3A_380 = arith.subf %min3A_379, %max3A_377 : vector<16xf32>
      %exp3A_381 = math.exp %sub3A_378 : vector<16xf32>
      %add3A_382 = arith.constant 1.000000e+00 : f32
      %add3A_383 = vector.broadcast %add3A_382 : f32 to vector<16xf32>
      %add3A_384 = arith.addf %add3A_383, %exp3A_381 : vector<16xf32>
      %exp3A_385 = math.exp %sub3A_380 : vector<16xf32>
      %add3A_386 = arith.addf %add3A_384, %exp3A_385 : vector<16xf32>
      %mul3A_387 = arith.constant 5.000000e-01 : f32
      %mul3A_388 = vector.broadcast %mul3A_387 : f32 to vector<16xf32>
      %mul3A_389 = arith.mulf %mul3A_388, %add3A_386 : vector<16xf32>
      %sub3A_390 = arith.constant 1.000000e+00 : f32
      %sub3A_391 = vector.broadcast %sub3A_390 : f32 to vector<16xf32>
      %sub3A_392 = arith.subf %mul3A_389, %sub3A_391 : vector<16xf32>
      %add3A_393 = arith.constant 1.000000e+00 : f32
      %add3A_394 = vector.broadcast %add3A_393 : f32 to vector<16xf32>
      %add3A_395 = arith.addf %mul3A_389, %add3A_394 : vector<16xf32>
      %div3A_396 = arith.divf %sub3A_392, %add3A_395 : vector<16xf32>
      %mul3A_397 = arith.mulf %div3A_396, %div3A_396 : vector<16xf32>
      %mul3A_398 = arith.constant 4.000000e-01 : f32
      %mul3A_399 = vector.broadcast %mul3A_398 : f32 to vector<16xf32>
      %mul3A_400 = arith.mulf %mul3A_397, %mul3A_399 : vector<16xf32>
      %add3A_401 = arith.constant 0.666666686 : f32
      %add3A_402 = vector.broadcast %add3A_401 : f32 to vector<16xf32>
      %add3A_403 = arith.addf %add3A_402, %mul3A_400 : vector<16xf32>
      %mul3A_404 = arith.mulf %mul3A_397, %add3A_403 : vector<16xf32>
      %add3A_405 = arith.constant 2.000000e+00 : f32
      %add3A_406 = vector.broadcast %add3A_405 : f32 to vector<16xf32>
      %add3A_407 = arith.addf %add3A_406, %mul3A_404 : vector<16xf32>
      %mul3A_408 = arith.mulf %div3A_396, %add3A_407 : vector<16xf32>
      %add3A_409 = arith.constant 0.693147182 : f32
      %add3A_410 = vector.broadcast %add3A_409 : f32 to vector<16xf32>
      %add3A_411 = arith.addf %add3A_410, %mul3A_408 : vector<16xf32>
      %add3A_412 = arith.addf %max3A_377, %add3A_411 : vector<16xf32>
      %sub3A_413 = arith.subf %add3A_356, %add3A_412 : vector<16xf32>
      %add3A_414 = arith.constant 0 : i32
      %add3A_415 = arith.addi %add3A_414, %add3A_348 : i32
      %swap3A_416 = arith.constant 0 : i32
      %swap3A_417 = arith.index_cast %swap3A_416 : i32 to index
      %swap3A_418 = arith.index_cast %add3A_415 : i32 to index
      %swap3A_419 = tpu.vector_load %arg10[%swap3A_417, %swap3A_418] {strides = array<i32>} : memref<3x10000xf32, #tpu.memory_space<vmem>>, vector<16xf32>,
      tpu.vector_store %arg10[%swap3A_417, %swap3A_418], %sub3A_413 {strides = array<i32>} : memref<3x10000xf32, #tpu.memory_space<vmem>>, vector<16xf32>,
      %sub3A_420 = arith.subf %add3A_365, %add3A_412 : vector<16xf32>
      %add3A_421 = arith.constant 0 : i32
      %add3A_422 = arith.addi %add3A_421, %add3A_348 : i32
      %swap3A_423 = arith.constant 1 : i32
      %swap3A_424 = arith.index_cast %swap3A_423 : i32 to index
      %swap3A_425 = arith.index_cast %add3A_422 : i32 to index
      %swap3A_426 = tpu.vector_load %arg10[%swap3A_424, %swap3A_425] {strides = array<i32>} : memref<3x10000xf32, #tpu.memory_space<vmem>>, vector<16xf32>,
      tpu.vector_store %arg10[%swap3A_424, %swap3A_425], %sub3A_420 {strides = array<i32>} : memref<3x10000xf32, #tpu.memory_space<vmem>>, vector<16xf32>,
      %sub3A_427 = arith.subf %add3A_374, %add3A_412 : vector<16xf32>
      %add3A_428 = arith.constant 0 : i32
      %add3A_429 = arith.addi %add3A_428, %add3A_348 : i32
      %swap3A_430 = arith.constant 2 : i32
      %swap3A_431 = arith.index_cast %swap3A_430 : i32 to index
      %swap3A_432 = arith.index_cast %add3A_429 : i32 to index
      %swap3A_433 = tpu.vector_load %arg10[%swap3A_431, %swap3A_432] {strides = array<i32>} : memref<3x10000xf32, #tpu.memory_space<vmem>>, vector<16xf32>,
      tpu.vector_store %arg10[%swap3A_431, %swap3A_432], %sub3A_427 {strides = array<i32>} : memref<3x10000xf32, #tpu.memory_space<vmem>>, vector<16xf32>,
      %add3A_434 = arith.constant 48 : i32
      %add3A_435 = arith.addi %mul3A_179, %add3A_434 : i32
      %add3A_436 = vector.broadcast %add3A_435 : i32 to vector<16xi32>
      %add3A_437 = arith.addi %iota3A, %add3A_436 : vector<16xi32>
      %gather3A_438 = tpu.vector_load_idx %arg6[%add3A_437, %broadcast_in_dim3A_3] : memref<2000x8xf32, #tpu.memory_space<vmem>>[vector<16xi32>, vector<16xi32>], vector<16xf32>,
      %add3A_439 = arith.constant 3 : i32
      %add3A_440 = vector.broadcast %add3A_439 : i32 to vector<16xi32>
      %add3A_441 = arith.addi %broadcast_in_dim3A_3, %add3A_440 : vector<16xi32>
      %gather3A_442 = tpu.vector_load_idx %arg7[%add3A_437, %add3A_441] : memref<2000x8xf32, #tpu.memory_space<vmem>>[vector<16xi32>, vector<16xi32>], vector<16xf32>,
      %add3A_443 = arith.addf %gather3A_438, %gather3A_442 : vector<16xf32>
      %add3A_444 = arith.constant 1 : i32
      %add3A_445 = vector.broadcast %add3A_444 : i32 to vector<16xi32>
      %add3A_446 = arith.addi %broadcast_in_dim3A_3, %add3A_445 : vector<16xi32>
      %gather3A_447 = tpu.vector_load_idx %arg6[%add3A_437, %add3A_446] : memref<2000x8xf32, #tpu.memory_space<vmem>>[vector<16xi32>, vector<16xi32>], vector<16xf32>,
      %add3A_448 = arith.constant 4 : i32
      %add3A_449 = vector.broadcast %add3A_448 : i32 to vector<16xi32>
      %add3A_450 = arith.addi %broadcast_in_dim3A_3, %add3A_449 : vector<16xi32>
      %gather3A_451 = tpu.vector_load_idx %arg7[%add3A_437, %add3A_450] : memref<2000x8xf32, #tpu.memory_space<vmem>>[vector<16xi32>, vector<16xi32>], vector<16xf32>,
      %add3A_452 = arith.addf %gather3A_447, %gather3A_451 : vector<16xf32>
      %add3A_453 = arith.constant 2 : i32
      %add3A_454 = vector.broadcast %add3A_453 : i32 to vector<16xi32>
      %add3A_455 = arith.addi %broadcast_in_dim3A_3, %add3A_454 : vector<16xi32>
      %gather3A_456 = tpu.vector_load_idx %arg6[%add3A_437, %add3A_455] : memref<2000x8xf32, #tpu.memory_space<vmem>>[vector<16xi32>, vector<16xi32>], vector<16xf32>,
      %add3A_457 = arith.constant 5 : i32
      %add3A_458 = vector.broadcast %add3A_457 : i32 to vector<16xi32>
      %add3A_459 = arith.addi %broadcast_in_dim3A_3, %add3A_458 : vector<16xi32>
      %gather3A_460 = tpu.vector_load_idx %arg7[%add3A_437, %add3A_459] : memref<2000x8xf32, #tpu.memory_space<vmem>>[vector<16xi32>, vector<16xi32>], vector<16xf32>,
      %add3A_461 = arith.addf %gather3A_456, %gather3A_460 : vector<16xf32>
      %max3A_462 = arith.maximumf %add3A_443, %add3A_452 : vector<16xf32>
      %min3A_463 = arith.minimumf %add3A_443, %add3A_452 : vector<16xf32>
      %max3A_464 = arith.maximumf %max3A_462, %add3A_461 : vector<16xf32>
      %sub3A_465 = arith.subf %min3A_463, %max3A_464 : vector<16xf32>
      %min3A_466 = arith.minimumf %max3A_462, %add3A_461 : vector<16xf32>
      %sub3A_467 = arith.subf %min3A_466, %max3A_464 : vector<16xf32>
      %exp3A_468 = math.exp %sub3A_465 : vector<16xf32>
      %add3A_469 = arith.constant 1.000000e+00 : f32
      %add3A_470 = vector.broadcast %add3A_469 : f32 to vector<16xf32>
      %add3A_471 = arith.addf %add3A_470, %exp3A_468 : vector<16xf32>
      %exp3A_472 = math.exp %sub3A_467 : vector<16xf32>
      %add3A_473 = arith.addf %add3A_471, %exp3A_472 : vector<16xf32>
      %mul3A_474 = arith.constant 5.000000e-01 : f32
      %mul3A_475 = vector.broadcast %mul3A_474 : f32 to vector<16xf32>
      %mul3A_476 = arith.mulf %mul3A_475, %add3A_473 : vector<16xf32>
      %sub3A_477 = arith.constant 1.000000e+00 : f32
      %sub3A_478 = vector.broadcast %sub3A_477 : f32 to vector<16xf32>
      %sub3A_479 = arith.subf %mul3A_476, %sub3A_478 : vector<16xf32>
      %add3A_480 = arith.constant 1.000000e+00 : f32
      %add3A_481 = vector.broadcast %add3A_480 : f32 to vector<16xf32>
      %add3A_482 = arith.addf %mul3A_476, %add3A_481 : vector<16xf32>
      %div3A_483 = arith.divf %sub3A_479, %add3A_482 : vector<16xf32>
      %mul3A_484 = arith.mulf %div3A_483, %div3A_483 : vector<16xf32>
      %mul3A_485 = arith.constant 4.000000e-01 : f32
      %mul3A_486 = vector.broadcast %mul3A_485 : f32 to vector<16xf32>
      %mul3A_487 = arith.mulf %mul3A_484, %mul3A_486 : vector<16xf32>
      %add3A_488 = arith.constant 0.666666686 : f32
      %add3A_489 = vector.broadcast %add3A_488 : f32 to vector<16xf32>
      %add3A_490 = arith.addf %add3A_489, %mul3A_487 : vector<16xf32>
      %mul3A_491 = arith.mulf %mul3A_484, %add3A_490 : vector<16xf32>
      %add3A_492 = arith.constant 2.000000e+00 : f32
      %add3A_493 = vector.broadcast %add3A_492 : f32 to vector<16xf32>
      %add3A_494 = arith.addf %add3A_493, %mul3A_491 : vector<16xf32>
      %mul3A_495 = arith.mulf %div3A_483, %add3A_494 : vector<16xf32>
      %add3A_496 = arith.constant 0.693147182 : f32
      %add3A_497 = vector.broadcast %add3A_496 : f32 to vector<16xf32>
      %add3A_498 = arith.addf %add3A_497, %mul3A_495 : vector<16xf32>
      %add3A_499 = arith.addf %max3A_464, %add3A_498 : vector<16xf32>
      %sub3A_500 = arith.subf %add3A_443, %add3A_499 : vector<16xf32>
      %add3A_501 = arith.constant 0 : i32
      %add3A_502 = arith.addi %add3A_501, %add3A_435 : i32
      %swap3A_503 = arith.constant 0 : i32
      %swap3A_504 = arith.index_cast %swap3A_503 : i32 to index
      %swap3A_505 = arith.index_cast %add3A_502 : i32 to index
      %swap3A_506 = tpu.vector_load %arg10[%swap3A_504, %swap3A_505] {strides = array<i32>} : memref<3x10000xf32, #tpu.memory_space<vmem>>, vector<16xf32>,
      tpu.vector_store %arg10[%swap3A_504, %swap3A_505], %sub3A_500 {strides = array<i32>} : memref<3x10000xf32, #tpu.memory_space<vmem>>, vector<16xf32>,
      %sub3A_507 = arith.subf %add3A_452, %add3A_499 : vector<16xf32>
      %add3A_508 = arith.constant 0 : i32
      %add3A_509 = arith.addi %add3A_508, %add3A_435 : i32
      %swap3A_510 = arith.constant 1 : i32
      %swap3A_511 = arith.index_cast %swap3A_510 : i32 to index
      %swap3A_512 = arith.index_cast %add3A_509 : i32 to index
      %swap3A_513 = tpu.vector_load %arg10[%swap3A_511, %swap3A_512] {strides = array<i32>} : memref<3x10000xf32, #tpu.memory_space<vmem>>, vector<16xf32>,
      tpu.vector_store %arg10[%swap3A_511, %swap3A_512], %sub3A_507 {strides = array<i32>} : memref<3x10000xf32, #tpu.memory_space<vmem>>, vector<16xf32>,
      %sub3A_514 = arith.subf %add3A_461, %add3A_499 : vector<16xf32>
      %add3A_515 = arith.constant 0 : i32
      %add3A_516 = arith.addi %add3A_515, %add3A_435 : i32
      %swap3A_517 = arith.constant 2 : i32
      %swap3A_518 = arith.index_cast %swap3A_517 : i32 to index
      %swap3A_519 = arith.index_cast %add3A_516 : i32 to index
      %swap3A_520 = tpu.vector_load %arg10[%swap3A_518, %swap3A_519] {strides = array<i32>} : memref<3x10000xf32, #tpu.memory_space<vmem>>, vector<16xf32>,
      tpu.vector_store %arg10[%swap3A_518, %swap3A_519], %sub3A_514 {strides = array<i32>} : memref<3x10000xf32, #tpu.memory_space<vmem>>, vector<16xf32>,
      %add3A_521 = arith.constant 64 : i32
      %add3A_522 = arith.addi %mul3A_179, %add3A_521 : i32
      %add3A_523 = vector.broadcast %add3A_522 : i32 to vector<16xi32>
      %add3A_524 = arith.addi %iota3A, %add3A_523 : vector<16xi32>
      %gather3A_525 = tpu.vector_load_idx %arg6[%add3A_524, %broadcast_in_dim3A_3] : memref<2000x8xf32, #tpu.memory_space<vmem>>[vector<16xi32>, vector<16xi32>], vector<16xf32>,
      %add3A_526 = arith.constant 3 : i32
      %add3A_527 = vector.broadcast %add3A_526 : i32 to vector<16xi32>
      %add3A_528 = arith.addi %broadcast_in_dim3A_3, %add3A_527 : vector<16xi32>
      %gather3A_529 = tpu.vector_load_idx %arg7[%add3A_524, %add3A_528] : memref<2000x8xf32, #tpu.memory_space<vmem>>[vector<16xi32>, vector<16xi32>], vector<16xf32>,
      %add3A_530 = arith.addf %gather3A_525, %gather3A_529 : vector<16xf32>
      %add3A_531 = arith.constant 1 : i32
      %add3A_532 = vector.broadcast %add3A_531 : i32 to vector<16xi32>
      %add3A_533 = arith.addi %broadcast_in_dim3A_3, %add3A_532 : vector<16xi32>
      %gather3A_534 = tpu.vector_load_idx %arg6[%add3A_524, %add3A_533] : memref<2000x8xf32, #tpu.memory_space<vmem>>[vector<16xi32>, vector<16xi32>], vector<16xf32>,
      %add3A_535 = arith.constant 4 : i32
      %add3A_536 = vector.broadcast %add3A_535 : i32 to vector<16xi32>
      %add3A_537 = arith.addi %broadcast_in_dim3A_3, %add3A_536 : vector<16xi32>
      %gather3A_538 = tpu.vector_load_idx %arg7[%add3A_524, %add3A_537] : memref<2000x8xf32, #tpu.memory_space<vmem>>[vector<16xi32>, vector<16xi32>], vector<16xf32>,
      %add3A_539 = arith.addf %gather3A_534, %gather3A_538 : vector<16xf32>
      %add3A_540 = arith.constant 2 : i32
      %add3A_541 = vector.broadcast %add3A_540 : i32 to vector<16xi32>
      %add3A_542 = arith.addi %broadcast_in_dim3A_3, %add3A_541 : vector<16xi32>
      %gather3A_543 = tpu.vector_load_idx %arg6[%add3A_524, %add3A_542] : memref<2000x8xf32, #tpu.memory_space<vmem>>[vector<16xi32>, vector<16xi32>], vector<16xf32>,
      %add3A_544 = arith.constant 5 : i32
      %add3A_545 = vector.broadcast %add3A_544 : i32 to vector<16xi32>
      %add3A_546 = arith.addi %broadcast_in_dim3A_3, %add3A_545 : vector<16xi32>
      %gather3A_547 = tpu.vector_load_idx %arg7[%add3A_524, %add3A_546] : memref<2000x8xf32, #tpu.memory_space<vmem>>[vector<16xi32>, vector<16xi32>], vector<16xf32>,
      %add3A_548 = arith.addf %gather3A_543, %gather3A_547 : vector<16xf32>
      %max3A_549 = arith.maximumf %add3A_530, %add3A_539 : vector<16xf32>
      %min3A_550 = arith.minimumf %add3A_530, %add3A_539 : vector<16xf32>
      %max3A_551 = arith.maximumf %max3A_549, %add3A_548 : vector<16xf32>
      %sub3A_552 = arith.subf %min3A_550, %max3A_551 : vector<16xf32>
      %min3A_553 = arith.minimumf %max3A_549, %add3A_548 : vector<16xf32>
      %sub3A_554 = arith.subf %min3A_553, %max3A_551 : vector<16xf32>
      %exp3A_555 = math.exp %sub3A_552 : vector<16xf32>
      %add3A_556 = arith.constant 1.000000e+00 : f32
      %add3A_557 = vector.broadcast %add3A_556 : f32 to vector<16xf32>
      %add3A_558 = arith.addf %add3A_557, %exp3A_555 : vector<16xf32>
      %exp3A_559 = math.exp %sub3A_554 : vector<16xf32>
      %add3A_560 = arith.addf %add3A_558, %exp3A_559 : vector<16xf32>
      %mul3A_561 = arith.constant 5.000000e-01 : f32
      %mul3A_562 = vector.broadcast %mul3A_561 : f32 to vector<16xf32>
      %mul3A_563 = arith.mulf %mul3A_562, %add3A_560 : vector<16xf32>
      %sub3A_564 = arith.constant 1.000000e+00 : f32
      %sub3A_565 = vector.broadcast %sub3A_564 : f32 to vector<16xf32>
      %sub3A_566 = arith.subf %mul3A_563, %sub3A_565 : vector<16xf32>
      %add3A_567 = arith.constant 1.000000e+00 : f32
      %add3A_568 = vector.broadcast %add3A_567 : f32 to vector<16xf32>
      %add3A_569 = arith.addf %mul3A_563, %add3A_568 : vector<16xf32>
      %div3A_570 = arith.divf %sub3A_566, %add3A_569 : vector<16xf32>
      %mul3A_571 = arith.mulf %div3A_570, %div3A_570 : vector<16xf32>
      %mul3A_572 = arith.constant 4.000000e-01 : f32
      %mul3A_573 = vector.broadcast %mul3A_572 : f32 to vector<16xf32>
      %mul3A_574 = arith.mulf %mul3A_571, %mul3A_573 : vector<16xf32>
      %add3A_575 = arith.constant 0.666666686 : f32
      %add3A_576 = vector.broadcast %add3A_575 : f32 to vector<16xf32>
      %add3A_577 = arith.addf %add3A_576, %mul3A_574 : vector<16xf32>
      %mul3A_578 = arith.mulf %mul3A_571, %add3A_577 : vector<16xf32>
      %add3A_579 = arith.constant 2.000000e+00 : f32
      %add3A_580 = vector.broadcast %add3A_579 : f32 to vector<16xf32>
      %add3A_581 = arith.addf %add3A_580, %mul3A_578 : vector<16xf32>
      %mul3A_582 = arith.mulf %div3A_570, %add3A_581 : vector<16xf32>
      %add3A_583 = arith.constant 0.693147182 : f32
      %add3A_584 = vector.broadcast %add3A_583 : f32 to vector<16xf32>
      %add3A_585 = arith.addf %add3A_584, %mul3A_582 : vector<16xf32>
      %add3A_586 = arith.addf %max3A_551, %add3A_585 : vector<16xf32>
      %sub3A_587 = arith.subf %add3A_530, %add3A_586 : vector<16xf32>
      %add3A_588 = arith.constant 0 : i32
      %add3A_589 = arith.addi %add3A_588, %add3A_522 : i32
      %swap3A_590 = arith.constant 0 : i32
      %swap3A_591 = arith.index_cast %swap3A_590 : i32 to index
      %swap3A_592 = arith.index_cast %add3A_589 : i32 to index
      %swap3A_593 = tpu.vector_load %arg10[%swap3A_591, %swap3A_592] {strides = array<i32>} : memref<3x10000xf32, #tpu.memory_space<vmem>>, vector<16xf32>,
      tpu.vector_store %arg10[%swap3A_591, %swap3A_592], %sub3A_587 {strides = array<i32>} : memref<3x10000xf32, #tpu.memory_space<vmem>>, vector<16xf32>,
      %sub3A_594 = arith.subf %add3A_539, %add3A_586 : vector<16xf32>
      %add3A_595 = arith.constant 0 : i32
      %add3A_596 = arith.addi %add3A_595, %add3A_522 : i32
      %swap3A_597 = arith.constant 1 : i32
      %swap3A_598 = arith.index_cast %swap3A_597 : i32 to index
      %swap3A_599 = arith.index_cast %add3A_596 : i32 to index
      %swap3A_600 = tpu.vector_load %arg10[%swap3A_598, %swap3A_599] {strides = array<i32>} : memref<3x10000xf32, #tpu.memory_space<vmem>>, vector<16xf32>,
      tpu.vector_store %arg10[%swap3A_598, %swap3A_599], %sub3A_594 {strides = array<i32>} : memref<3x10000xf32, #tpu.memory_space<vmem>>, vector<16xf32>,
      %sub3A_601 = arith.subf %add3A_548, %add3A_586 : vector<16xf32>
      %add3A_602 = arith.constant 0 : i32
      %add3A_603 = arith.addi %add3A_602, %add3A_522 : i32
      %swap3A_604 = arith.constant 2 : i32
      %swap3A_605 = arith.index_cast %swap3A_604 : i32 to index
      %swap3A_606 = arith.index_cast %add3A_603 : i32 to index
      %swap3A_607 = tpu.vector_load %arg10[%swap3A_605, %swap3A_606] {strides = array<i32>} : memref<3x10000xf32, #tpu.memory_space<vmem>>, vector<16xf32>,
      tpu.vector_store %arg10[%swap3A_605, %swap3A_606], %sub3A_601 {strides = array<i32>} : memref<3x10000xf32, #tpu.memory_space<vmem>>, vector<16xf32>,
      %scan3A_608 = arith.constant 0 : i32
      scf.yield %scan3A_608 : i32
    }
    %scan3A_49 = arith.constant 25 : i32
    %dma_start3A_50 = arith.constant 0 : i32
    %dma_start3A_51 = arith.constant 4000 : i32
    %dma_start3A_52 = tpu.memref_slice %arg5[%dma_start3A_50, %dma_start3A_51] : memref<2x10000xi32, #tpu.memory_space<vmem>> -> memref<1x2000xi32, #tpu.memory_space<vmem>>
    %dma_start3A_53 = tpu.memref_squeeze %dma_start3A_52 : memref<1x2000xi32, #tpu.memory_space<vmem>> -> memref<2000xi32, #tpu.memory_space<vmem>>
    %dma_start3A_54 = arith.constant 0 : i32
    %dma_start3A_55 = arith.constant 0 : i32
    %dma_start3A_56 = tpu.memref_slice %arg2[%dma_start3A_54, %dma_start3A_55] : memref<10000x8xf32, #tpu.memory_space<hbm>> -> memref<10000x8xf32, #tpu.memory_space<hbm>>
    tpu.enqueue_indirect_dma source(%dma_start3A_56 : memref<10000x8xf32, #tpu.memory_space<hbm>>) target(%arg6 : memref<2000x8xf32, #tpu.memory_space<vmem>>) offsets(%dma_start3A_53 : memref<2000xi32, #tpu.memory_space<vmem>>) semaphore(%arg11 : memref<!tpu.dma_semaphore, #tpu.memory_space<semaphore_mem>>)
    %dma_start3A_57 = arith.constant 1 : i32
    %dma_start3A_58 = arith.constant 4000 : i32
    %dma_start3A_59 = tpu.memref_slice %arg5[%dma_start3A_57, %dma_start3A_58] : memref<2x10000xi32, #tpu.memory_space<vmem>> -> memref<1x2000xi32, #tpu.memory_space<vmem>>
    %dma_start3A_60 = tpu.memref_squeeze %dma_start3A_59 : memref<1x2000xi32, #tpu.memory_space<vmem>> -> memref<2000xi32, #tpu.memory_space<vmem>>
    %dma_start3A_61 = arith.constant 0 : i32
    %dma_start3A_62 = arith.constant 0 : i32
    %dma_start3A_63 = tpu.memref_slice %arg2[%dma_start3A_61, %dma_start3A_62] : memref<10000x8xf32, #tpu.memory_space<hbm>> -> memref<10000x8xf32, #tpu.memory_space<hbm>>
    tpu.enqueue_indirect_dma source(%dma_start3A_63 : memref<10000x8xf32, #tpu.memory_space<hbm>>) target(%arg7 : memref<2000x8xf32, #tpu.memory_space<vmem>>) offsets(%dma_start3A_60 : memref<2000xi32, #tpu.memory_space<vmem>>) semaphore(%arg11 : memref<!tpu.dma_semaphore, #tpu.memory_space<semaphore_mem>>)
    %dma_wait3A_64 = arith.constant 0 : i32
    %dma_wait3A_65 = arith.constant 2000 : i32
    %dma_wait3A_66 = tpu.memref_slice %arg5[%dma_wait3A_64, %dma_wait3A_65] : memref<2x10000xi32, #tpu.memory_space<vmem>> -> memref<1x2000xi32, #tpu.memory_space<vmem>>
    %dma_wait3A_67 = tpu.memref_squeeze %dma_wait3A_66 : memref<1x2000xi32, #tpu.memory_space<vmem>> -> memref<2000xi32, #tpu.memory_space<vmem>>
    %dma_wait3A_68 = arith.constant 0 : i32
    %dma_wait3A_69 = arith.constant 0 : i32
    %dma_wait3A_70 = tpu.memref_slice %arg2[%dma_wait3A_68, %dma_wait3A_69] : memref<10000x8xf32, #tpu.memory_space<hbm>> -> memref<10000x8xf32, #tpu.memory_space<hbm>>
    tpu.wait_indirect_dma semaphore(%arg12 : memref<!tpu.dma_semaphore, #tpu.memory_space<semaphore_mem>>) src(%dma_wait3A_70 : memref<10000x8xf32, #tpu.memory_space<hbm>>) dst(%arg8 : memref<2000x8xf32, #tpu.memory_space<vmem>>)
    %dma_wait3A_71 = arith.constant 1 : i32
    %dma_wait3A_72 = arith.constant 2000 : i32
    %dma_wait3A_73 = tpu.memref_slice %arg5[%dma_wait3A_71, %dma_wait3A_72] : memref<2x10000xi32, #tpu.memory_space<vmem>> -> memref<1x2000xi32, #tpu.memory_space<vmem>>
    %dma_wait3A_74 = tpu.memref_squeeze %dma_wait3A_73 : memref<1x2000xi32, #tpu.memory_space<vmem>> -> memref<2000xi32, #tpu.memory_space<vmem>>
    %dma_wait3A_75 = arith.constant 0 : i32
    %dma_wait3A_76 = arith.constant 0 : i32
    %dma_wait3A_77 = tpu.memref_slice %arg2[%dma_wait3A_75, %dma_wait3A_76] : memref<10000x8xf32, #tpu.memory_space<hbm>> -> memref<10000x8xf32, #tpu.memory_space<hbm>>
    tpu.wait_indirect_dma semaphore(%arg12 : memref<!tpu.dma_semaphore, #tpu.memory_space<semaphore_mem>>) src(%dma_wait3A_77 : memref<10000x8xf32, #tpu.memory_space<hbm>>) dst(%arg9 : memref<2000x8xf32, #tpu.memory_space<vmem>>)
    %scan3A_78 = arith.constant 0 : i32
    %scan3A_79 = arith.constant 0 : i32
    %scan3A_80 = arith.constant 25 : i32
    %scan3A_81 = arith.addi %scan3A_79, %scan3A_80 : i32
    %scan3A_82 = arith.constant 1 : i32
    %scan3A_83 = scf.for %scan3A_176 = %scan3A_79 to %scan3A_81 step %scan3A_82 iter_args(%scan3A_177 = %scan3A_78) -> (i32)  : i32 {
      %mul3A_178 = arith.constant 80 : i32
      %mul3A_179 = arith.muli %scan3A_176, %mul3A_178 : i32
      %add3A_180 = arith.constant 0 : i32
      %add3A_181 = arith.addi %mul3A_179, %add3A_180 : i32
      %add3A_182 = vector.broadcast %add3A_181 : i32 to vector<16xi32>
      %add3A_183 = arith.addi %iota3A, %add3A_182 : vector<16xi32>
      %gather3A = tpu.vector_load_idx %arg8[%add3A_183, %broadcast_in_dim3A_3] : memref<2000x8xf32, #tpu.memory_space<vmem>>[vector<16xi32>, vector<16xi32>], vector<16xf32>,
      %add3A_184 = arith.constant 3 : i32
      %add3A_185 = vector.broadcast %add3A_184 : i32 to vector<16xi32>
      %add3A_186 = arith.addi %broadcast_in_dim3A_3, %add3A_185 : vector<16xi32>
      %gather3A_187 = tpu.vector_load_idx %arg9[%add3A_183, %add3A_186] : memref<2000x8xf32, #tpu.memory_space<vmem>>[vector<16xi32>, vector<16xi32>], vector<16xf32>,
      %add3A_188 = arith.addf %gather3A, %gather3A_187 : vector<16xf32>
      %add3A_189 = arith.constant 1 : i32
      %add3A_190 = vector.broadcast %add3A_189 : i32 to vector<16xi32>
      %add3A_191 = arith.addi %broadcast_in_dim3A_3, %add3A_190 : vector<16xi32>
      %gather3A_192 = tpu.vector_load_idx %arg8[%add3A_183, %add3A_191] : memref<2000x8xf32, #tpu.memory_space<vmem>>[vector<16xi32>, vector<16xi32>], vector<16xf32>,
      %add3A_193 = arith.constant 4 : i32
      %add3A_194 = vector.broadcast %add3A_193 : i32 to vector<16xi32>
      %add3A_195 = arith.addi %broadcast_in_dim3A_3, %add3A_194 : vector<16xi32>
      %gather3A_196 = tpu.vector_load_idx %arg9[%add3A_183, %add3A_195] : memref<2000x8xf32, #tpu.memory_space<vmem>>[vector<16xi32>, vector<16xi32>], vector<16xf32>,
      %add3A_197 = arith.addf %gather3A_192, %gather3A_196 : vector<16xf32>
      %add3A_198 = arith.constant 2 : i32
      %add3A_199 = vector.broadcast %add3A_198 : i32 to vector<16xi32>
      %add3A_200 = arith.addi %broadcast_in_dim3A_3, %add3A_199 : vector<16xi32>
      %gather3A_201 = tpu.vector_load_idx %arg8[%add3A_183, %add3A_200] : memref<2000x8xf32, #tpu.memory_space<vmem>>[vector<16xi32>, vector<16xi32>], vector<16xf32>,
      %add3A_202 = arith.constant 5 : i32
      %add3A_203 = vector.broadcast %add3A_202 : i32 to vector<16xi32>
      %add3A_204 = arith.addi %broadcast_in_dim3A_3, %add3A_203 : vector<16xi32>
      %gather3A_205 = tpu.vector_load_idx %arg9[%add3A_183, %add3A_204] : memref<2000x8xf32, #tpu.memory_space<vmem>>[vector<16xi32>, vector<16xi32>], vector<16xf32>,
      %add3A_206 = arith.addf %gather3A_201, %gather3A_205 : vector<16xf32>
      %max3A = arith.maximumf %add3A_188, %add3A_197 : vector<16xf32>
      %min3A = arith.minimumf %add3A_188, %add3A_197 : vector<16xf32>
      %max3A_207 = arith.maximumf %max3A, %add3A_206 : vector<16xf32>
      %sub3A = arith.subf %min3A, %max3A_207 : vector<16xf32>
      %min3A_208 = arith.minimumf %max3A, %add3A_206 : vector<16xf32>
      %sub3A_209 = arith.subf %min3A_208, %max3A_207 : vector<16xf32>
      %exp3A = math.exp %sub3A : vector<16xf32>
      %add3A_210 = arith.constant 1.000000e+00 : f32
      %add3A_211 = vector.broadcast %add3A_210 : f32 to vector<16xf32>
      %add3A_212 = arith.addf %add3A_211, %exp3A : vector<16xf32>
      %exp3A_213 = math.exp %sub3A_209 : vector<16xf32>
      %add3A_214 = arith.addf %add3A_212, %exp3A_213 : vector<16xf32>
      %mul3A_215 = arith.constant 5.000000e-01 : f32
      %mul3A_216 = vector.broadcast %mul3A_215 : f32 to vector<16xf32>
      %mul3A_217 = arith.mulf %mul3A_216, %add3A_214 : vector<16xf32>
      %sub3A_218 = arith.constant 1.000000e+00 : f32
      %sub3A_219 = vector.broadcast %sub3A_218 : f32 to vector<16xf32>
      %sub3A_220 = arith.subf %mul3A_217, %sub3A_219 : vector<16xf32>
      %add3A_221 = arith.constant 1.000000e+00 : f32
      %add3A_222 = vector.broadcast %add3A_221 : f32 to vector<16xf32>
      %add3A_223 = arith.addf %mul3A_217, %add3A_222 : vector<16xf32>
      %div3A = arith.divf %sub3A_220, %add3A_223 : vector<16xf32>
      %mul3A_224 = arith.mulf %div3A, %div3A : vector<16xf32>
      %mul3A_225 = arith.constant 4.000000e-01 : f32
      %mul3A_226 = vector.broadcast %mul3A_225 : f32 to vector<16xf32>
      %mul3A_227 = arith.mulf %mul3A_224, %mul3A_226 : vector<16xf32>
      %add3A_228 = arith.constant 0.666666686 : f32
      %add3A_229 = vector.broadcast %add3A_228 : f32 to vector<16xf32>
      %add3A_230 = arith.addf %add3A_229, %mul3A_227 : vector<16xf32>
      %mul3A_231 = arith.mulf %mul3A_224, %add3A_230 : vector<16xf32>
      %add3A_232 = arith.constant 2.000000e+00 : f32
      %add3A_233 = vector.broadcast %add3A_232 : f32 to vector<16xf32>
      %add3A_234 = arith.addf %add3A_233, %mul3A_231 : vector<16xf32>
      %mul3A_235 = arith.mulf %div3A, %add3A_234 : vector<16xf32>
      %add3A_236 = arith.constant 0.693147182 : f32
      %add3A_237 = vector.broadcast %add3A_236 : f32 to vector<16xf32>
      %add3A_238 = arith.addf %add3A_237, %mul3A_235 : vector<16xf32>
      %add3A_239 = arith.addf %max3A_207, %add3A_238 : vector<16xf32>
      %sub3A_240 = arith.subf %add3A_188, %add3A_239 : vector<16xf32>
      %add3A_241 = arith.constant 2000 : i32
      %add3A_242 = arith.addi %add3A_241, %add3A_181 : i32
      %swap3A = arith.constant 0 : i32
      %swap3A_243 = arith.index_cast %swap3A : i32 to index
      %swap3A_244 = arith.index_cast %add3A_242 : i32 to index
      %swap3A_245 = tpu.vector_load %arg10[%swap3A_243, %swap3A_244] {strides = array<i32>} : memref<3x10000xf32, #tpu.memory_space<vmem>>, vector<16xf32>,
      tpu.vector_store %arg10[%swap3A_243, %swap3A_244], %sub3A_240 {strides = array<i32>} : memref<3x10000xf32, #tpu.memory_space<vmem>>, vector<16xf32>,
      %sub3A_246 = arith.subf %add3A_197, %add3A_239 : vector<16xf32>
      %add3A_247 = arith.constant 2000 : i32
      %add3A_248 = arith.addi %add3A_247, %add3A_181 : i32
      %swap3A_249 = arith.constant 1 : i32
      %swap3A_250 = arith.index_cast %swap3A_249 : i32 to index
      %swap3A_251 = arith.index_cast %add3A_248 : i32 to index
      %swap3A_252 = tpu.vector_load %arg10[%swap3A_250, %swap3A_251] {strides = array<i32>} : memref<3x10000xf32, #tpu.memory_space<vmem>>, vector<16xf32>,
      tpu.vector_store %arg10[%swap3A_250, %swap3A_251], %sub3A_246 {strides = array<i32>} : memref<3x10000xf32, #tpu.memory_space<vmem>>, vector<16xf32>,
      %sub3A_253 = arith.subf %add3A_206, %add3A_239 : vector<16xf32>
      %add3A_254 = arith.constant 2000 : i32
      %add3A_255 = arith.addi %add3A_254, %add3A_181 : i32
      %swap3A_256 = arith.constant 2 : i32
      %swap3A_257 = arith.index_cast %swap3A_256 : i32 to index
      %swap3A_258 = arith.index_cast %add3A_255 : i32 to index
      %swap3A_259 = tpu.vector_load %arg10[%swap3A_257, %swap3A_258] {strides = array<i32>} : memref<3x10000xf32, #tpu.memory_space<vmem>>, vector<16xf32>,
      tpu.vector_store %arg10[%swap3A_257, %swap3A_258], %sub3A_253 {strides = array<i32>} : memref<3x10000xf32, #tpu.memory_space<vmem>>, vector<16xf32>,
      %add3A_260 = arith.constant 16 : i32
      %add3A_261 = arith.addi %mul3A_179, %add3A_260 : i32
      %add3A_262 = vector.broadcast %add3A_261 : i32 to vector<16xi32>
      %add3A_263 = arith.addi %iota3A, %add3A_262 : vector<16xi32>
      %gather3A_264 = tpu.vector_load_idx %arg8[%add3A_263, %broadcast_in_dim3A_3] : memref<2000x8xf32, #tpu.memory_space<vmem>>[vector<16xi32>, vector<16xi32>], vector<16xf32>,
      %add3A_265 = arith.constant 3 : i32
      %add3A_266 = vector.broadcast %add3A_265 : i32 to vector<16xi32>
      %add3A_267 = arith.addi %broadcast_in_dim3A_3, %add3A_266 : vector<16xi32>
      %gather3A_268 = tpu.vector_load_idx %arg9[%add3A_263, %add3A_267] : memref<2000x8xf32, #tpu.memory_space<vmem>>[vector<16xi32>, vector<16xi32>], vector<16xf32>,
      %add3A_269 = arith.addf %gather3A_264, %gather3A_268 : vector<16xf32>
      %add3A_270 = arith.constant 1 : i32
      %add3A_271 = vector.broadcast %add3A_270 : i32 to vector<16xi32>
      %add3A_272 = arith.addi %broadcast_in_dim3A_3, %add3A_271 : vector<16xi32>
      %gather3A_273 = tpu.vector_load_idx %arg8[%add3A_263, %add3A_272] : memref<2000x8xf32, #tpu.memory_space<vmem>>[vector<16xi32>, vector<16xi32>], vector<16xf32>,
      %add3A_274 = arith.constant 4 : i32
      %add3A_275 = vector.broadcast %add3A_274 : i32 to vector<16xi32>
      %add3A_276 = arith.addi %broadcast_in_dim3A_3, %add3A_275 : vector<16xi32>
      %gather3A_277 = tpu.vector_load_idx %arg9[%add3A_263, %add3A_276] : memref<2000x8xf32, #tpu.memory_space<vmem>>[vector<16xi32>, vector<16xi32>], vector<16xf32>,
      %add3A_278 = arith.addf %gather3A_273, %gather3A_277 : vector<16xf32>
      %add3A_279 = arith.constant 2 : i32
      %add3A_280 = vector.broadcast %add3A_279 : i32 to vector<16xi32>
      %add3A_281 = arith.addi %broadcast_in_dim3A_3, %add3A_280 : vector<16xi32>
      %gather3A_282 = tpu.vector_load_idx %arg8[%add3A_263, %add3A_281] : memref<2000x8xf32, #tpu.memory_space<vmem>>[vector<16xi32>, vector<16xi32>], vector<16xf32>,
      %add3A_283 = arith.constant 5 : i32
      %add3A_284 = vector.broadcast %add3A_283 : i32 to vector<16xi32>
      %add3A_285 = arith.addi %broadcast_in_dim3A_3, %add3A_284 : vector<16xi32>
      %gather3A_286 = tpu.vector_load_idx %arg9[%add3A_263, %add3A_285] : memref<2000x8xf32, #tpu.memory_space<vmem>>[vector<16xi32>, vector<16xi32>], vector<16xf32>,
      %add3A_287 = arith.addf %gather3A_282, %gather3A_286 : vector<16xf32>
      %max3A_288 = arith.maximumf %add3A_269, %add3A_278 : vector<16xf32>
      %min3A_289 = arith.minimumf %add3A_269, %add3A_278 : vector<16xf32>
      %max3A_290 = arith.maximumf %max3A_288, %add3A_287 : vector<16xf32>
      %sub3A_291 = arith.subf %min3A_289, %max3A_290 : vector<16xf32>
      %min3A_292 = arith.minimumf %max3A_288, %add3A_287 : vector<16xf32>
      %sub3A_293 = arith.subf %min3A_292, %max3A_290 : vector<16xf32>
      %exp3A_294 = math.exp %sub3A_291 : vector<16xf32>
      %add3A_295 = arith.constant 1.000000e+00 : f32
      %add3A_296 = vector.broadcast %add3A_295 : f32 to vector<16xf32>
      %add3A_297 = arith.addf %add3A_296, %exp3A_294 : vector<16xf32>
      %exp3A_298 = math.exp %sub3A_293 : vector<16xf32>
      %add3A_299 = arith.addf %add3A_297, %exp3A_298 : vector<16xf32>
      %mul3A_300 = arith.constant 5.000000e-01 : f32
      %mul3A_301 = vector.broadcast %mul3A_300 : f32 to vector<16xf32>
      %mul3A_302 = arith.mulf %mul3A_301, %add3A_299 : vector<16xf32>
      %sub3A_303 = arith.constant 1.000000e+00 : f32
      %sub3A_304 = vector.broadcast %sub3A_303 : f32 to vector<16xf32>
      %sub3A_305 = arith.subf %mul3A_302, %sub3A_304 : vector<16xf32>
      %add3A_306 = arith.constant 1.000000e+00 : f32
      %add3A_307 = vector.broadcast %add3A_306 : f32 to vector<16xf32>
      %add3A_308 = arith.addf %mul3A_302, %add3A_307 : vector<16xf32>
      %div3A_309 = arith.divf %sub3A_305, %add3A_308 : vector<16xf32>
      %mul3A_310 = arith.mulf %div3A_309, %div3A_309 : vector<16xf32>
      %mul3A_311 = arith.constant 4.000000e-01 : f32
      %mul3A_312 = vector.broadcast %mul3A_311 : f32 to vector<16xf32>
      %mul3A_313 = arith.mulf %mul3A_310, %mul3A_312 : vector<16xf32>
      %add3A_314 = arith.constant 0.666666686 : f32
      %add3A_315 = vector.broadcast %add3A_314 : f32 to vector<16xf32>
      %add3A_316 = arith.addf %add3A_315, %mul3A_313 : vector<16xf32>
      %mul3A_317 = arith.mulf %mul3A_310, %add3A_316 : vector<16xf32>
      %add3A_318 = arith.constant 2.000000e+00 : f32
      %add3A_319 = vector.broadcast %add3A_318 : f32 to vector<16xf32>
      %add3A_320 = arith.addf %add3A_319, %mul3A_317 : vector<16xf32>
      %mul3A_321 = arith.mulf %div3A_309, %add3A_320 : vector<16xf32>
      %add3A_322 = arith.constant 0.693147182 : f32
      %add3A_323 = vector.broadcast %add3A_322 : f32 to vector<16xf32>
      %add3A_324 = arith.addf %add3A_323, %mul3A_321 : vector<16xf32>
      %add3A_325 = arith.addf %max3A_290, %add3A_324 : vector<16xf32>
      %sub3A_326 = arith.subf %add3A_269, %add3A_325 : vector<16xf32>
      %add3A_327 = arith.constant 2000 : i32
      %add3A_328 = arith.addi %add3A_327, %add3A_261 : i32
      %swap3A_329 = arith.constant 0 : i32
      %swap3A_330 = arith.index_cast %swap3A_329 : i32 to index
      %swap3A_331 = arith.index_cast %add3A_328 : i32 to index
      %swap3A_332 = tpu.vector_load %arg10[%swap3A_330, %swap3A_331] {strides = array<i32>} : memref<3x10000xf32, #tpu.memory_space<vmem>>, vector<16xf32>,
      tpu.vector_store %arg10[%swap3A_330, %swap3A_331], %sub3A_326 {strides = array<i32>} : memref<3x10000xf32, #tpu.memory_space<vmem>>, vector<16xf32>,
      %sub3A_333 = arith.subf %add3A_278, %add3A_325 : vector<16xf32>
      %add3A_334 = arith.constant 2000 : i32
      %add3A_335 = arith.addi %add3A_334, %add3A_261 : i32
      %swap3A_336 = arith.constant 1 : i32
      %swap3A_337 = arith.index_cast %swap3A_336 : i32 to index
      %swap3A_338 = arith.index_cast %add3A_335 : i32 to index
      %swap3A_339 = tpu.vector_load %arg10[%swap3A_337, %swap3A_338] {strides = array<i32>} : memref<3x10000xf32, #tpu.memory_space<vmem>>, vector<16xf32>,
      tpu.vector_store %arg10[%swap3A_337, %swap3A_338], %sub3A_333 {strides = array<i32>} : memref<3x10000xf32, #tpu.memory_space<vmem>>, vector<16xf32>,
      %sub3A_340 = arith.subf %add3A_287, %add3A_325 : vector<16xf32>
      %add3A_341 = arith.constant 2000 : i32
      %add3A_342 = arith.addi %add3A_341, %add3A_261 : i32
      %swap3A_343 = arith.constant 2 : i32
      %swap3A_344 = arith.index_cast %swap3A_343 : i32 to index
      %swap3A_345 = arith.index_cast %add3A_342 : i32 to index
      %swap3A_346 = tpu.vector_load %arg10[%swap3A_344, %swap3A_345] {strides = array<i32>} : memref<3x10000xf32, #tpu.memory_space<vmem>>, vector<16xf32>,
      tpu.vector_store %arg10[%swap3A_344, %swap3A_345], %sub3A_340 {strides = array<i32>} : memref<3x10000xf32, #tpu.memory_space<vmem>>, vector<16xf32>,
      %add3A_347 = arith.constant 32 : i32
      %add3A_348 = arith.addi %mul3A_179, %add3A_347 : i32
      %add3A_349 = vector.broadcast %add3A_348 : i32 to vector<16xi32>
      %add3A_350 = arith.addi %iota3A, %add3A_349 : vector<16xi32>
      %gather3A_351 = tpu.vector_load_idx %arg8[%add3A_350, %broadcast_in_dim3A_3] : memref<2000x8xf32, #tpu.memory_space<vmem>>[vector<16xi32>, vector<16xi32>], vector<16xf32>,
      %add3A_352 = arith.constant 3 : i32
      %add3A_353 = vector.broadcast %add3A_352 : i32 to vector<16xi32>
      %add3A_354 = arith.addi %broadcast_in_dim3A_3, %add3A_353 : vector<16xi32>
      %gather3A_355 = tpu.vector_load_idx %arg9[%add3A_350, %add3A_354] : memref<2000x8xf32, #tpu.memory_space<vmem>>[vector<16xi32>, vector<16xi32>], vector<16xf32>,
      %add3A_356 = arith.addf %gather3A_351, %gather3A_355 : vector<16xf32>
      %add3A_357 = arith.constant 1 : i32
      %add3A_358 = vector.broadcast %add3A_357 : i32 to vector<16xi32>
      %add3A_359 = arith.addi %broadcast_in_dim3A_3, %add3A_358 : vector<16xi32>
      %gather3A_360 = tpu.vector_load_idx %arg8[%add3A_350, %add3A_359] : memref<2000x8xf32, #tpu.memory_space<vmem>>[vector<16xi32>, vector<16xi32>], vector<16xf32>,
      %add3A_361 = arith.constant 4 : i32
      %add3A_362 = vector.broadcast %add3A_361 : i32 to vector<16xi32>
      %add3A_363 = arith.addi %broadcast_in_dim3A_3, %add3A_362 : vector<16xi32>
      %gather3A_364 = tpu.vector_load_idx %arg9[%add3A_350, %add3A_363] : memref<2000x8xf32, #tpu.memory_space<vmem>>[vector<16xi32>, vector<16xi32>], vector<16xf32>,
      %add3A_365 = arith.addf %gather3A_360, %gather3A_364 : vector<16xf32>
      %add3A_366 = arith.constant 2 : i32
      %add3A_367 = vector.broadcast %add3A_366 : i32 to vector<16xi32>
      %add3A_368 = arith.addi %broadcast_in_dim3A_3, %add3A_367 : vector<16xi32>
      %gather3A_369 = tpu.vector_load_idx %arg8[%add3A_350, %add3A_368] : memref<2000x8xf32, #tpu.memory_space<vmem>>[vector<16xi32>, vector<16xi32>], vector<16xf32>,
      %add3A_370 = arith.constant 5 : i32
      %add3A_371 = vector.broadcast %add3A_370 : i32 to vector<16xi32>
      %add3A_372 = arith.addi %broadcast_in_dim3A_3, %add3A_371 : vector<16xi32>
      %gather3A_373 = tpu.vector_load_idx %arg9[%add3A_350, %add3A_372] : memref<2000x8xf32, #tpu.memory_space<vmem>>[vector<16xi32>, vector<16xi32>], vector<16xf32>,
      %add3A_374 = arith.addf %gather3A_369, %gather3A_373 : vector<16xf32>
      %max3A_375 = arith.maximumf %add3A_356, %add3A_365 : vector<16xf32>
      %min3A_376 = arith.minimumf %add3A_356, %add3A_365 : vector<16xf32>
      %max3A_377 = arith.maximumf %max3A_375, %add3A_374 : vector<16xf32>
      %sub3A_378 = arith.subf %min3A_376, %max3A_377 : vector<16xf32>
      %min3A_379 = arith.minimumf %max3A_375, %add3A_374 : vector<16xf32>
      %sub3A_380 = arith.subf %min3A_379, %max3A_377 : vector<16xf32>
      %exp3A_381 = math.exp %sub3A_378 : vector<16xf32>
      %add3A_382 = arith.constant 1.000000e+00 : f32
      %add3A_383 = vector.broadcast %add3A_382 : f32 to vector<16xf32>
      %add3A_384 = arith.addf %add3A_383, %exp3A_381 : vector<16xf32>
      %exp3A_385 = math.exp %sub3A_380 : vector<16xf32>
      %add3A_386 = arith.addf %add3A_384, %exp3A_385 : vector<16xf32>
      %mul3A_387 = arith.constant 5.000000e-01 : f32
      %mul3A_388 = vector.broadcast %mul3A_387 : f32 to vector<16xf32>
      %mul3A_389 = arith.mulf %mul3A_388, %add3A_386 : vector<16xf32>
      %sub3A_390 = arith.constant 1.000000e+00 : f32
      %sub3A_391 = vector.broadcast %sub3A_390 : f32 to vector<16xf32>
      %sub3A_392 = arith.subf %mul3A_389, %sub3A_391 : vector<16xf32>
      %add3A_393 = arith.constant 1.000000e+00 : f32
      %add3A_394 = vector.broadcast %add3A_393 : f32 to vector<16xf32>
      %add3A_395 = arith.addf %mul3A_389, %add3A_394 : vector<16xf32>
      %div3A_396 = arith.divf %sub3A_392, %add3A_395 : vector<16xf32>
      %mul3A_397 = arith.mulf %div3A_396, %div3A_396 : vector<16xf32>
      %mul3A_398 = arith.constant 4.000000e-01 : f32
      %mul3A_399 = vector.broadcast %mul3A_398 : f32 to vector<16xf32>
      %mul3A_400 = arith.mulf %mul3A_397, %mul3A_399 : vector<16xf32>
      %add3A_401 = arith.constant 0.666666686 : f32
      %add3A_402 = vector.broadcast %add3A_401 : f32 to vector<16xf32>
      %add3A_403 = arith.addf %add3A_402, %mul3A_400 : vector<16xf32>
      %mul3A_404 = arith.mulf %mul3A_397, %add3A_403 : vector<16xf32>
      %add3A_405 = arith.constant 2.000000e+00 : f32
      %add3A_406 = vector.broadcast %add3A_405 : f32 to vector<16xf32>
      %add3A_407 = arith.addf %add3A_406, %mul3A_404 : vector<16xf32>
      %mul3A_408 = arith.mulf %div3A_396, %add3A_407 : vector<16xf32>
      %add3A_409 = arith.constant 0.693147182 : f32
      %add3A_410 = vector.broadcast %add3A_409 : f32 to vector<16xf32>
      %add3A_411 = arith.addf %add3A_410, %mul3A_408 : vector<16xf32>
      %add3A_412 = arith.addf %max3A_377, %add3A_411 : vector<16xf32>
      %sub3A_413 = arith.subf %add3A_356, %add3A_412 : vector<16xf32>
      %add3A_414 = arith.constant 2000 : i32
      %add3A_415 = arith.addi %add3A_414, %add3A_348 : i32
      %swap3A_416 = arith.constant 0 : i32
      %swap3A_417 = arith.index_cast %swap3A_416 : i32 to index
      %swap3A_418 = arith.index_cast %add3A_415 : i32 to index
      %swap3A_419 = tpu.vector_load %arg10[%swap3A_417, %swap3A_418] {strides = array<i32>} : memref<3x10000xf32, #tpu.memory_space<vmem>>, vector<16xf32>,
      tpu.vector_store %arg10[%swap3A_417, %swap3A_418], %sub3A_413 {strides = array<i32>} : memref<3x10000xf32, #tpu.memory_space<vmem>>, vector<16xf32>,
      %sub3A_420 = arith.subf %add3A_365, %add3A_412 : vector<16xf32>
      %add3A_421 = arith.constant 2000 : i32
      %add3A_422 = arith.addi %add3A_421, %add3A_348 : i32
      %swap3A_423 = arith.constant 1 : i32
      %swap3A_424 = arith.index_cast %swap3A_423 : i32 to index
      %swap3A_425 = arith.index_cast %add3A_422 : i32 to index
      %swap3A_426 = tpu.vector_load %arg10[%swap3A_424, %swap3A_425] {strides = array<i32>} : memref<3x10000xf32, #tpu.memory_space<vmem>>, vector<16xf32>,
      tpu.vector_store %arg10[%swap3A_424, %swap3A_425], %sub3A_420 {strides = array<i32>} : memref<3x10000xf32, #tpu.memory_space<vmem>>, vector<16xf32>,
      %sub3A_427 = arith.subf %add3A_374, %add3A_412 : vector<16xf32>
      %add3A_428 = arith.constant 2000 : i32
      %add3A_429 = arith.addi %add3A_428, %add3A_348 : i32
      %swap3A_430 = arith.constant 2 : i32
      %swap3A_431 = arith.index_cast %swap3A_430 : i32 to index
      %swap3A_432 = arith.index_cast %add3A_429 : i32 to index
      %swap3A_433 = tpu.vector_load %arg10[%swap3A_431, %swap3A_432] {strides = array<i32>} : memref<3x10000xf32, #tpu.memory_space<vmem>>, vector<16xf32>,
      tpu.vector_store %arg10[%swap3A_431, %swap3A_432], %sub3A_427 {strides = array<i32>} : memref<3x10000xf32, #tpu.memory_space<vmem>>, vector<16xf32>,
      %add3A_434 = arith.constant 48 : i32
      %add3A_435 = arith.addi %mul3A_179, %add3A_434 : i32
      %add3A_436 = vector.broadcast %add3A_435 : i32 to vector<16xi32>
      %add3A_437 = arith.addi %iota3A, %add3A_436 : vector<16xi32>
      %gather3A_438 = tpu.vector_load_idx %arg8[%add3A_437, %broadcast_in_dim3A_3] : memref<2000x8xf32, #tpu.memory_space<vmem>>[vector<16xi32>, vector<16xi32>], vector<16xf32>,
      %add3A_439 = arith.constant 3 : i32
      %add3A_440 = vector.broadcast %add3A_439 : i32 to vector<16xi32>
      %add3A_441 = arith.addi %broadcast_in_dim3A_3, %add3A_440 : vector<16xi32>
      %gather3A_442 = tpu.vector_load_idx %arg9[%add3A_437, %add3A_441] : memref<2000x8xf32, #tpu.memory_space<vmem>>[vector<16xi32>, vector<16xi32>], vector<16xf32>,
      %add3A_443 = arith.addf %gather3A_438, %gather3A_442 : vector<16xf32>
      %add3A_444 = arith.constant 1 : i32
      %add3A_445 = vector.broadcast %add3A_444 : i32 to vector<16xi32>
      %add3A_446 = arith.addi %broadcast_in_dim3A_3, %add3A_445 : vector<16xi32>
      %gather3A_447 = tpu.vector_load_idx %arg8[%add3A_437, %add3A_446] : memref<2000x8xf32, #tpu.memory_space<vmem>>[vector<16xi32>, vector<16xi32>], vector<16xf32>,
      %add3A_448 = arith.constant 4 : i32
      %add3A_449 = vector.broadcast %add3A_448 : i32 to vector<16xi32>
      %add3A_450 = arith.addi %broadcast_in_dim3A_3, %add3A_449 : vector<16xi32>
      %gather3A_451 = tpu.vector_load_idx %arg9[%add3A_437, %add3A_450] : memref<2000x8xf32, #tpu.memory_space<vmem>>[vector<16xi32>, vector<16xi32>], vector<16xf32>,
      %add3A_452 = arith.addf %gather3A_447, %gather3A_451 : vector<16xf32>
      %add3A_453 = arith.constant 2 : i32
      %add3A_454 = vector.broadcast %add3A_453 : i32 to vector<16xi32>
      %add3A_455 = arith.addi %broadcast_in_dim3A_3, %add3A_454 : vector<16xi32>
      %gather3A_456 = tpu.vector_load_idx %arg8[%add3A_437, %add3A_455] : memref<2000x8xf32, #tpu.memory_space<vmem>>[vector<16xi32>, vector<16xi32>], vector<16xf32>,
      %add3A_457 = arith.constant 5 : i32
      %add3A_458 = vector.broadcast %add3A_457 : i32 to vector<16xi32>
      %add3A_459 = arith.addi %broadcast_in_dim3A_3, %add3A_458 : vector<16xi32>
      %gather3A_460 = tpu.vector_load_idx %arg9[%add3A_437, %add3A_459] : memref<2000x8xf32, #tpu.memory_space<vmem>>[vector<16xi32>, vector<16xi32>], vector<16xf32>,
      %add3A_461 = arith.addf %gather3A_456, %gather3A_460 : vector<16xf32>
      %max3A_462 = arith.maximumf %add3A_443, %add3A_452 : vector<16xf32>
      %min3A_463 = arith.minimumf %add3A_443, %add3A_452 : vector<16xf32>
      %max3A_464 = arith.maximumf %max3A_462, %add3A_461 : vector<16xf32>
      %sub3A_465 = arith.subf %min3A_463, %max3A_464 : vector<16xf32>
      %min3A_466 = arith.minimumf %max3A_462, %add3A_461 : vector<16xf32>
      %sub3A_467 = arith.subf %min3A_466, %max3A_464 : vector<16xf32>
      %exp3A_468 = math.exp %sub3A_465 : vector<16xf32>
      %add3A_469 = arith.constant 1.000000e+00 : f32
      %add3A_470 = vector.broadcast %add3A_469 : f32 to vector<16xf32>
      %add3A_471 = arith.addf %add3A_470, %exp3A_468 : vector<16xf32>
      %exp3A_472 = math.exp %sub3A_467 : vector<16xf32>
      %add3A_473 = arith.addf %add3A_471, %exp3A_472 : vector<16xf32>
      %mul3A_474 = arith.constant 5.000000e-01 : f32
      %mul3A_475 = vector.broadcast %mul3A_474 : f32 to vector<16xf32>
      %mul3A_476 = arith.mulf %mul3A_475, %add3A_473 : vector<16xf32>
      %sub3A_477 = arith.constant 1.000000e+00 : f32
      %sub3A_478 = vector.broadcast %sub3A_477 : f32 to vector<16xf32>
      %sub3A_479 = arith.subf %mul3A_476, %sub3A_478 : vector<16xf32>
      %add3A_480 = arith.constant 1.000000e+00 : f32
      %add3A_481 = vector.broadcast %add3A_480 : f32 to vector<16xf32>
      %add3A_482 = arith.addf %mul3A_476, %add3A_481 : vector<16xf32>
      %div3A_483 = arith.divf %sub3A_479, %add3A_482 : vector<16xf32>
      %mul3A_484 = arith.mulf %div3A_483, %div3A_483 : vector<16xf32>
      %mul3A_485 = arith.constant 4.000000e-01 : f32
      %mul3A_486 = vector.broadcast %mul3A_485 : f32 to vector<16xf32>
      %mul3A_487 = arith.mulf %mul3A_484, %mul3A_486 : vector<16xf32>
      %add3A_488 = arith.constant 0.666666686 : f32
      %add3A_489 = vector.broadcast %add3A_488 : f32 to vector<16xf32>
      %add3A_490 = arith.addf %add3A_489, %mul3A_487 : vector<16xf32>
      %mul3A_491 = arith.mulf %mul3A_484, %add3A_490 : vector<16xf32>
      %add3A_492 = arith.constant 2.000000e+00 : f32
      %add3A_493 = vector.broadcast %add3A_492 : f32 to vector<16xf32>
      %add3A_494 = arith.addf %add3A_493, %mul3A_491 : vector<16xf32>
      %mul3A_495 = arith.mulf %div3A_483, %add3A_494 : vector<16xf32>
      %add3A_496 = arith.constant 0.693147182 : f32
      %add3A_497 = vector.broadcast %add3A_496 : f32 to vector<16xf32>
      %add3A_498 = arith.addf %add3A_497, %mul3A_495 : vector<16xf32>
      %add3A_499 = arith.addf %max3A_464, %add3A_498 : vector<16xf32>
      %sub3A_500 = arith.subf %add3A_443, %add3A_499 : vector<16xf32>
      %add3A_501 = arith.constant 2000 : i32
      %add3A_502 = arith.addi %add3A_501, %add3A_435 : i32
      %swap3A_503 = arith.constant 0 : i32
      %swap3A_504 = arith.index_cast %swap3A_503 : i32 to index
      %swap3A_505 = arith.index_cast %add3A_502 : i32 to index
      %swap3A_506 = tpu.vector_load %arg10[%swap3A_504, %swap3A_505] {strides = array<i32>} : memref<3x10000xf32, #tpu.memory_space<vmem>>, vector<16xf32>,
      tpu.vector_store %arg10[%swap3A_504, %swap3A_505], %sub3A_500 {strides = array<i32>} : memref<3x10000xf32, #tpu.memory_space<vmem>>, vector<16xf32>,
      %sub3A_507 = arith.subf %add3A_452, %add3A_499 : vector<16xf32>
      %add3A_508 = arith.constant 2000 : i32
      %add3A_509 = arith.addi %add3A_508, %add3A_435 : i32
      %swap3A_510 = arith.constant 1 : i32
      %swap3A_511 = arith.index_cast %swap3A_510 : i32 to index
      %swap3A_512 = arith.index_cast %add3A_509 : i32 to index
      %swap3A_513 = tpu.vector_load %arg10[%swap3A_511, %swap3A_512] {strides = array<i32>} : memref<3x10000xf32, #tpu.memory_space<vmem>>, vector<16xf32>,
      tpu.vector_store %arg10[%swap3A_511, %swap3A_512], %sub3A_507 {strides = array<i32>} : memref<3x10000xf32, #tpu.memory_space<vmem>>, vector<16xf32>,
      %sub3A_514 = arith.subf %add3A_461, %add3A_499 : vector<16xf32>
      %add3A_515 = arith.constant 2000 : i32
      %add3A_516 = arith.addi %add3A_515, %add3A_435 : i32
      %swap3A_517 = arith.constant 2 : i32
      %swap3A_518 = arith.index_cast %swap3A_517 : i32 to index
      %swap3A_519 = arith.index_cast %add3A_516 : i32 to index
      %swap3A_520 = tpu.vector_load %arg10[%swap3A_518, %swap3A_519] {strides = array<i32>} : memref<3x10000xf32, #tpu.memory_space<vmem>>, vector<16xf32>,
      tpu.vector_store %arg10[%swap3A_518, %swap3A_519], %sub3A_514 {strides = array<i32>} : memref<3x10000xf32, #tpu.memory_space<vmem>>, vector<16xf32>,
      %add3A_521 = arith.constant 64 : i32
      %add3A_522 = arith.addi %mul3A_179, %add3A_521 : i32
      %add3A_523 = vector.broadcast %add3A_522 : i32 to vector<16xi32>
      %add3A_524 = arith.addi %iota3A, %add3A_523 : vector<16xi32>
      %gather3A_525 = tpu.vector_load_idx %arg8[%add3A_524, %broadcast_in_dim3A_3] : memref<2000x8xf32, #tpu.memory_space<vmem>>[vector<16xi32>, vector<16xi32>], vector<16xf32>,
      %add3A_526 = arith.constant 3 : i32
      %add3A_527 = vector.broadcast %add3A_526 : i32 to vector<16xi32>
      %add3A_528 = arith.addi %broadcast_in_dim3A_3, %add3A_527 : vector<16xi32>
      %gather3A_529 = tpu.vector_load_idx %arg9[%add3A_524, %add3A_528] : memref<2000x8xf32, #tpu.memory_space<vmem>>[vector<16xi32>, vector<16xi32>], vector<16xf32>,
      %add3A_530 = arith.addf %gather3A_525, %gather3A_529 : vector<16xf32>
      %add3A_531 = arith.constant 1 : i32
      %add3A_532 = vector.broadcast %add3A_531 : i32 to vector<16xi32>
      %add3A_533 = arith.addi %broadcast_in_dim3A_3, %add3A_532 : vector<16xi32>
      %gather3A_534 = tpu.vector_load_idx %arg8[%add3A_524, %add3A_533] : memref<2000x8xf32, #tpu.memory_space<vmem>>[vector<16xi32>, vector<16xi32>], vector<16xf32>,
      %add3A_535 = arith.constant 4 : i32
      %add3A_536 = vector.broadcast %add3A_535 : i32 to vector<16xi32>
      %add3A_537 = arith.addi %broadcast_in_dim3A_3, %add3A_536 : vector<16xi32>
      %gather3A_538 = tpu.vector_load_idx %arg9[%add3A_524, %add3A_537] : memref<2000x8xf32, #tpu.memory_space<vmem>>[vector<16xi32>, vector<16xi32>], vector<16xf32>,
      %add3A_539 = arith.addf %gather3A_534, %gather3A_538 : vector<16xf32>
      %add3A_540 = arith.constant 2 : i32
      %add3A_541 = vector.broadcast %add3A_540 : i32 to vector<16xi32>
      %add3A_542 = arith.addi %broadcast_in_dim3A_3, %add3A_541 : vector<16xi32>
      %gather3A_543 = tpu.vector_load_idx %arg8[%add3A_524, %add3A_542] : memref<2000x8xf32, #tpu.memory_space<vmem>>[vector<16xi32>, vector<16xi32>], vector<16xf32>,
      %add3A_544 = arith.constant 5 : i32
      %add3A_545 = vector.broadcast %add3A_544 : i32 to vector<16xi32>
      %add3A_546 = arith.addi %broadcast_in_dim3A_3, %add3A_545 : vector<16xi32>
      %gather3A_547 = tpu.vector_load_idx %arg9[%add3A_524, %add3A_546] : memref<2000x8xf32, #tpu.memory_space<vmem>>[vector<16xi32>, vector<16xi32>], vector<16xf32>,
      %add3A_548 = arith.addf %gather3A_543, %gather3A_547 : vector<16xf32>
      %max3A_549 = arith.maximumf %add3A_530, %add3A_539 : vector<16xf32>
      %min3A_550 = arith.minimumf %add3A_530, %add3A_539 : vector<16xf32>
      %max3A_551 = arith.maximumf %max3A_549, %add3A_548 : vector<16xf32>
      %sub3A_552 = arith.subf %min3A_550, %max3A_551 : vector<16xf32>
      %min3A_553 = arith.minimumf %max3A_549, %add3A_548 : vector<16xf32>
      %sub3A_554 = arith.subf %min3A_553, %max3A_551 : vector<16xf32>
      %exp3A_555 = math.exp %sub3A_552 : vector<16xf32>
      %add3A_556 = arith.constant 1.000000e+00 : f32
      %add3A_557 = vector.broadcast %add3A_556 : f32 to vector<16xf32>
      %add3A_558 = arith.addf %add3A_557, %exp3A_555 : vector<16xf32>
      %exp3A_559 = math.exp %sub3A_554 : vector<16xf32>
      %add3A_560 = arith.addf %add3A_558, %exp3A_559 : vector<16xf32>
      %mul3A_561 = arith.constant 5.000000e-01 : f32
      %mul3A_562 = vector.broadcast %mul3A_561 : f32 to vector<16xf32>
      %mul3A_563 = arith.mulf %mul3A_562, %add3A_560 : vector<16xf32>
      %sub3A_564 = arith.constant 1.000000e+00 : f32
      %sub3A_565 = vector.broadcast %sub3A_564 : f32 to vector<16xf32>
      %sub3A_566 = arith.subf %mul3A_563, %sub3A_565 : vector<16xf32>
      %add3A_567 = arith.constant 1.000000e+00 : f32
      %add3A_568 = vector.broadcast %add3A_567 : f32 to vector<16xf32>
      %add3A_569 = arith.addf %mul3A_563, %add3A_568 : vector<16xf32>
      %div3A_570 = arith.divf %sub3A_566, %add3A_569 : vector<16xf32>
      %mul3A_571 = arith.mulf %div3A_570, %div3A_570 : vector<16xf32>
      %mul3A_572 = arith.constant 4.000000e-01 : f32
      %mul3A_573 = vector.broadcast %mul3A_572 : f32 to vector<16xf32>
      %mul3A_574 = arith.mulf %mul3A_571, %mul3A_573 : vector<16xf32>
      %add3A_575 = arith.constant 0.666666686 : f32
      %add3A_576 = vector.broadcast %add3A_575 : f32 to vector<16xf32>
      %add3A_577 = arith.addf %add3A_576, %mul3A_574 : vector<16xf32>
      %mul3A_578 = arith.mulf %mul3A_571, %add3A_577 : vector<16xf32>
      %add3A_579 = arith.constant 2.000000e+00 : f32
      %add3A_580 = vector.broadcast %add3A_579 : f32 to vector<16xf32>
      %add3A_581 = arith.addf %add3A_580, %mul3A_578 : vector<16xf32>
      %mul3A_582 = arith.mulf %div3A_570, %add3A_581 : vector<16xf32>
      %add3A_583 = arith.constant 0.693147182 : f32
      %add3A_584 = vector.broadcast %add3A_583 : f32 to vector<16xf32>
      %add3A_585 = arith.addf %add3A_584, %mul3A_582 : vector<16xf32>
      %add3A_586 = arith.addf %max3A_551, %add3A_585 : vector<16xf32>
      %sub3A_587 = arith.subf %add3A_530, %add3A_586 : vector<16xf32>
      %add3A_588 = arith.constant 2000 : i32
      %add3A_589 = arith.addi %add3A_588, %add3A_522 : i32
      %swap3A_590 = arith.constant 0 : i32
      %swap3A_591 = arith.index_cast %swap3A_590 : i32 to index
      %swap3A_592 = arith.index_cast %add3A_589 : i32 to index
      %swap3A_593 = tpu.vector_load %arg10[%swap3A_591, %swap3A_592] {strides = array<i32>} : memref<3x10000xf32, #tpu.memory_space<vmem>>, vector<16xf32>,
      tpu.vector_store %arg10[%swap3A_591, %swap3A_592], %sub3A_587 {strides = array<i32>} : memref<3x10000xf32, #tpu.memory_space<vmem>>, vector<16xf32>,
      %sub3A_594 = arith.subf %add3A_539, %add3A_586 : vector<16xf32>
      %add3A_595 = arith.constant 2000 : i32
      %add3A_596 = arith.addi %add3A_595, %add3A_522 : i32
      %swap3A_597 = arith.constant 1 : i32
      %swap3A_598 = arith.index_cast %swap3A_597 : i32 to index
      %swap3A_599 = arith.index_cast %add3A_596 : i32 to index
      %swap3A_600 = tpu.vector_load %arg10[%swap3A_598, %swap3A_599] {strides = array<i32>} : memref<3x10000xf32, #tpu.memory_space<vmem>>, vector<16xf32>,
      tpu.vector_store %arg10[%swap3A_598, %swap3A_599], %sub3A_594 {strides = array<i32>} : memref<3x10000xf32, #tpu.memory_space<vmem>>, vector<16xf32>,
      %sub3A_601 = arith.subf %add3A_548, %add3A_586 : vector<16xf32>
      %add3A_602 = arith.constant 2000 : i32
      %add3A_603 = arith.addi %add3A_602, %add3A_522 : i32
      %swap3A_604 = arith.constant 2 : i32
      %swap3A_605 = arith.index_cast %swap3A_604 : i32 to index
      %swap3A_606 = arith.index_cast %add3A_603 : i32 to index
      %swap3A_607 = tpu.vector_load %arg10[%swap3A_605, %swap3A_606] {strides = array<i32>} : memref<3x10000xf32, #tpu.memory_space<vmem>>, vector<16xf32>,
      tpu.vector_store %arg10[%swap3A_605, %swap3A_606], %sub3A_601 {strides = array<i32>} : memref<3x10000xf32, #tpu.memory_space<vmem>>, vector<16xf32>,
      %scan3A_608 = arith.constant 0 : i32
      scf.yield %scan3A_608 : i32
    }
    %scan3A_84 = arith.constant 25 : i32
    %dma_start3A_85 = arith.constant 0 : i32
    %dma_start3A_86 = arith.constant 6000 : i32
    %dma_start3A_87 = tpu.memref_slice %arg5[%dma_start3A_85, %dma_start3A_86] : memref<2x10000xi32, #tpu.memory_space<vmem>> -> memref<1x2000xi32, #tpu.memory_space<vmem>>
    %dma_start3A_88 = tpu.memref_squeeze %dma_start3A_87 : memref<1x2000xi32, #tpu.memory_space<vmem>> -> memref<2000xi32, #tpu.memory_space<vmem>>
    %dma_start3A_89 = arith.constant 0 : i32
    %dma_start3A_90 = arith.constant 0 : i32
    %dma_start3A_91 = tpu.memref_slice %arg2[%dma_start3A_89, %dma_start3A_90] : memref<10000x8xf32, #tpu.memory_space<hbm>> -> memref<10000x8xf32, #tpu.memory_space<hbm>>
    tpu.enqueue_indirect_dma source(%dma_start3A_91 : memref<10000x8xf32, #tpu.memory_space<hbm>>) target(%arg8 : memref<2000x8xf32, #tpu.memory_space<vmem>>) offsets(%dma_start3A_88 : memref<2000xi32, #tpu.memory_space<vmem>>) semaphore(%arg12 : memref<!tpu.dma_semaphore, #tpu.memory_space<semaphore_mem>>)
    %dma_start3A_92 = arith.constant 1 : i32
    %dma_start3A_93 = arith.constant 6000 : i32
    %dma_start3A_94 = tpu.memref_slice %arg5[%dma_start3A_92, %dma_start3A_93] : memref<2x10000xi32, #tpu.memory_space<vmem>> -> memref<1x2000xi32, #tpu.memory_space<vmem>>
    %dma_start3A_95 = tpu.memref_squeeze %dma_start3A_94 : memref<1x2000xi32, #tpu.memory_space<vmem>> -> memref<2000xi32, #tpu.memory_space<vmem>>
    %dma_start3A_96 = arith.constant 0 : i32
    %dma_start3A_97 = arith.constant 0 : i32
    %dma_start3A_98 = tpu.memref_slice %arg2[%dma_start3A_96, %dma_start3A_97] : memref<10000x8xf32, #tpu.memory_space<hbm>> -> memref<10000x8xf32, #tpu.memory_space<hbm>>
    tpu.enqueue_indirect_dma source(%dma_start3A_98 : memref<10000x8xf32, #tpu.memory_space<hbm>>) target(%arg9 : memref<2000x8xf32, #tpu.memory_space<vmem>>) offsets(%dma_start3A_95 : memref<2000xi32, #tpu.memory_space<vmem>>) semaphore(%arg12 : memref<!tpu.dma_semaphore, #tpu.memory_space<semaphore_mem>>)
    %dma_wait3A_99 = arith.constant 0 : i32
    %dma_wait3A_100 = arith.constant 4000 : i32
    %dma_wait3A_101 = tpu.memref_slice %arg5[%dma_wait3A_99, %dma_wait3A_100] : memref<2x10000xi32, #tpu.memory_space<vmem>> -> memref<1x2000xi32, #tpu.memory_space<vmem>>
    %dma_wait3A_102 = tpu.memref_squeeze %dma_wait3A_101 : memref<1x2000xi32, #tpu.memory_space<vmem>> -> memref<2000xi32, #tpu.memory_space<vmem>>
    %dma_wait3A_103 = arith.constant 0 : i32
    %dma_wait3A_104 = arith.constant 0 : i32
    %dma_wait3A_105 = tpu.memref_slice %arg2[%dma_wait3A_103, %dma_wait3A_104] : memref<10000x8xf32, #tpu.memory_space<hbm>> -> memref<10000x8xf32, #tpu.memory_space<hbm>>
    tpu.wait_indirect_dma semaphore(%arg11 : memref<!tpu.dma_semaphore, #tpu.memory_space<semaphore_mem>>) src(%dma_wait3A_105 : memref<10000x8xf32, #tpu.memory_space<hbm>>) dst(%arg6 : memref<2000x8xf32, #tpu.memory_space<vmem>>)
    %dma_wait3A_106 = arith.constant 1 : i32
    %dma_wait3A_107 = arith.constant 4000 : i32
    %dma_wait3A_108 = tpu.memref_slice %arg5[%dma_wait3A_106, %dma_wait3A_107] : memref<2x10000xi32, #tpu.memory_space<vmem>> -> memref<1x2000xi32, #tpu.memory_space<vmem>>
    %dma_wait3A_109 = tpu.memref_squeeze %dma_wait3A_108 : memref<1x2000xi32, #tpu.memory_space<vmem>> -> memref<2000xi32, #tpu.memory_space<vmem>>
    %dma_wait3A_110 = arith.constant 0 : i32
    %dma_wait3A_111 = arith.constant 0 : i32
    %dma_wait3A_112 = tpu.memref_slice %arg2[%dma_wait3A_110, %dma_wait3A_111] : memref<10000x8xf32, #tpu.memory_space<hbm>> -> memref<10000x8xf32, #tpu.memory_space<hbm>>
    tpu.wait_indirect_dma semaphore(%arg11 : memref<!tpu.dma_semaphore, #tpu.memory_space<semaphore_mem>>) src(%dma_wait3A_112 : memref<10000x8xf32, #tpu.memory_space<hbm>>) dst(%arg7 : memref<2000x8xf32, #tpu.memory_space<vmem>>)
    %scan3A_113 = arith.constant 0 : i32
    %scan3A_114 = arith.constant 0 : i32
    %scan3A_115 = arith.constant 25 : i32
    %scan3A_116 = arith.addi %scan3A_114, %scan3A_115 : i32
    %scan3A_117 = arith.constant 1 : i32
    %scan3A_118 = scf.for %scan3A_176 = %scan3A_114 to %scan3A_116 step %scan3A_117 iter_args(%scan3A_177 = %scan3A_113) -> (i32)  : i32 {
      %mul3A_178 = arith.constant 80 : i32
      %mul3A_179 = arith.muli %scan3A_176, %mul3A_178 : i32
      %add3A_180 = arith.constant 0 : i32
      %add3A_181 = arith.addi %mul3A_179, %add3A_180 : i32
      %add3A_182 = vector.broadcast %add3A_181 : i32 to vector<16xi32>
      %add3A_183 = arith.addi %iota3A, %add3A_182 : vector<16xi32>
      %gather3A = tpu.vector_load_idx %arg6[%add3A_183, %broadcast_in_dim3A_3] : memref<2000x8xf32, #tpu.memory_space<vmem>>[vector<16xi32>, vector<16xi32>], vector<16xf32>,
      %add3A_184 = arith.constant 3 : i32
      %add3A_185 = vector.broadcast %add3A_184 : i32 to vector<16xi32>
      %add3A_186 = arith.addi %broadcast_in_dim3A_3, %add3A_185 : vector<16xi32>
      %gather3A_187 = tpu.vector_load_idx %arg7[%add3A_183, %add3A_186] : memref<2000x8xf32, #tpu.memory_space<vmem>>[vector<16xi32>, vector<16xi32>], vector<16xf32>,
      %add3A_188 = arith.addf %gather3A, %gather3A_187 : vector<16xf32>
      %add3A_189 = arith.constant 1 : i32
      %add3A_190 = vector.broadcast %add3A_189 : i32 to vector<16xi32>
      %add3A_191 = arith.addi %broadcast_in_dim3A_3, %add3A_190 : vector<16xi32>
      %gather3A_192 = tpu.vector_load_idx %arg6[%add3A_183, %add3A_191] : memref<2000x8xf32, #tpu.memory_space<vmem>>[vector<16xi32>, vector<16xi32>], vector<16xf32>,
      %add3A_193 = arith.constant 4 : i32
      %add3A_194 = vector.broadcast %add3A_193 : i32 to vector<16xi32>
      %add3A_195 = arith.addi %broadcast_in_dim3A_3, %add3A_194 : vector<16xi32>
      %gather3A_196 = tpu.vector_load_idx %arg7[%add3A_183, %add3A_195] : memref<2000x8xf32, #tpu.memory_space<vmem>>[vector<16xi32>, vector<16xi32>], vector<16xf32>,
      %add3A_197 = arith.addf %gather3A_192, %gather3A_196 : vector<16xf32>
      %add3A_198 = arith.constant 2 : i32
      %add3A_199 = vector.broadcast %add3A_198 : i32 to vector<16xi32>
      %add3A_200 = arith.addi %broadcast_in_dim3A_3, %add3A_199 : vector<16xi32>
      %gather3A_201 = tpu.vector_load_idx %arg6[%add3A_183, %add3A_200] : memref<2000x8xf32, #tpu.memory_space<vmem>>[vector<16xi32>, vector<16xi32>], vector<16xf32>,
      %add3A_202 = arith.constant 5 : i32
      %add3A_203 = vector.broadcast %add3A_202 : i32 to vector<16xi32>
      %add3A_204 = arith.addi %broadcast_in_dim3A_3, %add3A_203 : vector<16xi32>
      %gather3A_205 = tpu.vector_load_idx %arg7[%add3A_183, %add3A_204] : memref<2000x8xf32, #tpu.memory_space<vmem>>[vector<16xi32>, vector<16xi32>], vector<16xf32>,
      %add3A_206 = arith.addf %gather3A_201, %gather3A_205 : vector<16xf32>
      %max3A = arith.maximumf %add3A_188, %add3A_197 : vector<16xf32>
      %min3A = arith.minimumf %add3A_188, %add3A_197 : vector<16xf32>
      %max3A_207 = arith.maximumf %max3A, %add3A_206 : vector<16xf32>
      %sub3A = arith.subf %min3A, %max3A_207 : vector<16xf32>
      %min3A_208 = arith.minimumf %max3A, %add3A_206 : vector<16xf32>
      %sub3A_209 = arith.subf %min3A_208, %max3A_207 : vector<16xf32>
      %exp3A = math.exp %sub3A : vector<16xf32>
      %add3A_210 = arith.constant 1.000000e+00 : f32
      %add3A_211 = vector.broadcast %add3A_210 : f32 to vector<16xf32>
      %add3A_212 = arith.addf %add3A_211, %exp3A : vector<16xf32>
      %exp3A_213 = math.exp %sub3A_209 : vector<16xf32>
      %add3A_214 = arith.addf %add3A_212, %exp3A_213 : vector<16xf32>
      %mul3A_215 = arith.constant 5.000000e-01 : f32
      %mul3A_216 = vector.broadcast %mul3A_215 : f32 to vector<16xf32>
      %mul3A_217 = arith.mulf %mul3A_216, %add3A_214 : vector<16xf32>
      %sub3A_218 = arith.constant 1.000000e+00 : f32
      %sub3A_219 = vector.broadcast %sub3A_218 : f32 to vector<16xf32>
      %sub3A_220 = arith.subf %mul3A_217, %sub3A_219 : vector<16xf32>
      %add3A_221 = arith.constant 1.000000e+00 : f32
      %add3A_222 = vector.broadcast %add3A_221 : f32 to vector<16xf32>
      %add3A_223 = arith.addf %mul3A_217, %add3A_222 : vector<16xf32>
      %div3A = arith.divf %sub3A_220, %add3A_223 : vector<16xf32>
      %mul3A_224 = arith.mulf %div3A, %div3A : vector<16xf32>
      %mul3A_225 = arith.constant 4.000000e-01 : f32
      %mul3A_226 = vector.broadcast %mul3A_225 : f32 to vector<16xf32>
      %mul3A_227 = arith.mulf %mul3A_224, %mul3A_226 : vector<16xf32>
      %add3A_228 = arith.constant 0.666666686 : f32
      %add3A_229 = vector.broadcast %add3A_228 : f32 to vector<16xf32>
      %add3A_230 = arith.addf %add3A_229, %mul3A_227 : vector<16xf32>
      %mul3A_231 = arith.mulf %mul3A_224, %add3A_230 : vector<16xf32>
      %add3A_232 = arith.constant 2.000000e+00 : f32
      %add3A_233 = vector.broadcast %add3A_232 : f32 to vector<16xf32>
      %add3A_234 = arith.addf %add3A_233, %mul3A_231 : vector<16xf32>
      %mul3A_235 = arith.mulf %div3A, %add3A_234 : vector<16xf32>
      %add3A_236 = arith.constant 0.693147182 : f32
      %add3A_237 = vector.broadcast %add3A_236 : f32 to vector<16xf32>
      %add3A_238 = arith.addf %add3A_237, %mul3A_235 : vector<16xf32>
      %add3A_239 = arith.addf %max3A_207, %add3A_238 : vector<16xf32>
      %sub3A_240 = arith.subf %add3A_188, %add3A_239 : vector<16xf32>
      %add3A_241 = arith.constant 4000 : i32
      %add3A_242 = arith.addi %add3A_241, %add3A_181 : i32
      %swap3A = arith.constant 0 : i32
      %swap3A_243 = arith.index_cast %swap3A : i32 to index
      %swap3A_244 = arith.index_cast %add3A_242 : i32 to index
      %swap3A_245 = tpu.vector_load %arg10[%swap3A_243, %swap3A_244] {strides = array<i32>} : memref<3x10000xf32, #tpu.memory_space<vmem>>, vector<16xf32>,
      tpu.vector_store %arg10[%swap3A_243, %swap3A_244], %sub3A_240 {strides = array<i32>} : memref<3x10000xf32, #tpu.memory_space<vmem>>, vector<16xf32>,
      %sub3A_246 = arith.subf %add3A_197, %add3A_239 : vector<16xf32>
      %add3A_247 = arith.constant 4000 : i32
      %add3A_248 = arith.addi %add3A_247, %add3A_181 : i32
      %swap3A_249 = arith.constant 1 : i32
      %swap3A_250 = arith.index_cast %swap3A_249 : i32 to index
      %swap3A_251 = arith.index_cast %add3A_248 : i32 to index
      %swap3A_252 = tpu.vector_load %arg10[%swap3A_250, %swap3A_251] {strides = array<i32>} : memref<3x10000xf32, #tpu.memory_space<vmem>>, vector<16xf32>,
      tpu.vector_store %arg10[%swap3A_250, %swap3A_251], %sub3A_246 {strides = array<i32>} : memref<3x10000xf32, #tpu.memory_space<vmem>>, vector<16xf32>,
      %sub3A_253 = arith.subf %add3A_206, %add3A_239 : vector<16xf32>
      %add3A_254 = arith.constant 4000 : i32
      %add3A_255 = arith.addi %add3A_254, %add3A_181 : i32
      %swap3A_256 = arith.constant 2 : i32
      %swap3A_257 = arith.index_cast %swap3A_256 : i32 to index
      %swap3A_258 = arith.index_cast %add3A_255 : i32 to index
      %swap3A_259 = tpu.vector_load %arg10[%swap3A_257, %swap3A_258] {strides = array<i32>} : memref<3x10000xf32, #tpu.memory_space<vmem>>, vector<16xf32>,
      tpu.vector_store %arg10[%swap3A_257, %swap3A_258], %sub3A_253 {strides = array<i32>} : memref<3x10000xf32, #tpu.memory_space<vmem>>, vector<16xf32>,
      %add3A_260 = arith.constant 16 : i32
      %add3A_261 = arith.addi %mul3A_179, %add3A_260 : i32
      %add3A_262 = vector.broadcast %add3A_261 : i32 to vector<16xi32>
      %add3A_263 = arith.addi %iota3A, %add3A_262 : vector<16xi32>
      %gather3A_264 = tpu.vector_load_idx %arg6[%add3A_263, %broadcast_in_dim3A_3] : memref<2000x8xf32, #tpu.memory_space<vmem>>[vector<16xi32>, vector<16xi32>], vector<16xf32>,
      %add3A_265 = arith.constant 3 : i32
      %add3A_266 = vector.broadcast %add3A_265 : i32 to vector<16xi32>
      %add3A_267 = arith.addi %broadcast_in_dim3A_3, %add3A_266 : vector<16xi32>
      %gather3A_268 = tpu.vector_load_idx %arg7[%add3A_263, %add3A_267] : memref<2000x8xf32, #tpu.memory_space<vmem>>[vector<16xi32>, vector<16xi32>], vector<16xf32>,
      %add3A_269 = arith.addf %gather3A_264, %gather3A_268 : vector<16xf32>
      %add3A_270 = arith.constant 1 : i32
      %add3A_271 = vector.broadcast %add3A_270 : i32 to vector<16xi32>
      %add3A_272 = arith.addi %broadcast_in_dim3A_3, %add3A_271 : vector<16xi32>
      %gather3A_273 = tpu.vector_load_idx %arg6[%add3A_263, %add3A_272] : memref<2000x8xf32, #tpu.memory_space<vmem>>[vector<16xi32>, vector<16xi32>], vector<16xf32>,
      %add3A_274 = arith.constant 4 : i32
      %add3A_275 = vector.broadcast %add3A_274 : i32 to vector<16xi32>
      %add3A_276 = arith.addi %broadcast_in_dim3A_3, %add3A_275 : vector<16xi32>
      %gather3A_277 = tpu.vector_load_idx %arg7[%add3A_263, %add3A_276] : memref<2000x8xf32, #tpu.memory_space<vmem>>[vector<16xi32>, vector<16xi32>], vector<16xf32>,
      %add3A_278 = arith.addf %gather3A_273, %gather3A_277 : vector<16xf32>
      %add3A_279 = arith.constant 2 : i32
      %add3A_280 = vector.broadcast %add3A_279 : i32 to vector<16xi32>
      %add3A_281 = arith.addi %broadcast_in_dim3A_3, %add3A_280 : vector<16xi32>
      %gather3A_282 = tpu.vector_load_idx %arg6[%add3A_263, %add3A_281] : memref<2000x8xf32, #tpu.memory_space<vmem>>[vector<16xi32>, vector<16xi32>], vector<16xf32>,
      %add3A_283 = arith.constant 5 : i32
      %add3A_284 = vector.broadcast %add3A_283 : i32 to vector<16xi32>
      %add3A_285 = arith.addi %broadcast_in_dim3A_3, %add3A_284 : vector<16xi32>
      %gather3A_286 = tpu.vector_load_idx %arg7[%add3A_263, %add3A_285] : memref<2000x8xf32, #tpu.memory_space<vmem>>[vector<16xi32>, vector<16xi32>], vector<16xf32>,
      %add3A_287 = arith.addf %gather3A_282, %gather3A_286 : vector<16xf32>
      %max3A_288 = arith.maximumf %add3A_269, %add3A_278 : vector<16xf32>
      %min3A_289 = arith.minimumf %add3A_269, %add3A_278 : vector<16xf32>
      %max3A_290 = arith.maximumf %max3A_288, %add3A_287 : vector<16xf32>
      %sub3A_291 = arith.subf %min3A_289, %max3A_290 : vector<16xf32>
      %min3A_292 = arith.minimumf %max3A_288, %add3A_287 : vector<16xf32>
      %sub3A_293 = arith.subf %min3A_292, %max3A_290 : vector<16xf32>
      %exp3A_294 = math.exp %sub3A_291 : vector<16xf32>
      %add3A_295 = arith.constant 1.000000e+00 : f32
      %add3A_296 = vector.broadcast %add3A_295 : f32 to vector<16xf32>
      %add3A_297 = arith.addf %add3A_296, %exp3A_294 : vector<16xf32>
      %exp3A_298 = math.exp %sub3A_293 : vector<16xf32>
      %add3A_299 = arith.addf %add3A_297, %exp3A_298 : vector<16xf32>
      %mul3A_300 = arith.constant 5.000000e-01 : f32
      %mul3A_301 = vector.broadcast %mul3A_300 : f32 to vector<16xf32>
      %mul3A_302 = arith.mulf %mul3A_301, %add3A_299 : vector<16xf32>
      %sub3A_303 = arith.constant 1.000000e+00 : f32
      %sub3A_304 = vector.broadcast %sub3A_303 : f32 to vector<16xf32>
      %sub3A_305 = arith.subf %mul3A_302, %sub3A_304 : vector<16xf32>
      %add3A_306 = arith.constant 1.000000e+00 : f32
      %add3A_307 = vector.broadcast %add3A_306 : f32 to vector<16xf32>
      %add3A_308 = arith.addf %mul3A_302, %add3A_307 : vector<16xf32>
      %div3A_309 = arith.divf %sub3A_305, %add3A_308 : vector<16xf32>
      %mul3A_310 = arith.mulf %div3A_309, %div3A_309 : vector<16xf32>
      %mul3A_311 = arith.constant 4.000000e-01 : f32
      %mul3A_312 = vector.broadcast %mul3A_311 : f32 to vector<16xf32>
      %mul3A_313 = arith.mulf %mul3A_310, %mul3A_312 : vector<16xf32>
      %add3A_314 = arith.constant 0.666666686 : f32
      %add3A_315 = vector.broadcast %add3A_314 : f32 to vector<16xf32>
      %add3A_316 = arith.addf %add3A_315, %mul3A_313 : vector<16xf32>
      %mul3A_317 = arith.mulf %mul3A_310, %add3A_316 : vector<16xf32>
      %add3A_318 = arith.constant 2.000000e+00 : f32
      %add3A_319 = vector.broadcast %add3A_318 : f32 to vector<16xf32>
      %add3A_320 = arith.addf %add3A_319, %mul3A_317 : vector<16xf32>
      %mul3A_321 = arith.mulf %div3A_309, %add3A_320 : vector<16xf32>
      %add3A_322 = arith.constant 0.693147182 : f32
      %add3A_323 = vector.broadcast %add3A_322 : f32 to vector<16xf32>
      %add3A_324 = arith.addf %add3A_323, %mul3A_321 : vector<16xf32>
      %add3A_325 = arith.addf %max3A_290, %add3A_324 : vector<16xf32>
      %sub3A_326 = arith.subf %add3A_269, %add3A_325 : vector<16xf32>
      %add3A_327 = arith.constant 4000 : i32
      %add3A_328 = arith.addi %add3A_327, %add3A_261 : i32
      %swap3A_329 = arith.constant 0 : i32
      %swap3A_330 = arith.index_cast %swap3A_329 : i32 to index
      %swap3A_331 = arith.index_cast %add3A_328 : i32 to index
      %swap3A_332 = tpu.vector_load %arg10[%swap3A_330, %swap3A_331] {strides = array<i32>} : memref<3x10000xf32, #tpu.memory_space<vmem>>, vector<16xf32>,
      tpu.vector_store %arg10[%swap3A_330, %swap3A_331], %sub3A_326 {strides = array<i32>} : memref<3x10000xf32, #tpu.memory_space<vmem>>, vector<16xf32>,
      %sub3A_333 = arith.subf %add3A_278, %add3A_325 : vector<16xf32>
      %add3A_334 = arith.constant 4000 : i32
      %add3A_335 = arith.addi %add3A_334, %add3A_261 : i32
      %swap3A_336 = arith.constant 1 : i32
      %swap3A_337 = arith.index_cast %swap3A_336 : i32 to index
      %swap3A_338 = arith.index_cast %add3A_335 : i32 to index
      %swap3A_339 = tpu.vector_load %arg10[%swap3A_337, %swap3A_338] {strides = array<i32>} : memref<3x10000xf32, #tpu.memory_space<vmem>>, vector<16xf32>,
      tpu.vector_store %arg10[%swap3A_337, %swap3A_338], %sub3A_333 {strides = array<i32>} : memref<3x10000xf32, #tpu.memory_space<vmem>>, vector<16xf32>,
      %sub3A_340 = arith.subf %add3A_287, %add3A_325 : vector<16xf32>
      %add3A_341 = arith.constant 4000 : i32
      %add3A_342 = arith.addi %add3A_341, %add3A_261 : i32
      %swap3A_343 = arith.constant 2 : i32
      %swap3A_344 = arith.index_cast %swap3A_343 : i32 to index
      %swap3A_345 = arith.index_cast %add3A_342 : i32 to index
      %swap3A_346 = tpu.vector_load %arg10[%swap3A_344, %swap3A_345] {strides = array<i32>} : memref<3x10000xf32, #tpu.memory_space<vmem>>, vector<16xf32>,
      tpu.vector_store %arg10[%swap3A_344, %swap3A_345], %sub3A_340 {strides = array<i32>} : memref<3x10000xf32, #tpu.memory_space<vmem>>, vector<16xf32>,
      %add3A_347 = arith.constant 32 : i32
      %add3A_348 = arith.addi %mul3A_179, %add3A_347 : i32
      %add3A_349 = vector.broadcast %add3A_348 : i32 to vector<16xi32>
      %add3A_350 = arith.addi %iota3A, %add3A_349 : vector<16xi32>
      %gather3A_351 = tpu.vector_load_idx %arg6[%add3A_350, %broadcast_in_dim3A_3] : memref<2000x8xf32, #tpu.memory_space<vmem>>[vector<16xi32>, vector<16xi32>], vector<16xf32>,
      %add3A_352 = arith.constant 3 : i32
      %add3A_353 = vector.broadcast %add3A_352 : i32 to vector<16xi32>
      %add3A_354 = arith.addi %broadcast_in_dim3A_3, %add3A_353 : vector<16xi32>
      %gather3A_355 = tpu.vector_load_idx %arg7[%add3A_350, %add3A_354] : memref<2000x8xf32, #tpu.memory_space<vmem>>[vector<16xi32>, vector<16xi32>], vector<16xf32>,
      %add3A_356 = arith.addf %gather3A_351, %gather3A_355 : vector<16xf32>
      %add3A_357 = arith.constant 1 : i32
      %add3A_358 = vector.broadcast %add3A_357 : i32 to vector<16xi32>
      %add3A_359 = arith.addi %broadcast_in_dim3A_3, %add3A_358 : vector<16xi32>
      %gather3A_360 = tpu.vector_load_idx %arg6[%add3A_350, %add3A_359] : memref<2000x8xf32, #tpu.memory_space<vmem>>[vector<16xi32>, vector<16xi32>], vector<16xf32>,
      %add3A_361 = arith.constant 4 : i32
      %add3A_362 = vector.broadcast %add3A_361 : i32 to vector<16xi32>
      %add3A_363 = arith.addi %broadcast_in_dim3A_3, %add3A_362 : vector<16xi32>
      %gather3A_364 = tpu.vector_load_idx %arg7[%add3A_350, %add3A_363] : memref<2000x8xf32, #tpu.memory_space<vmem>>[vector<16xi32>, vector<16xi32>], vector<16xf32>,
      %add3A_365 = arith.addf %gather3A_360, %gather3A_364 : vector<16xf32>
      %add3A_366 = arith.constant 2 : i32
      %add3A_367 = vector.broadcast %add3A_366 : i32 to vector<16xi32>
      %add3A_368 = arith.addi %broadcast_in_dim3A_3, %add3A_367 : vector<16xi32>
      %gather3A_369 = tpu.vector_load_idx %arg6[%add3A_350, %add3A_368] : memref<2000x8xf32, #tpu.memory_space<vmem>>[vector<16xi32>, vector<16xi32>], vector<16xf32>,
      %add3A_370 = arith.constant 5 : i32
      %add3A_371 = vector.broadcast %add3A_370 : i32 to vector<16xi32>
      %add3A_372 = arith.addi %broadcast_in_dim3A_3, %add3A_371 : vector<16xi32>
      %gather3A_373 = tpu.vector_load_idx %arg7[%add3A_350, %add3A_372] : memref<2000x8xf32, #tpu.memory_space<vmem>>[vector<16xi32>, vector<16xi32>], vector<16xf32>,
      %add3A_374 = arith.addf %gather3A_369, %gather3A_373 : vector<16xf32>
      %max3A_375 = arith.maximumf %add3A_356, %add3A_365 : vector<16xf32>
      %min3A_376 = arith.minimumf %add3A_356, %add3A_365 : vector<16xf32>
      %max3A_377 = arith.maximumf %max3A_375, %add3A_374 : vector<16xf32>
      %sub3A_378 = arith.subf %min3A_376, %max3A_377 : vector<16xf32>
      %min3A_379 = arith.minimumf %max3A_375, %add3A_374 : vector<16xf32>
      %sub3A_380 = arith.subf %min3A_379, %max3A_377 : vector<16xf32>
      %exp3A_381 = math.exp %sub3A_378 : vector<16xf32>
      %add3A_382 = arith.constant 1.000000e+00 : f32
      %add3A_383 = vector.broadcast %add3A_382 : f32 to vector<16xf32>
      %add3A_384 = arith.addf %add3A_383, %exp3A_381 : vector<16xf32>
      %exp3A_385 = math.exp %sub3A_380 : vector<16xf32>
      %add3A_386 = arith.addf %add3A_384, %exp3A_385 : vector<16xf32>
      %mul3A_387 = arith.constant 5.000000e-01 : f32
      %mul3A_388 = vector.broadcast %mul3A_387 : f32 to vector<16xf32>
      %mul3A_389 = arith.mulf %mul3A_388, %add3A_386 : vector<16xf32>
      %sub3A_390 = arith.constant 1.000000e+00 : f32
      %sub3A_391 = vector.broadcast %sub3A_390 : f32 to vector<16xf32>
      %sub3A_392 = arith.subf %mul3A_389, %sub3A_391 : vector<16xf32>
      %add3A_393 = arith.constant 1.000000e+00 : f32
      %add3A_394 = vector.broadcast %add3A_393 : f32 to vector<16xf32>
      %add3A_395 = arith.addf %mul3A_389, %add3A_394 : vector<16xf32>
      %div3A_396 = arith.divf %sub3A_392, %add3A_395 : vector<16xf32>
      %mul3A_397 = arith.mulf %div3A_396, %div3A_396 : vector<16xf32>
      %mul3A_398 = arith.constant 4.000000e-01 : f32
      %mul3A_399 = vector.broadcast %mul3A_398 : f32 to vector<16xf32>
      %mul3A_400 = arith.mulf %mul3A_397, %mul3A_399 : vector<16xf32>
      %add3A_401 = arith.constant 0.666666686 : f32
      %add3A_402 = vector.broadcast %add3A_401 : f32 to vector<16xf32>
      %add3A_403 = arith.addf %add3A_402, %mul3A_400 : vector<16xf32>
      %mul3A_404 = arith.mulf %mul3A_397, %add3A_403 : vector<16xf32>
      %add3A_405 = arith.constant 2.000000e+00 : f32
      %add3A_406 = vector.broadcast %add3A_405 : f32 to vector<16xf32>
      %add3A_407 = arith.addf %add3A_406, %mul3A_404 : vector<16xf32>
      %mul3A_408 = arith.mulf %div3A_396, %add3A_407 : vector<16xf32>
      %add3A_409 = arith.constant 0.693147182 : f32
      %add3A_410 = vector.broadcast %add3A_409 : f32 to vector<16xf32>
      %add3A_411 = arith.addf %add3A_410, %mul3A_408 : vector<16xf32>
      %add3A_412 = arith.addf %max3A_377, %add3A_411 : vector<16xf32>
      %sub3A_413 = arith.subf %add3A_356, %add3A_412 : vector<16xf32>
      %add3A_414 = arith.constant 4000 : i32
      %add3A_415 = arith.addi %add3A_414, %add3A_348 : i32
      %swap3A_416 = arith.constant 0 : i32
      %swap3A_417 = arith.index_cast %swap3A_416 : i32 to index
      %swap3A_418 = arith.index_cast %add3A_415 : i32 to index
      %swap3A_419 = tpu.vector_load %arg10[%swap3A_417, %swap3A_418] {strides = array<i32>} : memref<3x10000xf32, #tpu.memory_space<vmem>>, vector<16xf32>,
      tpu.vector_store %arg10[%swap3A_417, %swap3A_418], %sub3A_413 {strides = array<i32>} : memref<3x10000xf32, #tpu.memory_space<vmem>>, vector<16xf32>,
      %sub3A_420 = arith.subf %add3A_365, %add3A_412 : vector<16xf32>
      %add3A_421 = arith.constant 4000 : i32
      %add3A_422 = arith.addi %add3A_421, %add3A_348 : i32
      %swap3A_423 = arith.constant 1 : i32
      %swap3A_424 = arith.index_cast %swap3A_423 : i32 to index
      %swap3A_425 = arith.index_cast %add3A_422 : i32 to index
      %swap3A_426 = tpu.vector_load %arg10[%swap3A_424, %swap3A_425] {strides = array<i32>} : memref<3x10000xf32, #tpu.memory_space<vmem>>, vector<16xf32>,
      tpu.vector_store %arg10[%swap3A_424, %swap3A_425], %sub3A_420 {strides = array<i32>} : memref<3x10000xf32, #tpu.memory_space<vmem>>, vector<16xf32>,
      %sub3A_427 = arith.subf %add3A_374, %add3A_412 : vector<16xf32>
      %add3A_428 = arith.constant 4000 : i32
      %add3A_429 = arith.addi %add3A_428, %add3A_348 : i32
      %swap3A_430 = arith.constant 2 : i32
      %swap3A_431 = arith.index_cast %swap3A_430 : i32 to index
      %swap3A_432 = arith.index_cast %add3A_429 : i32 to index
      %swap3A_433 = tpu.vector_load %arg10[%swap3A_431, %swap3A_432] {strides = array<i32>} : memref<3x10000xf32, #tpu.memory_space<vmem>>, vector<16xf32>,
      tpu.vector_store %arg10[%swap3A_431, %swap3A_432], %sub3A_427 {strides = array<i32>} : memref<3x10000xf32, #tpu.memory_space<vmem>>, vector<16xf32>,
      %add3A_434 = arith.constant 48 : i32
      %add3A_435 = arith.addi %mul3A_179, %add3A_434 : i32
      %add3A_436 = vector.broadcast %add3A_435 : i32 to vector<16xi32>
      %add3A_437 = arith.addi %iota3A, %add3A_436 : vector<16xi32>
      %gather3A_438 = tpu.vector_load_idx %arg6[%add3A_437, %broadcast_in_dim3A_3] : memref<2000x8xf32, #tpu.memory_space<vmem>>[vector<16xi32>, vector<16xi32>], vector<16xf32>,
      %add3A_439 = arith.constant 3 : i32
      %add3A_440 = vector.broadcast %add3A_439 : i32 to vector<16xi32>
      %add3A_441 = arith.addi %broadcast_in_dim3A_3, %add3A_440 : vector<16xi32>
      %gather3A_442 = tpu.vector_load_idx %arg7[%add3A_437, %add3A_441] : memref<2000x8xf32, #tpu.memory_space<vmem>>[vector<16xi32>, vector<16xi32>], vector<16xf32>,
      %add3A_443 = arith.addf %gather3A_438, %gather3A_442 : vector<16xf32>
      %add3A_444 = arith.constant 1 : i32
      %add3A_445 = vector.broadcast %add3A_444 : i32 to vector<16xi32>
      %add3A_446 = arith.addi %broadcast_in_dim3A_3, %add3A_445 : vector<16xi32>
      %gather3A_447 = tpu.vector_load_idx %arg6[%add3A_437, %add3A_446] : memref<2000x8xf32, #tpu.memory_space<vmem>>[vector<16xi32>, vector<16xi32>], vector<16xf32>,
      %add3A_448 = arith.constant 4 : i32
      %add3A_449 = vector.broadcast %add3A_448 : i32 to vector<16xi32>
      %add3A_450 = arith.addi %broadcast_in_dim3A_3, %add3A_449 : vector<16xi32>
      %gather3A_451 = tpu.vector_load_idx %arg7[%add3A_437, %add3A_450] : memref<2000x8xf32, #tpu.memory_space<vmem>>[vector<16xi32>, vector<16xi32>], vector<16xf32>,
      %add3A_452 = arith.addf %gather3A_447, %gather3A_451 : vector<16xf32>
      %add3A_453 = arith.constant 2 : i32
      %add3A_454 = vector.broadcast %add3A_453 : i32 to vector<16xi32>
      %add3A_455 = arith.addi %broadcast_in_dim3A_3, %add3A_454 : vector<16xi32>
      %gather3A_456 = tpu.vector_load_idx %arg6[%add3A_437, %add3A_455] : memref<2000x8xf32, #tpu.memory_space<vmem>>[vector<16xi32>, vector<16xi32>], vector<16xf32>,
      %add3A_457 = arith.constant 5 : i32
      %add3A_458 = vector.broadcast %add3A_457 : i32 to vector<16xi32>
      %add3A_459 = arith.addi %broadcast_in_dim3A_3, %add3A_458 : vector<16xi32>
      %gather3A_460 = tpu.vector_load_idx %arg7[%add3A_437, %add3A_459] : memref<2000x8xf32, #tpu.memory_space<vmem>>[vector<16xi32>, vector<16xi32>], vector<16xf32>,
      %add3A_461 = arith.addf %gather3A_456, %gather3A_460 : vector<16xf32>
      %max3A_462 = arith.maximumf %add3A_443, %add3A_452 : vector<16xf32>
      %min3A_463 = arith.minimumf %add3A_443, %add3A_452 : vector<16xf32>
      %max3A_464 = arith.maximumf %max3A_462, %add3A_461 : vector<16xf32>
      %sub3A_465 = arith.subf %min3A_463, %max3A_464 : vector<16xf32>
      %min3A_466 = arith.minimumf %max3A_462, %add3A_461 : vector<16xf32>
      %sub3A_467 = arith.subf %min3A_466, %max3A_464 : vector<16xf32>
      %exp3A_468 = math.exp %sub3A_465 : vector<16xf32>
      %add3A_469 = arith.constant 1.000000e+00 : f32
      %add3A_470 = vector.broadcast %add3A_469 : f32 to vector<16xf32>
      %add3A_471 = arith.addf %add3A_470, %exp3A_468 : vector<16xf32>
      %exp3A_472 = math.exp %sub3A_467 : vector<16xf32>
      %add3A_473 = arith.addf %add3A_471, %exp3A_472 : vector<16xf32>
      %mul3A_474 = arith.constant 5.000000e-01 : f32
      %mul3A_475 = vector.broadcast %mul3A_474 : f32 to vector<16xf32>
      %mul3A_476 = arith.mulf %mul3A_475, %add3A_473 : vector<16xf32>
      %sub3A_477 = arith.constant 1.000000e+00 : f32
      %sub3A_478 = vector.broadcast %sub3A_477 : f32 to vector<16xf32>
      %sub3A_479 = arith.subf %mul3A_476, %sub3A_478 : vector<16xf32>
      %add3A_480 = arith.constant 1.000000e+00 : f32
      %add3A_481 = vector.broadcast %add3A_480 : f32 to vector<16xf32>
      %add3A_482 = arith.addf %mul3A_476, %add3A_481 : vector<16xf32>
      %div3A_483 = arith.divf %sub3A_479, %add3A_482 : vector<16xf32>
      %mul3A_484 = arith.mulf %div3A_483, %div3A_483 : vector<16xf32>
      %mul3A_485 = arith.constant 4.000000e-01 : f32
      %mul3A_486 = vector.broadcast %mul3A_485 : f32 to vector<16xf32>
      %mul3A_487 = arith.mulf %mul3A_484, %mul3A_486 : vector<16xf32>
      %add3A_488 = arith.constant 0.666666686 : f32
      %add3A_489 = vector.broadcast %add3A_488 : f32 to vector<16xf32>
      %add3A_490 = arith.addf %add3A_489, %mul3A_487 : vector<16xf32>
      %mul3A_491 = arith.mulf %mul3A_484, %add3A_490 : vector<16xf32>
      %add3A_492 = arith.constant 2.000000e+00 : f32
      %add3A_493 = vector.broadcast %add3A_492 : f32 to vector<16xf32>
      %add3A_494 = arith.addf %add3A_493, %mul3A_491 : vector<16xf32>
      %mul3A_495 = arith.mulf %div3A_483, %add3A_494 : vector<16xf32>
      %add3A_496 = arith.constant 0.693147182 : f32
      %add3A_497 = vector.broadcast %add3A_496 : f32 to vector<16xf32>
      %add3A_498 = arith.addf %add3A_497, %mul3A_495 : vector<16xf32>
      %add3A_499 = arith.addf %max3A_464, %add3A_498 : vector<16xf32>
      %sub3A_500 = arith.subf %add3A_443, %add3A_499 : vector<16xf32>
      %add3A_501 = arith.constant 4000 : i32
      %add3A_502 = arith.addi %add3A_501, %add3A_435 : i32
      %swap3A_503 = arith.constant 0 : i32
      %swap3A_504 = arith.index_cast %swap3A_503 : i32 to index
      %swap3A_505 = arith.index_cast %add3A_502 : i32 to index
      %swap3A_506 = tpu.vector_load %arg10[%swap3A_504, %swap3A_505] {strides = array<i32>} : memref<3x10000xf32, #tpu.memory_space<vmem>>, vector<16xf32>,
      tpu.vector_store %arg10[%swap3A_504, %swap3A_505], %sub3A_500 {strides = array<i32>} : memref<3x10000xf32, #tpu.memory_space<vmem>>, vector<16xf32>,
      %sub3A_507 = arith.subf %add3A_452, %add3A_499 : vector<16xf32>
      %add3A_508 = arith.constant 4000 : i32
      %add3A_509 = arith.addi %add3A_508, %add3A_435 : i32
      %swap3A_510 = arith.constant 1 : i32
      %swap3A_511 = arith.index_cast %swap3A_510 : i32 to index
      %swap3A_512 = arith.index_cast %add3A_509 : i32 to index
      %swap3A_513 = tpu.vector_load %arg10[%swap3A_511, %swap3A_512] {strides = array<i32>} : memref<3x10000xf32, #tpu.memory_space<vmem>>, vector<16xf32>,
      tpu.vector_store %arg10[%swap3A_511, %swap3A_512], %sub3A_507 {strides = array<i32>} : memref<3x10000xf32, #tpu.memory_space<vmem>>, vector<16xf32>,
      %sub3A_514 = arith.subf %add3A_461, %add3A_499 : vector<16xf32>
      %add3A_515 = arith.constant 4000 : i32
      %add3A_516 = arith.addi %add3A_515, %add3A_435 : i32
      %swap3A_517 = arith.constant 2 : i32
      %swap3A_518 = arith.index_cast %swap3A_517 : i32 to index
      %swap3A_519 = arith.index_cast %add3A_516 : i32 to index
      %swap3A_520 = tpu.vector_load %arg10[%swap3A_518, %swap3A_519] {strides = array<i32>} : memref<3x10000xf32, #tpu.memory_space<vmem>>, vector<16xf32>,
      tpu.vector_store %arg10[%swap3A_518, %swap3A_519], %sub3A_514 {strides = array<i32>} : memref<3x10000xf32, #tpu.memory_space<vmem>>, vector<16xf32>,
      %add3A_521 = arith.constant 64 : i32
      %add3A_522 = arith.addi %mul3A_179, %add3A_521 : i32
      %add3A_523 = vector.broadcast %add3A_522 : i32 to vector<16xi32>
      %add3A_524 = arith.addi %iota3A, %add3A_523 : vector<16xi32>
      %gather3A_525 = tpu.vector_load_idx %arg6[%add3A_524, %broadcast_in_dim3A_3] : memref<2000x8xf32, #tpu.memory_space<vmem>>[vector<16xi32>, vector<16xi32>], vector<16xf32>,
      %add3A_526 = arith.constant 3 : i32
      %add3A_527 = vector.broadcast %add3A_526 : i32 to vector<16xi32>
      %add3A_528 = arith.addi %broadcast_in_dim3A_3, %add3A_527 : vector<16xi32>
      %gather3A_529 = tpu.vector_load_idx %arg7[%add3A_524, %add3A_528] : memref<2000x8xf32, #tpu.memory_space<vmem>>[vector<16xi32>, vector<16xi32>], vector<16xf32>,
      %add3A_530 = arith.addf %gather3A_525, %gather3A_529 : vector<16xf32>
      %add3A_531 = arith.constant 1 : i32
      %add3A_532 = vector.broadcast %add3A_531 : i32 to vector<16xi32>
      %add3A_533 = arith.addi %broadcast_in_dim3A_3, %add3A_532 : vector<16xi32>
      %gather3A_534 = tpu.vector_load_idx %arg6[%add3A_524, %add3A_533] : memref<2000x8xf32, #tpu.memory_space<vmem>>[vector<16xi32>, vector<16xi32>], vector<16xf32>,
      %add3A_535 = arith.constant 4 : i32
      %add3A_536 = vector.broadcast %add3A_535 : i32 to vector<16xi32>
      %add3A_537 = arith.addi %broadcast_in_dim3A_3, %add3A_536 : vector<16xi32>
      %gather3A_538 = tpu.vector_load_idx %arg7[%add3A_524, %add3A_537] : memref<2000x8xf32, #tpu.memory_space<vmem>>[vector<16xi32>, vector<16xi32>], vector<16xf32>,
      %add3A_539 = arith.addf %gather3A_534, %gather3A_538 : vector<16xf32>
      %add3A_540 = arith.constant 2 : i32
      %add3A_541 = vector.broadcast %add3A_540 : i32 to vector<16xi32>
      %add3A_542 = arith.addi %broadcast_in_dim3A_3, %add3A_541 : vector<16xi32>
      %gather3A_543 = tpu.vector_load_idx %arg6[%add3A_524, %add3A_542] : memref<2000x8xf32, #tpu.memory_space<vmem>>[vector<16xi32>, vector<16xi32>], vector<16xf32>,
      %add3A_544 = arith.constant 5 : i32
      %add3A_545 = vector.broadcast %add3A_544 : i32 to vector<16xi32>
      %add3A_546 = arith.addi %broadcast_in_dim3A_3, %add3A_545 : vector<16xi32>
      %gather3A_547 = tpu.vector_load_idx %arg7[%add3A_524, %add3A_546] : memref<2000x8xf32, #tpu.memory_space<vmem>>[vector<16xi32>, vector<16xi32>], vector<16xf32>,
      %add3A_548 = arith.addf %gather3A_543, %gather3A_547 : vector<16xf32>
      %max3A_549 = arith.maximumf %add3A_530, %add3A_539 : vector<16xf32>
      %min3A_550 = arith.minimumf %add3A_530, %add3A_539 : vector<16xf32>
      %max3A_551 = arith.maximumf %max3A_549, %add3A_548 : vector<16xf32>
      %sub3A_552 = arith.subf %min3A_550, %max3A_551 : vector<16xf32>
      %min3A_553 = arith.minimumf %max3A_549, %add3A_548 : vector<16xf32>
      %sub3A_554 = arith.subf %min3A_553, %max3A_551 : vector<16xf32>
      %exp3A_555 = math.exp %sub3A_552 : vector<16xf32>
      %add3A_556 = arith.constant 1.000000e+00 : f32
      %add3A_557 = vector.broadcast %add3A_556 : f32 to vector<16xf32>
      %add3A_558 = arith.addf %add3A_557, %exp3A_555 : vector<16xf32>
      %exp3A_559 = math.exp %sub3A_554 : vector<16xf32>
      %add3A_560 = arith.addf %add3A_558, %exp3A_559 : vector<16xf32>
      %mul3A_561 = arith.constant 5.000000e-01 : f32
      %mul3A_562 = vector.broadcast %mul3A_561 : f32 to vector<16xf32>
      %mul3A_563 = arith.mulf %mul3A_562, %add3A_560 : vector<16xf32>
      %sub3A_564 = arith.constant 1.000000e+00 : f32
      %sub3A_565 = vector.broadcast %sub3A_564 : f32 to vector<16xf32>
      %sub3A_566 = arith.subf %mul3A_563, %sub3A_565 : vector<16xf32>
      %add3A_567 = arith.constant 1.000000e+00 : f32
      %add3A_568 = vector.broadcast %add3A_567 : f32 to vector<16xf32>
      %add3A_569 = arith.addf %mul3A_563, %add3A_568 : vector<16xf32>
      %div3A_570 = arith.divf %sub3A_566, %add3A_569 : vector<16xf32>
      %mul3A_571 = arith.mulf %div3A_570, %div3A_570 : vector<16xf32>
      %mul3A_572 = arith.constant 4.000000e-01 : f32
      %mul3A_573 = vector.broadcast %mul3A_572 : f32 to vector<16xf32>
      %mul3A_574 = arith.mulf %mul3A_571, %mul3A_573 : vector<16xf32>
      %add3A_575 = arith.constant 0.666666686 : f32
      %add3A_576 = vector.broadcast %add3A_575 : f32 to vector<16xf32>
      %add3A_577 = arith.addf %add3A_576, %mul3A_574 : vector<16xf32>
      %mul3A_578 = arith.mulf %mul3A_571, %add3A_577 : vector<16xf32>
      %add3A_579 = arith.constant 2.000000e+00 : f32
      %add3A_580 = vector.broadcast %add3A_579 : f32 to vector<16xf32>
      %add3A_581 = arith.addf %add3A_580, %mul3A_578 : vector<16xf32>
      %mul3A_582 = arith.mulf %div3A_570, %add3A_581 : vector<16xf32>
      %add3A_583 = arith.constant 0.693147182 : f32
      %add3A_584 = vector.broadcast %add3A_583 : f32 to vector<16xf32>
      %add3A_585 = arith.addf %add3A_584, %mul3A_582 : vector<16xf32>
      %add3A_586 = arith.addf %max3A_551, %add3A_585 : vector<16xf32>
      %sub3A_587 = arith.subf %add3A_530, %add3A_586 : vector<16xf32>
      %add3A_588 = arith.constant 4000 : i32
      %add3A_589 = arith.addi %add3A_588, %add3A_522 : i32
      %swap3A_590 = arith.constant 0 : i32
      %swap3A_591 = arith.index_cast %swap3A_590 : i32 to index
      %swap3A_592 = arith.index_cast %add3A_589 : i32 to index
      %swap3A_593 = tpu.vector_load %arg10[%swap3A_591, %swap3A_592] {strides = array<i32>} : memref<3x10000xf32, #tpu.memory_space<vmem>>, vector<16xf32>,
      tpu.vector_store %arg10[%swap3A_591, %swap3A_592], %sub3A_587 {strides = array<i32>} : memref<3x10000xf32, #tpu.memory_space<vmem>>, vector<16xf32>,
      %sub3A_594 = arith.subf %add3A_539, %add3A_586 : vector<16xf32>
      %add3A_595 = arith.constant 4000 : i32
      %add3A_596 = arith.addi %add3A_595, %add3A_522 : i32
      %swap3A_597 = arith.constant 1 : i32
      %swap3A_598 = arith.index_cast %swap3A_597 : i32 to index
      %swap3A_599 = arith.index_cast %add3A_596 : i32 to index
      %swap3A_600 = tpu.vector_load %arg10[%swap3A_598, %swap3A_599] {strides = array<i32>} : memref<3x10000xf32, #tpu.memory_space<vmem>>, vector<16xf32>,
      tpu.vector_store %arg10[%swap3A_598, %swap3A_599], %sub3A_594 {strides = array<i32>} : memref<3x10000xf32, #tpu.memory_space<vmem>>, vector<16xf32>,
      %sub3A_601 = arith.subf %add3A_548, %add3A_586 : vector<16xf32>
      %add3A_602 = arith.constant 4000 : i32
      %add3A_603 = arith.addi %add3A_602, %add3A_522 : i32
      %swap3A_604 = arith.constant 2 : i32
      %swap3A_605 = arith.index_cast %swap3A_604 : i32 to index
      %swap3A_606 = arith.index_cast %add3A_603 : i32 to index
      %swap3A_607 = tpu.vector_load %arg10[%swap3A_605, %swap3A_606] {strides = array<i32>} : memref<3x10000xf32, #tpu.memory_space<vmem>>, vector<16xf32>,
      tpu.vector_store %arg10[%swap3A_605, %swap3A_606], %sub3A_601 {strides = array<i32>} : memref<3x10000xf32, #tpu.memory_space<vmem>>, vector<16xf32>,
      %scan3A_608 = arith.constant 0 : i32
      scf.yield %scan3A_608 : i32
    }
    %scan3A_119 = arith.constant 25 : i32
    %dma_start3A_120 = arith.constant 0 : i32
    %dma_start3A_121 = arith.constant 8000 : i32
    %dma_start3A_122 = tpu.memref_slice %arg5[%dma_start3A_120, %dma_start3A_121] : memref<2x10000xi32, #tpu.memory_space<vmem>> -> memref<1x2000xi32, #tpu.memory_space<vmem>>
    %dma_start3A_123 = tpu.memref_squeeze %dma_start3A_122 : memref<1x2000xi32, #tpu.memory_space<vmem>> -> memref<2000xi32, #tpu.memory_space<vmem>>
    %dma_start3A_124 = arith.constant 0 : i32
    %dma_start3A_125 = arith.constant 0 : i32
    %dma_start3A_126 = tpu.memref_slice %arg2[%dma_start3A_124, %dma_start3A_125] : memref<10000x8xf32, #tpu.memory_space<hbm>> -> memref<10000x8xf32, #tpu.memory_space<hbm>>
    tpu.enqueue_indirect_dma source(%dma_start3A_126 : memref<10000x8xf32, #tpu.memory_space<hbm>>) target(%arg6 : memref<2000x8xf32, #tpu.memory_space<vmem>>) offsets(%dma_start3A_123 : memref<2000xi32, #tpu.memory_space<vmem>>) semaphore(%arg11 : memref<!tpu.dma_semaphore, #tpu.memory_space<semaphore_mem>>)
    %dma_start3A_127 = arith.constant 1 : i32
    %dma_start3A_128 = arith.constant 8000 : i32
    %dma_start3A_129 = tpu.memref_slice %arg5[%dma_start3A_127, %dma_start3A_128] : memref<2x10000xi32, #tpu.memory_space<vmem>> -> memref<1x2000xi32, #tpu.memory_space<vmem>>
    %dma_start3A_130 = tpu.memref_squeeze %dma_start3A_129 : memref<1x2000xi32, #tpu.memory_space<vmem>> -> memref<2000xi32, #tpu.memory_space<vmem>>
    %dma_start3A_131 = arith.constant 0 : i32
    %dma_start3A_132 = arith.constant 0 : i32
    %dma_start3A_133 = tpu.memref_slice %arg2[%dma_start3A_131, %dma_start3A_132] : memref<10000x8xf32, #tpu.memory_space<hbm>> -> memref<10000x8xf32, #tpu.memory_space<hbm>>
    tpu.enqueue_indirect_dma source(%dma_start3A_133 : memref<10000x8xf32, #tpu.memory_space<hbm>>) target(%arg7 : memref<2000x8xf32, #tpu.memory_space<vmem>>) offsets(%dma_start3A_130 : memref<2000xi32, #tpu.memory_space<vmem>>) semaphore(%arg11 : memref<!tpu.dma_semaphore, #tpu.memory_space<semaphore_mem>>)
    %dma_wait3A_134 = arith.constant 0 : i32
    %dma_wait3A_135 = arith.constant 6000 : i32
    %dma_wait3A_136 = tpu.memref_slice %arg5[%dma_wait3A_134, %dma_wait3A_135] : memref<2x10000xi32, #tpu.memory_space<vmem>> -> memref<1x2000xi32, #tpu.memory_space<vmem>>
    %dma_wait3A_137 = tpu.memref_squeeze %dma_wait3A_136 : memref<1x2000xi32, #tpu.memory_space<vmem>> -> memref<2000xi32, #tpu.memory_space<vmem>>
    %dma_wait3A_138 = arith.constant 0 : i32
    %dma_wait3A_139 = arith.constant 0 : i32
    %dma_wait3A_140 = tpu.memref_slice %arg2[%dma_wait3A_138, %dma_wait3A_139] : memref<10000x8xf32, #tpu.memory_space<hbm>> -> memref<10000x8xf32, #tpu.memory_space<hbm>>
    tpu.wait_indirect_dma semaphore(%arg12 : memref<!tpu.dma_semaphore, #tpu.memory_space<semaphore_mem>>) src(%dma_wait3A_140 : memref<10000x8xf32, #tpu.memory_space<hbm>>) dst(%arg8 : memref<2000x8xf32, #tpu.memory_space<vmem>>)
    %dma_wait3A_141 = arith.constant 1 : i32
    %dma_wait3A_142 = arith.constant 6000 : i32
    %dma_wait3A_143 = tpu.memref_slice %arg5[%dma_wait3A_141, %dma_wait3A_142] : memref<2x10000xi32, #tpu.memory_space<vmem>> -> memref<1x2000xi32, #tpu.memory_space<vmem>>
    %dma_wait3A_144 = tpu.memref_squeeze %dma_wait3A_143 : memref<1x2000xi32, #tpu.memory_space<vmem>> -> memref<2000xi32, #tpu.memory_space<vmem>>
    %dma_wait3A_145 = arith.constant 0 : i32
    %dma_wait3A_146 = arith.constant 0 : i32
    %dma_wait3A_147 = tpu.memref_slice %arg2[%dma_wait3A_145, %dma_wait3A_146] : memref<10000x8xf32, #tpu.memory_space<hbm>> -> memref<10000x8xf32, #tpu.memory_space<hbm>>
    tpu.wait_indirect_dma semaphore(%arg12 : memref<!tpu.dma_semaphore, #tpu.memory_space<semaphore_mem>>) src(%dma_wait3A_147 : memref<10000x8xf32, #tpu.memory_space<hbm>>) dst(%arg9 : memref<2000x8xf32, #tpu.memory_space<vmem>>)
    %scan3A_148 = arith.constant 0 : i32
    %scan3A_149 = arith.constant 0 : i32
    %scan3A_150 = arith.constant 25 : i32
    %scan3A_151 = arith.addi %scan3A_149, %scan3A_150 : i32
    %scan3A_152 = arith.constant 1 : i32
    %scan3A_153 = scf.for %scan3A_176 = %scan3A_149 to %scan3A_151 step %scan3A_152 iter_args(%scan3A_177 = %scan3A_148) -> (i32)  : i32 {
      %mul3A_178 = arith.constant 80 : i32
      %mul3A_179 = arith.muli %scan3A_176, %mul3A_178 : i32
      %add3A_180 = arith.constant 0 : i32
      %add3A_181 = arith.addi %mul3A_179, %add3A_180 : i32
      %add3A_182 = vector.broadcast %add3A_181 : i32 to vector<16xi32>
      %add3A_183 = arith.addi %iota3A, %add3A_182 : vector<16xi32>
      %gather3A = tpu.vector_load_idx %arg8[%add3A_183, %broadcast_in_dim3A_3] : memref<2000x8xf32, #tpu.memory_space<vmem>>[vector<16xi32>, vector<16xi32>], vector<16xf32>,
      %add3A_184 = arith.constant 3 : i32
      %add3A_185 = vector.broadcast %add3A_184 : i32 to vector<16xi32>
      %add3A_186 = arith.addi %broadcast_in_dim3A_3, %add3A_185 : vector<16xi32>
      %gather3A_187 = tpu.vector_load_idx %arg9[%add3A_183, %add3A_186] : memref<2000x8xf32, #tpu.memory_space<vmem>>[vector<16xi32>, vector<16xi32>], vector<16xf32>,
      %add3A_188 = arith.addf %gather3A, %gather3A_187 : vector<16xf32>
      %add3A_189 = arith.constant 1 : i32
      %add3A_190 = vector.broadcast %add3A_189 : i32 to vector<16xi32>
      %add3A_191 = arith.addi %broadcast_in_dim3A_3, %add3A_190 : vector<16xi32>
      %gather3A_192 = tpu.vector_load_idx %arg8[%add3A_183, %add3A_191] : memref<2000x8xf32, #tpu.memory_space<vmem>>[vector<16xi32>, vector<16xi32>], vector<16xf32>,
      %add3A_193 = arith.constant 4 : i32
      %add3A_194 = vector.broadcast %add3A_193 : i32 to vector<16xi32>
      %add3A_195 = arith.addi %broadcast_in_dim3A_3, %add3A_194 : vector<16xi32>
      %gather3A_196 = tpu.vector_load_idx %arg9[%add3A_183, %add3A_195] : memref<2000x8xf32, #tpu.memory_space<vmem>>[vector<16xi32>, vector<16xi32>], vector<16xf32>,
      %add3A_197 = arith.addf %gather3A_192, %gather3A_196 : vector<16xf32>
      %add3A_198 = arith.constant 2 : i32
      %add3A_199 = vector.broadcast %add3A_198 : i32 to vector<16xi32>
      %add3A_200 = arith.addi %broadcast_in_dim3A_3, %add3A_199 : vector<16xi32>
      %gather3A_201 = tpu.vector_load_idx %arg8[%add3A_183, %add3A_200] : memref<2000x8xf32, #tpu.memory_space<vmem>>[vector<16xi32>, vector<16xi32>], vector<16xf32>,
      %add3A_202 = arith.constant 5 : i32
      %add3A_203 = vector.broadcast %add3A_202 : i32 to vector<16xi32>
      %add3A_204 = arith.addi %broadcast_in_dim3A_3, %add3A_203 : vector<16xi32>
      %gather3A_205 = tpu.vector_load_idx %arg9[%add3A_183, %add3A_204] : memref<2000x8xf32, #tpu.memory_space<vmem>>[vector<16xi32>, vector<16xi32>], vector<16xf32>,
      %add3A_206 = arith.addf %gather3A_201, %gather3A_205 : vector<16xf32>
      %max3A = arith.maximumf %add3A_188, %add3A_197 : vector<16xf32>
      %min3A = arith.minimumf %add3A_188, %add3A_197 : vector<16xf32>
      %max3A_207 = arith.maximumf %max3A, %add3A_206 : vector<16xf32>
      %sub3A = arith.subf %min3A, %max3A_207 : vector<16xf32>
      %min3A_208 = arith.minimumf %max3A, %add3A_206 : vector<16xf32>
      %sub3A_209 = arith.subf %min3A_208, %max3A_207 : vector<16xf32>
      %exp3A = math.exp %sub3A : vector<16xf32>
      %add3A_210 = arith.constant 1.000000e+00 : f32
      %add3A_211 = vector.broadcast %add3A_210 : f32 to vector<16xf32>
      %add3A_212 = arith.addf %add3A_211, %exp3A : vector<16xf32>
      %exp3A_213 = math.exp %sub3A_209 : vector<16xf32>
      %add3A_214 = arith.addf %add3A_212, %exp3A_213 : vector<16xf32>
      %mul3A_215 = arith.constant 5.000000e-01 : f32
      %mul3A_216 = vector.broadcast %mul3A_215 : f32 to vector<16xf32>
      %mul3A_217 = arith.mulf %mul3A_216, %add3A_214 : vector<16xf32>
      %sub3A_218 = arith.constant 1.000000e+00 : f32
      %sub3A_219 = vector.broadcast %sub3A_218 : f32 to vector<16xf32>
      %sub3A_220 = arith.subf %mul3A_217, %sub3A_219 : vector<16xf32>
      %add3A_221 = arith.constant 1.000000e+00 : f32
      %add3A_222 = vector.broadcast %add3A_221 : f32 to vector<16xf32>
      %add3A_223 = arith.addf %mul3A_217, %add3A_222 : vector<16xf32>
      %div3A = arith.divf %sub3A_220, %add3A_223 : vector<16xf32>
      %mul3A_224 = arith.mulf %div3A, %div3A : vector<16xf32>
      %mul3A_225 = arith.constant 4.000000e-01 : f32
      %mul3A_226 = vector.broadcast %mul3A_225 : f32 to vector<16xf32>
      %mul3A_227 = arith.mulf %mul3A_224, %mul3A_226 : vector<16xf32>
      %add3A_228 = arith.constant 0.666666686 : f32
      %add3A_229 = vector.broadcast %add3A_228 : f32 to vector<16xf32>
      %add3A_230 = arith.addf %add3A_229, %mul3A_227 : vector<16xf32>
      %mul3A_231 = arith.mulf %mul3A_224, %add3A_230 : vector<16xf32>
      %add3A_232 = arith.constant 2.000000e+00 : f32
      %add3A_233 = vector.broadcast %add3A_232 : f32 to vector<16xf32>
      %add3A_234 = arith.addf %add3A_233, %mul3A_231 : vector<16xf32>
      %mul3A_235 = arith.mulf %div3A, %add3A_234 : vector<16xf32>
      %add3A_236 = arith.constant 0.693147182 : f32
      %add3A_237 = vector.broadcast %add3A_236 : f32 to vector<16xf32>
      %add3A_238 = arith.addf %add3A_237, %mul3A_235 : vector<16xf32>
      %add3A_239 = arith.addf %max3A_207, %add3A_238 : vector<16xf32>
      %sub3A_240 = arith.subf %add3A_188, %add3A_239 : vector<16xf32>
      %add3A_241 = arith.constant 6000 : i32
      %add3A_242 = arith.addi %add3A_241, %add3A_181 : i32
      %swap3A = arith.constant 0 : i32
      %swap3A_243 = arith.index_cast %swap3A : i32 to index
      %swap3A_244 = arith.index_cast %add3A_242 : i32 to index
      %swap3A_245 = tpu.vector_load %arg10[%swap3A_243, %swap3A_244] {strides = array<i32>} : memref<3x10000xf32, #tpu.memory_space<vmem>>, vector<16xf32>,
      tpu.vector_store %arg10[%swap3A_243, %swap3A_244], %sub3A_240 {strides = array<i32>} : memref<3x10000xf32, #tpu.memory_space<vmem>>, vector<16xf32>,
      %sub3A_246 = arith.subf %add3A_197, %add3A_239 : vector<16xf32>
      %add3A_247 = arith.constant 6000 : i32
      %add3A_248 = arith.addi %add3A_247, %add3A_181 : i32
      %swap3A_249 = arith.constant 1 : i32
      %swap3A_250 = arith.index_cast %swap3A_249 : i32 to index
      %swap3A_251 = arith.index_cast %add3A_248 : i32 to index
      %swap3A_252 = tpu.vector_load %arg10[%swap3A_250, %swap3A_251] {strides = array<i32>} : memref<3x10000xf32, #tpu.memory_space<vmem>>, vector<16xf32>,
      tpu.vector_store %arg10[%swap3A_250, %swap3A_251], %sub3A_246 {strides = array<i32>} : memref<3x10000xf32, #tpu.memory_space<vmem>>, vector<16xf32>,
      %sub3A_253 = arith.subf %add3A_206, %add3A_239 : vector<16xf32>
      %add3A_254 = arith.constant 6000 : i32
      %add3A_255 = arith.addi %add3A_254, %add3A_181 : i32
      %swap3A_256 = arith.constant 2 : i32
      %swap3A_257 = arith.index_cast %swap3A_256 : i32 to index
      %swap3A_258 = arith.index_cast %add3A_255 : i32 to index
      %swap3A_259 = tpu.vector_load %arg10[%swap3A_257, %swap3A_258] {strides = array<i32>} : memref<3x10000xf32, #tpu.memory_space<vmem>>, vector<16xf32>,
      tpu.vector_store %arg10[%swap3A_257, %swap3A_258], %sub3A_253 {strides = array<i32>} : memref<3x10000xf32, #tpu.memory_space<vmem>>, vector<16xf32>,
      %add3A_260 = arith.constant 16 : i32
      %add3A_261 = arith.addi %mul3A_179, %add3A_260 : i32
      %add3A_262 = vector.broadcast %add3A_261 : i32 to vector<16xi32>
      %add3A_263 = arith.addi %iota3A, %add3A_262 : vector<16xi32>
      %gather3A_264 = tpu.vector_load_idx %arg8[%add3A_263, %broadcast_in_dim3A_3] : memref<2000x8xf32, #tpu.memory_space<vmem>>[vector<16xi32>, vector<16xi32>], vector<16xf32>,
      %add3A_265 = arith.constant 3 : i32
      %add3A_266 = vector.broadcast %add3A_265 : i32 to vector<16xi32>
      %add3A_267 = arith.addi %broadcast_in_dim3A_3, %add3A_266 : vector<16xi32>
      %gather3A_268 = tpu.vector_load_idx %arg9[%add3A_263, %add3A_267] : memref<2000x8xf32, #tpu.memory_space<vmem>>[vector<16xi32>, vector<16xi32>], vector<16xf32>,
      %add3A_269 = arith.addf %gather3A_264, %gather3A_268 : vector<16xf32>
      %add3A_270 = arith.constant 1 : i32
      %add3A_271 = vector.broadcast %add3A_270 : i32 to vector<16xi32>
      %add3A_272 = arith.addi %broadcast_in_dim3A_3, %add3A_271 : vector<16xi32>
      %gather3A_273 = tpu.vector_load_idx %arg8[%add3A_263, %add3A_272] : memref<2000x8xf32, #tpu.memory_space<vmem>>[vector<16xi32>, vector<16xi32>], vector<16xf32>,
      %add3A_274 = arith.constant 4 : i32
      %add3A_275 = vector.broadcast %add3A_274 : i32 to vector<16xi32>
      %add3A_276 = arith.addi %broadcast_in_dim3A_3, %add3A_275 : vector<16xi32>
      %gather3A_277 = tpu.vector_load_idx %arg9[%add3A_263, %add3A_276] : memref<2000x8xf32, #tpu.memory_space<vmem>>[vector<16xi32>, vector<16xi32>], vector<16xf32>,
      %add3A_278 = arith.addf %gather3A_273, %gather3A_277 : vector<16xf32>
      %add3A_279 = arith.constant 2 : i32
      %add3A_280 = vector.broadcast %add3A_279 : i32 to vector<16xi32>
      %add3A_281 = arith.addi %broadcast_in_dim3A_3, %add3A_280 : vector<16xi32>
      %gather3A_282 = tpu.vector_load_idx %arg8[%add3A_263, %add3A_281] : memref<2000x8xf32, #tpu.memory_space<vmem>>[vector<16xi32>, vector<16xi32>], vector<16xf32>,
      %add3A_283 = arith.constant 5 : i32
      %add3A_284 = vector.broadcast %add3A_283 : i32 to vector<16xi32>
      %add3A_285 = arith.addi %broadcast_in_dim3A_3, %add3A_284 : vector<16xi32>
      %gather3A_286 = tpu.vector_load_idx %arg9[%add3A_263, %add3A_285] : memref<2000x8xf32, #tpu.memory_space<vmem>>[vector<16xi32>, vector<16xi32>], vector<16xf32>,
      %add3A_287 = arith.addf %gather3A_282, %gather3A_286 : vector<16xf32>
      %max3A_288 = arith.maximumf %add3A_269, %add3A_278 : vector<16xf32>
      %min3A_289 = arith.minimumf %add3A_269, %add3A_278 : vector<16xf32>
      %max3A_290 = arith.maximumf %max3A_288, %add3A_287 : vector<16xf32>
      %sub3A_291 = arith.subf %min3A_289, %max3A_290 : vector<16xf32>
      %min3A_292 = arith.minimumf %max3A_288, %add3A_287 : vector<16xf32>
      %sub3A_293 = arith.subf %min3A_292, %max3A_290 : vector<16xf32>
      %exp3A_294 = math.exp %sub3A_291 : vector<16xf32>
      %add3A_295 = arith.constant 1.000000e+00 : f32
      %add3A_296 = vector.broadcast %add3A_295 : f32 to vector<16xf32>
      %add3A_297 = arith.addf %add3A_296, %exp3A_294 : vector<16xf32>
      %exp3A_298 = math.exp %sub3A_293 : vector<16xf32>
      %add3A_299 = arith.addf %add3A_297, %exp3A_298 : vector<16xf32>
      %mul3A_300 = arith.constant 5.000000e-01 : f32
      %mul3A_301 = vector.broadcast %mul3A_300 : f32 to vector<16xf32>
      %mul3A_302 = arith.mulf %mul3A_301, %add3A_299 : vector<16xf32>
      %sub3A_303 = arith.constant 1.000000e+00 : f32
      %sub3A_304 = vector.broadcast %sub3A_303 : f32 to vector<16xf32>
      %sub3A_305 = arith.subf %mul3A_302, %sub3A_304 : vector<16xf32>
      %add3A_306 = arith.constant 1.000000e+00 : f32
      %add3A_307 = vector.broadcast %add3A_306 : f32 to vector<16xf32>
      %add3A_308 = arith.addf %mul3A_302, %add3A_307 : vector<16xf32>
      %div3A_309 = arith.divf %sub3A_305, %add3A_308 : vector<16xf32>
      %mul3A_310 = arith.mulf %div3A_309, %div3A_309 : vector<16xf32>
      %mul3A_311 = arith.constant 4.000000e-01 : f32
      %mul3A_312 = vector.broadcast %mul3A_311 : f32 to vector<16xf32>
      %mul3A_313 = arith.mulf %mul3A_310, %mul3A_312 : vector<16xf32>
      %add3A_314 = arith.constant 0.666666686 : f32
      %add3A_315 = vector.broadcast %add3A_314 : f32 to vector<16xf32>
      %add3A_316 = arith.addf %add3A_315, %mul3A_313 : vector<16xf32>
      %mul3A_317 = arith.mulf %mul3A_310, %add3A_316 : vector<16xf32>
      %add3A_318 = arith.constant 2.000000e+00 : f32
      %add3A_319 = vector.broadcast %add3A_318 : f32 to vector<16xf32>
      %add3A_320 = arith.addf %add3A_319, %mul3A_317 : vector<16xf32>
      %mul3A_321 = arith.mulf %div3A_309, %add3A_320 : vector<16xf32>
      %add3A_322 = arith.constant 0.693147182 : f32
      %add3A_323 = vector.broadcast %add3A_322 : f32 to vector<16xf32>
      %add3A_324 = arith.addf %add3A_323, %mul3A_321 : vector<16xf32>
      %add3A_325 = arith.addf %max3A_290, %add3A_324 : vector<16xf32>
      %sub3A_326 = arith.subf %add3A_269, %add3A_325 : vector<16xf32>
      %add3A_327 = arith.constant 6000 : i32
      %add3A_328 = arith.addi %add3A_327, %add3A_261 : i32
      %swap3A_329 = arith.constant 0 : i32
      %swap3A_330 = arith.index_cast %swap3A_329 : i32 to index
      %swap3A_331 = arith.index_cast %add3A_328 : i32 to index
      %swap3A_332 = tpu.vector_load %arg10[%swap3A_330, %swap3A_331] {strides = array<i32>} : memref<3x10000xf32, #tpu.memory_space<vmem>>, vector<16xf32>,
      tpu.vector_store %arg10[%swap3A_330, %swap3A_331], %sub3A_326 {strides = array<i32>} : memref<3x10000xf32, #tpu.memory_space<vmem>>, vector<16xf32>,
      %sub3A_333 = arith.subf %add3A_278, %add3A_325 : vector<16xf32>
      %add3A_334 = arith.constant 6000 : i32
      %add3A_335 = arith.addi %add3A_334, %add3A_261 : i32
      %swap3A_336 = arith.constant 1 : i32
      %swap3A_337 = arith.index_cast %swap3A_336 : i32 to index
      %swap3A_338 = arith.index_cast %add3A_335 : i32 to index
      %swap3A_339 = tpu.vector_load %arg10[%swap3A_337, %swap3A_338] {strides = array<i32>} : memref<3x10000xf32, #tpu.memory_space<vmem>>, vector<16xf32>,
      tpu.vector_store %arg10[%swap3A_337, %swap3A_338], %sub3A_333 {strides = array<i32>} : memref<3x10000xf32, #tpu.memory_space<vmem>>, vector<16xf32>,
      %sub3A_340 = arith.subf %add3A_287, %add3A_325 : vector<16xf32>
      %add3A_341 = arith.constant 6000 : i32
      %add3A_342 = arith.addi %add3A_341, %add3A_261 : i32
      %swap3A_343 = arith.constant 2 : i32
      %swap3A_344 = arith.index_cast %swap3A_343 : i32 to index
      %swap3A_345 = arith.index_cast %add3A_342 : i32 to index
      %swap3A_346 = tpu.vector_load %arg10[%swap3A_344, %swap3A_345] {strides = array<i32>} : memref<3x10000xf32, #tpu.memory_space<vmem>>, vector<16xf32>,
      tpu.vector_store %arg10[%swap3A_344, %swap3A_345], %sub3A_340 {strides = array<i32>} : memref<3x10000xf32, #tpu.memory_space<vmem>>, vector<16xf32>,
      %add3A_347 = arith.constant 32 : i32
      %add3A_348 = arith.addi %mul3A_179, %add3A_347 : i32
      %add3A_349 = vector.broadcast %add3A_348 : i32 to vector<16xi32>
      %add3A_350 = arith.addi %iota3A, %add3A_349 : vector<16xi32>
      %gather3A_351 = tpu.vector_load_idx %arg8[%add3A_350, %broadcast_in_dim3A_3] : memref<2000x8xf32, #tpu.memory_space<vmem>>[vector<16xi32>, vector<16xi32>], vector<16xf32>,
      %add3A_352 = arith.constant 3 : i32
      %add3A_353 = vector.broadcast %add3A_352 : i32 to vector<16xi32>
      %add3A_354 = arith.addi %broadcast_in_dim3A_3, %add3A_353 : vector<16xi32>
      %gather3A_355 = tpu.vector_load_idx %arg9[%add3A_350, %add3A_354] : memref<2000x8xf32, #tpu.memory_space<vmem>>[vector<16xi32>, vector<16xi32>], vector<16xf32>,
      %add3A_356 = arith.addf %gather3A_351, %gather3A_355 : vector<16xf32>
      %add3A_357 = arith.constant 1 : i32
      %add3A_358 = vector.broadcast %add3A_357 : i32 to vector<16xi32>
      %add3A_359 = arith.addi %broadcast_in_dim3A_3, %add3A_358 : vector<16xi32>
      %gather3A_360 = tpu.vector_load_idx %arg8[%add3A_350, %add3A_359] : memref<2000x8xf32, #tpu.memory_space<vmem>>[vector<16xi32>, vector<16xi32>], vector<16xf32>,
      %add3A_361 = arith.constant 4 : i32
      %add3A_362 = vector.broadcast %add3A_361 : i32 to vector<16xi32>
      %add3A_363 = arith.addi %broadcast_in_dim3A_3, %add3A_362 : vector<16xi32>
      %gather3A_364 = tpu.vector_load_idx %arg9[%add3A_350, %add3A_363] : memref<2000x8xf32, #tpu.memory_space<vmem>>[vector<16xi32>, vector<16xi32>], vector<16xf32>,
      %add3A_365 = arith.addf %gather3A_360, %gather3A_364 : vector<16xf32>
      %add3A_366 = arith.constant 2 : i32
      %add3A_367 = vector.broadcast %add3A_366 : i32 to vector<16xi32>
      %add3A_368 = arith.addi %broadcast_in_dim3A_3, %add3A_367 : vector<16xi32>
      %gather3A_369 = tpu.vector_load_idx %arg8[%add3A_350, %add3A_368] : memref<2000x8xf32, #tpu.memory_space<vmem>>[vector<16xi32>, vector<16xi32>], vector<16xf32>,
      %add3A_370 = arith.constant 5 : i32
      %add3A_371 = vector.broadcast %add3A_370 : i32 to vector<16xi32>
      %add3A_372 = arith.addi %broadcast_in_dim3A_3, %add3A_371 : vector<16xi32>
      %gather3A_373 = tpu.vector_load_idx %arg9[%add3A_350, %add3A_372] : memref<2000x8xf32, #tpu.memory_space<vmem>>[vector<16xi32>, vector<16xi32>], vector<16xf32>,
      %add3A_374 = arith.addf %gather3A_369, %gather3A_373 : vector<16xf32>
      %max3A_375 = arith.maximumf %add3A_356, %add3A_365 : vector<16xf32>
      %min3A_376 = arith.minimumf %add3A_356, %add3A_365 : vector<16xf32>
      %max3A_377 = arith.maximumf %max3A_375, %add3A_374 : vector<16xf32>
      %sub3A_378 = arith.subf %min3A_376, %max3A_377 : vector<16xf32>
      %min3A_379 = arith.minimumf %max3A_375, %add3A_374 : vector<16xf32>
      %sub3A_380 = arith.subf %min3A_379, %max3A_377 : vector<16xf32>
      %exp3A_381 = math.exp %sub3A_378 : vector<16xf32>
      %add3A_382 = arith.constant 1.000000e+00 : f32
      %add3A_383 = vector.broadcast %add3A_382 : f32 to vector<16xf32>
      %add3A_384 = arith.addf %add3A_383, %exp3A_381 : vector<16xf32>
      %exp3A_385 = math.exp %sub3A_380 : vector<16xf32>
      %add3A_386 = arith.addf %add3A_384, %exp3A_385 : vector<16xf32>
      %mul3A_387 = arith.constant 5.000000e-01 : f32
      %mul3A_388 = vector.broadcast %mul3A_387 : f32 to vector<16xf32>
      %mul3A_389 = arith.mulf %mul3A_388, %add3A_386 : vector<16xf32>
      %sub3A_390 = arith.constant 1.000000e+00 : f32
      %sub3A_391 = vector.broadcast %sub3A_390 : f32 to vector<16xf32>
      %sub3A_392 = arith.subf %mul3A_389, %sub3A_391 : vector<16xf32>
      %add3A_393 = arith.constant 1.000000e+00 : f32
      %add3A_394 = vector.broadcast %add3A_393 : f32 to vector<16xf32>
      %add3A_395 = arith.addf %mul3A_389, %add3A_394 : vector<16xf32>
      %div3A_396 = arith.divf %sub3A_392, %add3A_395 : vector<16xf32>
      %mul3A_397 = arith.mulf %div3A_396, %div3A_396 : vector<16xf32>
      %mul3A_398 = arith.constant 4.000000e-01 : f32
      %mul3A_399 = vector.broadcast %mul3A_398 : f32 to vector<16xf32>
      %mul3A_400 = arith.mulf %mul3A_397, %mul3A_399 : vector<16xf32>
      %add3A_401 = arith.constant 0.666666686 : f32
      %add3A_402 = vector.broadcast %add3A_401 : f32 to vector<16xf32>
      %add3A_403 = arith.addf %add3A_402, %mul3A_400 : vector<16xf32>
      %mul3A_404 = arith.mulf %mul3A_397, %add3A_403 : vector<16xf32>
      %add3A_405 = arith.constant 2.000000e+00 : f32
      %add3A_406 = vector.broadcast %add3A_405 : f32 to vector<16xf32>
      %add3A_407 = arith.addf %add3A_406, %mul3A_404 : vector<16xf32>
      %mul3A_408 = arith.mulf %div3A_396, %add3A_407 : vector<16xf32>
      %add3A_409 = arith.constant 0.693147182 : f32
      %add3A_410 = vector.broadcast %add3A_409 : f32 to vector<16xf32>
      %add3A_411 = arith.addf %add3A_410, %mul3A_408 : vector<16xf32>
      %add3A_412 = arith.addf %max3A_377, %add3A_411 : vector<16xf32>
      %sub3A_413 = arith.subf %add3A_356, %add3A_412 : vector<16xf32>
      %add3A_414 = arith.constant 6000 : i32
      %add3A_415 = arith.addi %add3A_414, %add3A_348 : i32
      %swap3A_416 = arith.constant 0 : i32
      %swap3A_417 = arith.index_cast %swap3A_416 : i32 to index
      %swap3A_418 = arith.index_cast %add3A_415 : i32 to index
      %swap3A_419 = tpu.vector_load %arg10[%swap3A_417, %swap3A_418] {strides = array<i32>} : memref<3x10000xf32, #tpu.memory_space<vmem>>, vector<16xf32>,
      tpu.vector_store %arg10[%swap3A_417, %swap3A_418], %sub3A_413 {strides = array<i32>} : memref<3x10000xf32, #tpu.memory_space<vmem>>, vector<16xf32>,
      %sub3A_420 = arith.subf %add3A_365, %add3A_412 : vector<16xf32>
      %add3A_421 = arith.constant 6000 : i32
      %add3A_422 = arith.addi %add3A_421, %add3A_348 : i32
      %swap3A_423 = arith.constant 1 : i32
      %swap3A_424 = arith.index_cast %swap3A_423 : i32 to index
      %swap3A_425 = arith.index_cast %add3A_422 : i32 to index
      %swap3A_426 = tpu.vector_load %arg10[%swap3A_424, %swap3A_425] {strides = array<i32>} : memref<3x10000xf32, #tpu.memory_space<vmem>>, vector<16xf32>,
      tpu.vector_store %arg10[%swap3A_424, %swap3A_425], %sub3A_420 {strides = array<i32>} : memref<3x10000xf32, #tpu.memory_space<vmem>>, vector<16xf32>,
      %sub3A_427 = arith.subf %add3A_374, %add3A_412 : vector<16xf32>
      %add3A_428 = arith.constant 6000 : i32
      %add3A_429 = arith.addi %add3A_428, %add3A_348 : i32
      %swap3A_430 = arith.constant 2 : i32
      %swap3A_431 = arith.index_cast %swap3A_430 : i32 to index
      %swap3A_432 = arith.index_cast %add3A_429 : i32 to index
      %swap3A_433 = tpu.vector_load %arg10[%swap3A_431, %swap3A_432] {strides = array<i32>} : memref<3x10000xf32, #tpu.memory_space<vmem>>, vector<16xf32>,
      tpu.vector_store %arg10[%swap3A_431, %swap3A_432], %sub3A_427 {strides = array<i32>} : memref<3x10000xf32, #tpu.memory_space<vmem>>, vector<16xf32>,
      %add3A_434 = arith.constant 48 : i32
      %add3A_435 = arith.addi %mul3A_179, %add3A_434 : i32
      %add3A_436 = vector.broadcast %add3A_435 : i32 to vector<16xi32>
      %add3A_437 = arith.addi %iota3A, %add3A_436 : vector<16xi32>
      %gather3A_438 = tpu.vector_load_idx %arg8[%add3A_437, %broadcast_in_dim3A_3] : memref<2000x8xf32, #tpu.memory_space<vmem>>[vector<16xi32>, vector<16xi32>], vector<16xf32>,
      %add3A_439 = arith.constant 3 : i32
      %add3A_440 = vector.broadcast %add3A_439 : i32 to vector<16xi32>
      %add3A_441 = arith.addi %broadcast_in_dim3A_3, %add3A_440 : vector<16xi32>
      %gather3A_442 = tpu.vector_load_idx %arg9[%add3A_437, %add3A_441] : memref<2000x8xf32, #tpu.memory_space<vmem>>[vector<16xi32>, vector<16xi32>], vector<16xf32>,
      %add3A_443 = arith.addf %gather3A_438, %gather3A_442 : vector<16xf32>
      %add3A_444 = arith.constant 1 : i32
      %add3A_445 = vector.broadcast %add3A_444 : i32 to vector<16xi32>
      %add3A_446 = arith.addi %broadcast_in_dim3A_3, %add3A_445 : vector<16xi32>
      %gather3A_447 = tpu.vector_load_idx %arg8[%add3A_437, %add3A_446] : memref<2000x8xf32, #tpu.memory_space<vmem>>[vector<16xi32>, vector<16xi32>], vector<16xf32>,
      %add3A_448 = arith.constant 4 : i32
      %add3A_449 = vector.broadcast %add3A_448 : i32 to vector<16xi32>
      %add3A_450 = arith.addi %broadcast_in_dim3A_3, %add3A_449 : vector<16xi32>
      %gather3A_451 = tpu.vector_load_idx %arg9[%add3A_437, %add3A_450] : memref<2000x8xf32, #tpu.memory_space<vmem>>[vector<16xi32>, vector<16xi32>], vector<16xf32>,
      %add3A_452 = arith.addf %gather3A_447, %gather3A_451 : vector<16xf32>
      %add3A_453 = arith.constant 2 : i32
      %add3A_454 = vector.broadcast %add3A_453 : i32 to vector<16xi32>
      %add3A_455 = arith.addi %broadcast_in_dim3A_3, %add3A_454 : vector<16xi32>
      %gather3A_456 = tpu.vector_load_idx %arg8[%add3A_437, %add3A_455] : memref<2000x8xf32, #tpu.memory_space<vmem>>[vector<16xi32>, vector<16xi32>], vector<16xf32>,
      %add3A_457 = arith.constant 5 : i32
      %add3A_458 = vector.broadcast %add3A_457 : i32 to vector<16xi32>
      %add3A_459 = arith.addi %broadcast_in_dim3A_3, %add3A_458 : vector<16xi32>
      %gather3A_460 = tpu.vector_load_idx %arg9[%add3A_437, %add3A_459] : memref<2000x8xf32, #tpu.memory_space<vmem>>[vector<16xi32>, vector<16xi32>], vector<16xf32>,
      %add3A_461 = arith.addf %gather3A_456, %gather3A_460 : vector<16xf32>
      %max3A_462 = arith.maximumf %add3A_443, %add3A_452 : vector<16xf32>
      %min3A_463 = arith.minimumf %add3A_443, %add3A_452 : vector<16xf32>
      %max3A_464 = arith.maximumf %max3A_462, %add3A_461 : vector<16xf32>
      %sub3A_465 = arith.subf %min3A_463, %max3A_464 : vector<16xf32>
      %min3A_466 = arith.minimumf %max3A_462, %add3A_461 : vector<16xf32>
      %sub3A_467 = arith.subf %min3A_466, %max3A_464 : vector<16xf32>
      %exp3A_468 = math.exp %sub3A_465 : vector<16xf32>
      %add3A_469 = arith.constant 1.000000e+00 : f32
      %add3A_470 = vector.broadcast %add3A_469 : f32 to vector<16xf32>
      %add3A_471 = arith.addf %add3A_470, %exp3A_468 : vector<16xf32>
      %exp3A_472 = math.exp %sub3A_467 : vector<16xf32>
      %add3A_473 = arith.addf %add3A_471, %exp3A_472 : vector<16xf32>
      %mul3A_474 = arith.constant 5.000000e-01 : f32
      %mul3A_475 = vector.broadcast %mul3A_474 : f32 to vector<16xf32>
      %mul3A_476 = arith.mulf %mul3A_475, %add3A_473 : vector<16xf32>
      %sub3A_477 = arith.constant 1.000000e+00 : f32
      %sub3A_478 = vector.broadcast %sub3A_477 : f32 to vector<16xf32>
      %sub3A_479 = arith.subf %mul3A_476, %sub3A_478 : vector<16xf32>
      %add3A_480 = arith.constant 1.000000e+00 : f32
      %add3A_481 = vector.broadcast %add3A_480 : f32 to vector<16xf32>
      %add3A_482 = arith.addf %mul3A_476, %add3A_481 : vector<16xf32>
      %div3A_483 = arith.divf %sub3A_479, %add3A_482 : vector<16xf32>
      %mul3A_484 = arith.mulf %div3A_483, %div3A_483 : vector<16xf32>
      %mul3A_485 = arith.constant 4.000000e-01 : f32
      %mul3A_486 = vector.broadcast %mul3A_485 : f32 to vector<16xf32>
      %mul3A_487 = arith.mulf %mul3A_484, %mul3A_486 : vector<16xf32>
      %add3A_488 = arith.constant 0.666666686 : f32
      %add3A_489 = vector.broadcast %add3A_488 : f32 to vector<16xf32>
      %add3A_490 = arith.addf %add3A_489, %mul3A_487 : vector<16xf32>
      %mul3A_491 = arith.mulf %mul3A_484, %add3A_490 : vector<16xf32>
      %add3A_492 = arith.constant 2.000000e+00 : f32
      %add3A_493 = vector.broadcast %add3A_492 : f32 to vector<16xf32>
      %add3A_494 = arith.addf %add3A_493, %mul3A_491 : vector<16xf32>
      %mul3A_495 = arith.mulf %div3A_483, %add3A_494 : vector<16xf32>
      %add3A_496 = arith.constant 0.693147182 : f32
      %add3A_497 = vector.broadcast %add3A_496 : f32 to vector<16xf32>
      %add3A_498 = arith.addf %add3A_497, %mul3A_495 : vector<16xf32>
      %add3A_499 = arith.addf %max3A_464, %add3A_498 : vector<16xf32>
      %sub3A_500 = arith.subf %add3A_443, %add3A_499 : vector<16xf32>
      %add3A_501 = arith.constant 6000 : i32
      %add3A_502 = arith.addi %add3A_501, %add3A_435 : i32
      %swap3A_503 = arith.constant 0 : i32
      %swap3A_504 = arith.index_cast %swap3A_503 : i32 to index
      %swap3A_505 = arith.index_cast %add3A_502 : i32 to index
      %swap3A_506 = tpu.vector_load %arg10[%swap3A_504, %swap3A_505] {strides = array<i32>} : memref<3x10000xf32, #tpu.memory_space<vmem>>, vector<16xf32>,
      tpu.vector_store %arg10[%swap3A_504, %swap3A_505], %sub3A_500 {strides = array<i32>} : memref<3x10000xf32, #tpu.memory_space<vmem>>, vector<16xf32>,
      %sub3A_507 = arith.subf %add3A_452, %add3A_499 : vector<16xf32>
      %add3A_508 = arith.constant 6000 : i32
      %add3A_509 = arith.addi %add3A_508, %add3A_435 : i32
      %swap3A_510 = arith.constant 1 : i32
      %swap3A_511 = arith.index_cast %swap3A_510 : i32 to index
      %swap3A_512 = arith.index_cast %add3A_509 : i32 to index
      %swap3A_513 = tpu.vector_load %arg10[%swap3A_511, %swap3A_512] {strides = array<i32>} : memref<3x10000xf32, #tpu.memory_space<vmem>>, vector<16xf32>,
      tpu.vector_store %arg10[%swap3A_511, %swap3A_512], %sub3A_507 {strides = array<i32>} : memref<3x10000xf32, #tpu.memory_space<vmem>>, vector<16xf32>,
      %sub3A_514 = arith.subf %add3A_461, %add3A_499 : vector<16xf32>
      %add3A_515 = arith.constant 6000 : i32
      %add3A_516 = arith.addi %add3A_515, %add3A_435 : i32
      %swap3A_517 = arith.constant 2 : i32
      %swap3A_518 = arith.index_cast %swap3A_517 : i32 to index
      %swap3A_519 = arith.index_cast %add3A_516 : i32 to index
      %swap3A_520 = tpu.vector_load %arg10[%swap3A_518, %swap3A_519] {strides = array<i32>} : memref<3x10000xf32, #tpu.memory_space<vmem>>, vector<16xf32>,
      tpu.vector_store %arg10[%swap3A_518, %swap3A_519], %sub3A_514 {strides = array<i32>} : memref<3x10000xf32, #tpu.memory_space<vmem>>, vector<16xf32>,
      %add3A_521 = arith.constant 64 : i32
      %add3A_522 = arith.addi %mul3A_179, %add3A_521 : i32
      %add3A_523 = vector.broadcast %add3A_522 : i32 to vector<16xi32>
      %add3A_524 = arith.addi %iota3A, %add3A_523 : vector<16xi32>
      %gather3A_525 = tpu.vector_load_idx %arg8[%add3A_524, %broadcast_in_dim3A_3] : memref<2000x8xf32, #tpu.memory_space<vmem>>[vector<16xi32>, vector<16xi32>], vector<16xf32>,
      %add3A_526 = arith.constant 3 : i32
      %add3A_527 = vector.broadcast %add3A_526 : i32 to vector<16xi32>
      %add3A_528 = arith.addi %broadcast_in_dim3A_3, %add3A_527 : vector<16xi32>
      %gather3A_529 = tpu.vector_load_idx %arg9[%add3A_524, %add3A_528] : memref<2000x8xf32, #tpu.memory_space<vmem>>[vector<16xi32>, vector<16xi32>], vector<16xf32>,
      %add3A_530 = arith.addf %gather3A_525, %gather3A_529 : vector<16xf32>
      %add3A_531 = arith.constant 1 : i32
      %add3A_532 = vector.broadcast %add3A_531 : i32 to vector<16xi32>
      %add3A_533 = arith.addi %broadcast_in_dim3A_3, %add3A_532 : vector<16xi32>
      %gather3A_534 = tpu.vector_load_idx %arg8[%add3A_524, %add3A_533] : memref<2000x8xf32, #tpu.memory_space<vmem>>[vector<16xi32>, vector<16xi32>], vector<16xf32>,
      %add3A_535 = arith.constant 4 : i32
      %add3A_536 = vector.broadcast %add3A_535 : i32 to vector<16xi32>
      %add3A_537 = arith.addi %broadcast_in_dim3A_3, %add3A_536 : vector<16xi32>
      %gather3A_538 = tpu.vector_load_idx %arg9[%add3A_524, %add3A_537] : memref<2000x8xf32, #tpu.memory_space<vmem>>[vector<16xi32>, vector<16xi32>], vector<16xf32>,
      %add3A_539 = arith.addf %gather3A_534, %gather3A_538 : vector<16xf32>
      %add3A_540 = arith.constant 2 : i32
      %add3A_541 = vector.broadcast %add3A_540 : i32 to vector<16xi32>
      %add3A_542 = arith.addi %broadcast_in_dim3A_3, %add3A_541 : vector<16xi32>
      %gather3A_543 = tpu.vector_load_idx %arg8[%add3A_524, %add3A_542] : memref<2000x8xf32, #tpu.memory_space<vmem>>[vector<16xi32>, vector<16xi32>], vector<16xf32>,
      %add3A_544 = arith.constant 5 : i32
      %add3A_545 = vector.broadcast %add3A_544 : i32 to vector<16xi32>
      %add3A_546 = arith.addi %broadcast_in_dim3A_3, %add3A_545 : vector<16xi32>
      %gather3A_547 = tpu.vector_load_idx %arg9[%add3A_524, %add3A_546] : memref<2000x8xf32, #tpu.memory_space<vmem>>[vector<16xi32>, vector<16xi32>], vector<16xf32>,
      %add3A_548 = arith.addf %gather3A_543, %gather3A_547 : vector<16xf32>
      %max3A_549 = arith.maximumf %add3A_530, %add3A_539 : vector<16xf32>
      %min3A_550 = arith.minimumf %add3A_530, %add3A_539 : vector<16xf32>
      %max3A_551 = arith.maximumf %max3A_549, %add3A_548 : vector<16xf32>
      %sub3A_552 = arith.subf %min3A_550, %max3A_551 : vector<16xf32>
      %min3A_553 = arith.minimumf %max3A_549, %add3A_548 : vector<16xf32>
      %sub3A_554 = arith.subf %min3A_553, %max3A_551 : vector<16xf32>
      %exp3A_555 = math.exp %sub3A_552 : vector<16xf32>
      %add3A_556 = arith.constant 1.000000e+00 : f32
      %add3A_557 = vector.broadcast %add3A_556 : f32 to vector<16xf32>
      %add3A_558 = arith.addf %add3A_557, %exp3A_555 : vector<16xf32>
      %exp3A_559 = math.exp %sub3A_554 : vector<16xf32>
      %add3A_560 = arith.addf %add3A_558, %exp3A_559 : vector<16xf32>
      %mul3A_561 = arith.constant 5.000000e-01 : f32
      %mul3A_562 = vector.broadcast %mul3A_561 : f32 to vector<16xf32>
      %mul3A_563 = arith.mulf %mul3A_562, %add3A_560 : vector<16xf32>
      %sub3A_564 = arith.constant 1.000000e+00 : f32
      %sub3A_565 = vector.broadcast %sub3A_564 : f32 to vector<16xf32>
      %sub3A_566 = arith.subf %mul3A_563, %sub3A_565 : vector<16xf32>
      %add3A_567 = arith.constant 1.000000e+00 : f32
      %add3A_568 = vector.broadcast %add3A_567 : f32 to vector<16xf32>
      %add3A_569 = arith.addf %mul3A_563, %add3A_568 : vector<16xf32>
      %div3A_570 = arith.divf %sub3A_566, %add3A_569 : vector<16xf32>
      %mul3A_571 = arith.mulf %div3A_570, %div3A_570 : vector<16xf32>
      %mul3A_572 = arith.constant 4.000000e-01 : f32
      %mul3A_573 = vector.broadcast %mul3A_572 : f32 to vector<16xf32>
      %mul3A_574 = arith.mulf %mul3A_571, %mul3A_573 : vector<16xf32>
      %add3A_575 = arith.constant 0.666666686 : f32
      %add3A_576 = vector.broadcast %add3A_575 : f32 to vector<16xf32>
      %add3A_577 = arith.addf %add3A_576, %mul3A_574 : vector<16xf32>
      %mul3A_578 = arith.mulf %mul3A_571, %add3A_577 : vector<16xf32>
      %add3A_579 = arith.constant 2.000000e+00 : f32
      %add3A_580 = vector.broadcast %add3A_579 : f32 to vector<16xf32>
      %add3A_581 = arith.addf %add3A_580, %mul3A_578 : vector<16xf32>
      %mul3A_582 = arith.mulf %div3A_570, %add3A_581 : vector<16xf32>
      %add3A_583 = arith.constant 0.693147182 : f32
      %add3A_584 = vector.broadcast %add3A_583 : f32 to vector<16xf32>
      %add3A_585 = arith.addf %add3A_584, %mul3A_582 : vector<16xf32>
      %add3A_586 = arith.addf %max3A_551, %add3A_585 : vector<16xf32>
      %sub3A_587 = arith.subf %add3A_530, %add3A_586 : vector<16xf32>
      %add3A_588 = arith.constant 6000 : i32
      %add3A_589 = arith.addi %add3A_588, %add3A_522 : i32
      %swap3A_590 = arith.constant 0 : i32
      %swap3A_591 = arith.index_cast %swap3A_590 : i32 to index
      %swap3A_592 = arith.index_cast %add3A_589 : i32 to index
      %swap3A_593 = tpu.vector_load %arg10[%swap3A_591, %swap3A_592] {strides = array<i32>} : memref<3x10000xf32, #tpu.memory_space<vmem>>, vector<16xf32>,
      tpu.vector_store %arg10[%swap3A_591, %swap3A_592], %sub3A_587 {strides = array<i32>} : memref<3x10000xf32, #tpu.memory_space<vmem>>, vector<16xf32>,
      %sub3A_594 = arith.subf %add3A_539, %add3A_586 : vector<16xf32>
      %add3A_595 = arith.constant 6000 : i32
      %add3A_596 = arith.addi %add3A_595, %add3A_522 : i32
      %swap3A_597 = arith.constant 1 : i32
      %swap3A_598 = arith.index_cast %swap3A_597 : i32 to index
      %swap3A_599 = arith.index_cast %add3A_596 : i32 to index
      %swap3A_600 = tpu.vector_load %arg10[%swap3A_598, %swap3A_599] {strides = array<i32>} : memref<3x10000xf32, #tpu.memory_space<vmem>>, vector<16xf32>,
      tpu.vector_store %arg10[%swap3A_598, %swap3A_599], %sub3A_594 {strides = array<i32>} : memref<3x10000xf32, #tpu.memory_space<vmem>>, vector<16xf32>,
      %sub3A_601 = arith.subf %add3A_548, %add3A_586 : vector<16xf32>
      %add3A_602 = arith.constant 6000 : i32
      %add3A_603 = arith.addi %add3A_602, %add3A_522 : i32
      %swap3A_604 = arith.constant 2 : i32
      %swap3A_605 = arith.index_cast %swap3A_604 : i32 to index
      %swap3A_606 = arith.index_cast %add3A_603 : i32 to index
      %swap3A_607 = tpu.vector_load %arg10[%swap3A_605, %swap3A_606] {strides = array<i32>} : memref<3x10000xf32, #tpu.memory_space<vmem>>, vector<16xf32>,
      tpu.vector_store %arg10[%swap3A_605, %swap3A_606], %sub3A_601 {strides = array<i32>} : memref<3x10000xf32, #tpu.memory_space<vmem>>, vector<16xf32>,
      %scan3A_608 = arith.constant 0 : i32
      scf.yield %scan3A_608 : i32
    }
    %scan3A_154 = arith.constant 25 : i32
    %dma_wait3A_155 = arith.constant 0 : i32
    %dma_wait3A_156 = arith.constant 8000 : i32
    %dma_wait3A_157 = tpu.memref_slice %arg5[%dma_wait3A_155, %dma_wait3A_156] : memref<2x10000xi32, #tpu.memory_space<vmem>> -> memref<1x2000xi32, #tpu.memory_space<vmem>>
    %dma_wait3A_158 = tpu.memref_squeeze %dma_wait3A_157 : memref<1x2000xi32, #tpu.memory_space<vmem>> -> memref<2000xi32, #tpu.memory_space<vmem>>
    %dma_wait3A_159 = arith.constant 0 : i32
    %dma_wait3A_160 = arith.constant 0 : i32
    %dma_wait3A_161 = tpu.memref_slice %arg2[%dma_wait3A_159, %dma_wait3A_160] : memref<10000x8xf32, #tpu.memory_space<hbm>> -> memref<10000x8xf32, #tpu.memory_space<hbm>>
    tpu.wait_indirect_dma semaphore(%arg11 : memref<!tpu.dma_semaphore, #tpu.memory_space<semaphore_mem>>) src(%dma_wait3A_161 : memref<10000x8xf32, #tpu.memory_space<hbm>>) dst(%arg6 : memref<2000x8xf32, #tpu.memory_space<vmem>>)
    %dma_wait3A_162 = arith.constant 1 : i32
    %dma_wait3A_163 = arith.constant 8000 : i32
    %dma_wait3A_164 = tpu.memref_slice %arg5[%dma_wait3A_162, %dma_wait3A_163] : memref<2x10000xi32, #tpu.memory_space<vmem>> -> memref<1x2000xi32, #tpu.memory_space<vmem>>
    %dma_wait3A_165 = tpu.memref_squeeze %dma_wait3A_164 : memref<1x2000xi32, #tpu.memory_space<vmem>> -> memref<2000xi32, #tpu.memory_space<vmem>>
    %dma_wait3A_166 = arith.constant 0 : i32
    %dma_wait3A_167 = arith.constant 0 : i32
    %dma_wait3A_168 = tpu.memref_slice %arg2[%dma_wait3A_166, %dma_wait3A_167] : memref<10000x8xf32, #tpu.memory_space<hbm>> -> memref<10000x8xf32, #tpu.memory_space<hbm>>
    tpu.wait_indirect_dma semaphore(%arg11 : memref<!tpu.dma_semaphore, #tpu.memory_space<semaphore_mem>>) src(%dma_wait3A_168 : memref<10000x8xf32, #tpu.memory_space<hbm>>) dst(%arg7 : memref<2000x8xf32, #tpu.memory_space<vmem>>)
    %scan3A_169 = arith.constant 0 : i32
    %scan3A_170 = arith.constant 0 : i32
    %scan3A_171 = arith.constant 25 : i32
    %scan3A_172 = arith.addi %scan3A_170, %scan3A_171 : i32
    %scan3A_173 = arith.constant 1 : i32
    %scan3A_174 = scf.for %scan3A_176 = %scan3A_170 to %scan3A_172 step %scan3A_173 iter_args(%scan3A_177 = %scan3A_169) -> (i32)  : i32 {
      %mul3A_178 = arith.constant 80 : i32
      %mul3A_179 = arith.muli %scan3A_176, %mul3A_178 : i32
      %add3A_180 = arith.constant 0 : i32
      %add3A_181 = arith.addi %mul3A_179, %add3A_180 : i32
      %add3A_182 = vector.broadcast %add3A_181 : i32 to vector<16xi32>
      %add3A_183 = arith.addi %iota3A, %add3A_182 : vector<16xi32>
      %gather3A = tpu.vector_load_idx %arg6[%add3A_183, %broadcast_in_dim3A_3] : memref<2000x8xf32, #tpu.memory_space<vmem>>[vector<16xi32>, vector<16xi32>], vector<16xf32>,
      %add3A_184 = arith.constant 3 : i32
      %add3A_185 = vector.broadcast %add3A_184 : i32 to vector<16xi32>
      %add3A_186 = arith.addi %broadcast_in_dim3A_3, %add3A_185 : vector<16xi32>
      %gather3A_187 = tpu.vector_load_idx %arg7[%add3A_183, %add3A_186] : memref<2000x8xf32, #tpu.memory_space<vmem>>[vector<16xi32>, vector<16xi32>], vector<16xf32>,
      %add3A_188 = arith.addf %gather3A, %gather3A_187 : vector<16xf32>
      %add3A_189 = arith.constant 1 : i32
      %add3A_190 = vector.broadcast %add3A_189 : i32 to vector<16xi32>
      %add3A_191 = arith.addi %broadcast_in_dim3A_3, %add3A_190 : vector<16xi32>
      %gather3A_192 = tpu.vector_load_idx %arg6[%add3A_183, %add3A_191] : memref<2000x8xf32, #tpu.memory_space<vmem>>[vector<16xi32>, vector<16xi32>], vector<16xf32>,
      %add3A_193 = arith.constant 4 : i32
      %add3A_194 = vector.broadcast %add3A_193 : i32 to vector<16xi32>
      %add3A_195 = arith.addi %broadcast_in_dim3A_3, %add3A_194 : vector<16xi32>
      %gather3A_196 = tpu.vector_load_idx %arg7[%add3A_183, %add3A_195] : memref<2000x8xf32, #tpu.memory_space<vmem>>[vector<16xi32>, vector<16xi32>], vector<16xf32>,
      %add3A_197 = arith.addf %gather3A_192, %gather3A_196 : vector<16xf32>
      %add3A_198 = arith.constant 2 : i32
      %add3A_199 = vector.broadcast %add3A_198 : i32 to vector<16xi32>
      %add3A_200 = arith.addi %broadcast_in_dim3A_3, %add3A_199 : vector<16xi32>
      %gather3A_201 = tpu.vector_load_idx %arg6[%add3A_183, %add3A_200] : memref<2000x8xf32, #tpu.memory_space<vmem>>[vector<16xi32>, vector<16xi32>], vector<16xf32>,
      %add3A_202 = arith.constant 5 : i32
      %add3A_203 = vector.broadcast %add3A_202 : i32 to vector<16xi32>
      %add3A_204 = arith.addi %broadcast_in_dim3A_3, %add3A_203 : vector<16xi32>
      %gather3A_205 = tpu.vector_load_idx %arg7[%add3A_183, %add3A_204] : memref<2000x8xf32, #tpu.memory_space<vmem>>[vector<16xi32>, vector<16xi32>], vector<16xf32>,
      %add3A_206 = arith.addf %gather3A_201, %gather3A_205 : vector<16xf32>
      %max3A = arith.maximumf %add3A_188, %add3A_197 : vector<16xf32>
      %min3A = arith.minimumf %add3A_188, %add3A_197 : vector<16xf32>
      %max3A_207 = arith.maximumf %max3A, %add3A_206 : vector<16xf32>
      %sub3A = arith.subf %min3A, %max3A_207 : vector<16xf32>
      %min3A_208 = arith.minimumf %max3A, %add3A_206 : vector<16xf32>
      %sub3A_209 = arith.subf %min3A_208, %max3A_207 : vector<16xf32>
      %exp3A = math.exp %sub3A : vector<16xf32>
      %add3A_210 = arith.constant 1.000000e+00 : f32
      %add3A_211 = vector.broadcast %add3A_210 : f32 to vector<16xf32>
      %add3A_212 = arith.addf %add3A_211, %exp3A : vector<16xf32>
      %exp3A_213 = math.exp %sub3A_209 : vector<16xf32>
      %add3A_214 = arith.addf %add3A_212, %exp3A_213 : vector<16xf32>
      %mul3A_215 = arith.constant 5.000000e-01 : f32
      %mul3A_216 = vector.broadcast %mul3A_215 : f32 to vector<16xf32>
      %mul3A_217 = arith.mulf %mul3A_216, %add3A_214 : vector<16xf32>
      %sub3A_218 = arith.constant 1.000000e+00 : f32
      %sub3A_219 = vector.broadcast %sub3A_218 : f32 to vector<16xf32>
      %sub3A_220 = arith.subf %mul3A_217, %sub3A_219 : vector<16xf32>
      %add3A_221 = arith.constant 1.000000e+00 : f32
      %add3A_222 = vector.broadcast %add3A_221 : f32 to vector<16xf32>
      %add3A_223 = arith.addf %mul3A_217, %add3A_222 : vector<16xf32>
      %div3A = arith.divf %sub3A_220, %add3A_223 : vector<16xf32>
      %mul3A_224 = arith.mulf %div3A, %div3A : vector<16xf32>
      %mul3A_225 = arith.constant 4.000000e-01 : f32
      %mul3A_226 = vector.broadcast %mul3A_225 : f32 to vector<16xf32>
      %mul3A_227 = arith.mulf %mul3A_224, %mul3A_226 : vector<16xf32>
      %add3A_228 = arith.constant 0.666666686 : f32
      %add3A_229 = vector.broadcast %add3A_228 : f32 to vector<16xf32>
      %add3A_230 = arith.addf %add3A_229, %mul3A_227 : vector<16xf32>
      %mul3A_231 = arith.mulf %mul3A_224, %add3A_230 : vector<16xf32>
      %add3A_232 = arith.constant 2.000000e+00 : f32
      %add3A_233 = vector.broadcast %add3A_232 : f32 to vector<16xf32>
      %add3A_234 = arith.addf %add3A_233, %mul3A_231 : vector<16xf32>
      %mul3A_235 = arith.mulf %div3A, %add3A_234 : vector<16xf32>
      %add3A_236 = arith.constant 0.693147182 : f32
      %add3A_237 = vector.broadcast %add3A_236 : f32 to vector<16xf32>
      %add3A_238 = arith.addf %add3A_237, %mul3A_235 : vector<16xf32>
      %add3A_239 = arith.addf %max3A_207, %add3A_238 : vector<16xf32>
      %sub3A_240 = arith.subf %add3A_188, %add3A_239 : vector<16xf32>
      %add3A_241 = arith.constant 8000 : i32
      %add3A_242 = arith.addi %add3A_241, %add3A_181 : i32
      %swap3A = arith.constant 0 : i32
      %swap3A_243 = arith.index_cast %swap3A : i32 to index
      %swap3A_244 = arith.index_cast %add3A_242 : i32 to index
      %swap3A_245 = tpu.vector_load %arg10[%swap3A_243, %swap3A_244] {strides = array<i32>} : memref<3x10000xf32, #tpu.memory_space<vmem>>, vector<16xf32>,
      tpu.vector_store %arg10[%swap3A_243, %swap3A_244], %sub3A_240 {strides = array<i32>} : memref<3x10000xf32, #tpu.memory_space<vmem>>, vector<16xf32>,
      %sub3A_246 = arith.subf %add3A_197, %add3A_239 : vector<16xf32>
      %add3A_247 = arith.constant 8000 : i32
      %add3A_248 = arith.addi %add3A_247, %add3A_181 : i32
      %swap3A_249 = arith.constant 1 : i32
      %swap3A_250 = arith.index_cast %swap3A_249 : i32 to index
      %swap3A_251 = arith.index_cast %add3A_248 : i32 to index
      %swap3A_252 = tpu.vector_load %arg10[%swap3A_250, %swap3A_251] {strides = array<i32>} : memref<3x10000xf32, #tpu.memory_space<vmem>>, vector<16xf32>,
      tpu.vector_store %arg10[%swap3A_250, %swap3A_251], %sub3A_246 {strides = array<i32>} : memref<3x10000xf32, #tpu.memory_space<vmem>>, vector<16xf32>,
      %sub3A_253 = arith.subf %add3A_206, %add3A_239 : vector<16xf32>
      %add3A_254 = arith.constant 8000 : i32
      %add3A_255 = arith.addi %add3A_254, %add3A_181 : i32
      %swap3A_256 = arith.constant 2 : i32
      %swap3A_257 = arith.index_cast %swap3A_256 : i32 to index
      %swap3A_258 = arith.index_cast %add3A_255 : i32 to index
      %swap3A_259 = tpu.vector_load %arg10[%swap3A_257, %swap3A_258] {strides = array<i32>} : memref<3x10000xf32, #tpu.memory_space<vmem>>, vector<16xf32>,
      tpu.vector_store %arg10[%swap3A_257, %swap3A_258], %sub3A_253 {strides = array<i32>} : memref<3x10000xf32, #tpu.memory_space<vmem>>, vector<16xf32>,
      %add3A_260 = arith.constant 16 : i32
      %add3A_261 = arith.addi %mul3A_179, %add3A_260 : i32
      %add3A_262 = vector.broadcast %add3A_261 : i32 to vector<16xi32>
      %add3A_263 = arith.addi %iota3A, %add3A_262 : vector<16xi32>
      %gather3A_264 = tpu.vector_load_idx %arg6[%add3A_263, %broadcast_in_dim3A_3] : memref<2000x8xf32, #tpu.memory_space<vmem>>[vector<16xi32>, vector<16xi32>], vector<16xf32>,
      %add3A_265 = arith.constant 3 : i32
      %add3A_266 = vector.broadcast %add3A_265 : i32 to vector<16xi32>
      %add3A_267 = arith.addi %broadcast_in_dim3A_3, %add3A_266 : vector<16xi32>
      %gather3A_268 = tpu.vector_load_idx %arg7[%add3A_263, %add3A_267] : memref<2000x8xf32, #tpu.memory_space<vmem>>[vector<16xi32>, vector<16xi32>], vector<16xf32>,
      %add3A_269 = arith.addf %gather3A_264, %gather3A_268 : vector<16xf32>
      %add3A_270 = arith.constant 1 : i32
      %add3A_271 = vector.broadcast %add3A_270 : i32 to vector<16xi32>
      %add3A_272 = arith.addi %broadcast_in_dim3A_3, %add3A_271 : vector<16xi32>
      %gather3A_273 = tpu.vector_load_idx %arg6[%add3A_263, %add3A_272] : memref<2000x8xf32, #tpu.memory_space<vmem>>[vector<16xi32>, vector<16xi32>], vector<16xf32>,
      %add3A_274 = arith.constant 4 : i32
      %add3A_275 = vector.broadcast %add3A_274 : i32 to vector<16xi32>
      %add3A_276 = arith.addi %broadcast_in_dim3A_3, %add3A_275 : vector<16xi32>
      %gather3A_277 = tpu.vector_load_idx %arg7[%add3A_263, %add3A_276] : memref<2000x8xf32, #tpu.memory_space<vmem>>[vector<16xi32>, vector<16xi32>], vector<16xf32>,
      %add3A_278 = arith.addf %gather3A_273, %gather3A_277 : vector<16xf32>
      %add3A_279 = arith.constant 2 : i32
      %add3A_280 = vector.broadcast %add3A_279 : i32 to vector<16xi32>
      %add3A_281 = arith.addi %broadcast_in_dim3A_3, %add3A_280 : vector<16xi32>
      %gather3A_282 = tpu.vector_load_idx %arg6[%add3A_263, %add3A_281] : memref<2000x8xf32, #tpu.memory_space<vmem>>[vector<16xi32>, vector<16xi32>], vector<16xf32>,
      %add3A_283 = arith.constant 5 : i32
      %add3A_284 = vector.broadcast %add3A_283 : i32 to vector<16xi32>
      %add3A_285 = arith.addi %broadcast_in_dim3A_3, %add3A_284 : vector<16xi32>
      %gather3A_286 = tpu.vector_load_idx %arg7[%add3A_263, %add3A_285] : memref<2000x8xf32, #tpu.memory_space<vmem>>[vector<16xi32>, vector<16xi32>], vector<16xf32>,
      %add3A_287 = arith.addf %gather3A_282, %gather3A_286 : vector<16xf32>
      %max3A_288 = arith.maximumf %add3A_269, %add3A_278 : vector<16xf32>
      %min3A_289 = arith.minimumf %add3A_269, %add3A_278 : vector<16xf32>
      %max3A_290 = arith.maximumf %max3A_288, %add3A_287 : vector<16xf32>
      %sub3A_291 = arith.subf %min3A_289, %max3A_290 : vector<16xf32>
      %min3A_292 = arith.minimumf %max3A_288, %add3A_287 : vector<16xf32>
      %sub3A_293 = arith.subf %min3A_292, %max3A_290 : vector<16xf32>
      %exp3A_294 = math.exp %sub3A_291 : vector<16xf32>
      %add3A_295 = arith.constant 1.000000e+00 : f32
      %add3A_296 = vector.broadcast %add3A_295 : f32 to vector<16xf32>
      %add3A_297 = arith.addf %add3A_296, %exp3A_294 : vector<16xf32>
      %exp3A_298 = math.exp %sub3A_293 : vector<16xf32>
      %add3A_299 = arith.addf %add3A_297, %exp3A_298 : vector<16xf32>
      %mul3A_300 = arith.constant 5.000000e-01 : f32
      %mul3A_301 = vector.broadcast %mul3A_300 : f32 to vector<16xf32>
      %mul3A_302 = arith.mulf %mul3A_301, %add3A_299 : vector<16xf32>
      %sub3A_303 = arith.constant 1.000000e+00 : f32
      %sub3A_304 = vector.broadcast %sub3A_303 : f32 to vector<16xf32>
      %sub3A_305 = arith.subf %mul3A_302, %sub3A_304 : vector<16xf32>
      %add3A_306 = arith.constant 1.000000e+00 : f32
      %add3A_307 = vector.broadcast %add3A_306 : f32 to vector<16xf32>
      %add3A_308 = arith.addf %mul3A_302, %add3A_307 : vector<16xf32>
      %div3A_309 = arith.divf %sub3A_305, %add3A_308 : vector<16xf32>
      %mul3A_310 = arith.mulf %div3A_309, %div3A_309 : vector<16xf32>
      %mul3A_311 = arith.constant 4.000000e-01 : f32
      %mul3A_312 = vector.broadcast %mul3A_311 : f32 to vector<16xf32>
      %mul3A_313 = arith.mulf %mul3A_310, %mul3A_312 : vector<16xf32>
      %add3A_314 = arith.constant 0.666666686 : f32
      %add3A_315 = vector.broadcast %add3A_314 : f32 to vector<16xf32>
      %add3A_316 = arith.addf %add3A_315, %mul3A_313 : vector<16xf32>
      %mul3A_317 = arith.mulf %mul3A_310, %add3A_316 : vector<16xf32>
      %add3A_318 = arith.constant 2.000000e+00 : f32
      %add3A_319 = vector.broadcast %add3A_318 : f32 to vector<16xf32>
      %add3A_320 = arith.addf %add3A_319, %mul3A_317 : vector<16xf32>
      %mul3A_321 = arith.mulf %div3A_309, %add3A_320 : vector<16xf32>
      %add3A_322 = arith.constant 0.693147182 : f32
      %add3A_323 = vector.broadcast %add3A_322 : f32 to vector<16xf32>
      %add3A_324 = arith.addf %add3A_323, %mul3A_321 : vector<16xf32>
      %add3A_325 = arith.addf %max3A_290, %add3A_324 : vector<16xf32>
      %sub3A_326 = arith.subf %add3A_269, %add3A_325 : vector<16xf32>
      %add3A_327 = arith.constant 8000 : i32
      %add3A_328 = arith.addi %add3A_327, %add3A_261 : i32
      %swap3A_329 = arith.constant 0 : i32
      %swap3A_330 = arith.index_cast %swap3A_329 : i32 to index
      %swap3A_331 = arith.index_cast %add3A_328 : i32 to index
      %swap3A_332 = tpu.vector_load %arg10[%swap3A_330, %swap3A_331] {strides = array<i32>} : memref<3x10000xf32, #tpu.memory_space<vmem>>, vector<16xf32>,
      tpu.vector_store %arg10[%swap3A_330, %swap3A_331], %sub3A_326 {strides = array<i32>} : memref<3x10000xf32, #tpu.memory_space<vmem>>, vector<16xf32>,
      %sub3A_333 = arith.subf %add3A_278, %add3A_325 : vector<16xf32>
      %add3A_334 = arith.constant 8000 : i32
      %add3A_335 = arith.addi %add3A_334, %add3A_261 : i32
      %swap3A_336 = arith.constant 1 : i32
      %swap3A_337 = arith.index_cast %swap3A_336 : i32 to index
      %swap3A_338 = arith.index_cast %add3A_335 : i32 to index
      %swap3A_339 = tpu.vector_load %arg10[%swap3A_337, %swap3A_338] {strides = array<i32>} : memref<3x10000xf32, #tpu.memory_space<vmem>>, vector<16xf32>,
      tpu.vector_store %arg10[%swap3A_337, %swap3A_338], %sub3A_333 {strides = array<i32>} : memref<3x10000xf32, #tpu.memory_space<vmem>>, vector<16xf32>,
      %sub3A_340 = arith.subf %add3A_287, %add3A_325 : vector<16xf32>
      %add3A_341 = arith.constant 8000 : i32
      %add3A_342 = arith.addi %add3A_341, %add3A_261 : i32
      %swap3A_343 = arith.constant 2 : i32
      %swap3A_344 = arith.index_cast %swap3A_343 : i32 to index
      %swap3A_345 = arith.index_cast %add3A_342 : i32 to index
      %swap3A_346 = tpu.vector_load %arg10[%swap3A_344, %swap3A_345] {strides = array<i32>} : memref<3x10000xf32, #tpu.memory_space<vmem>>, vector<16xf32>,
      tpu.vector_store %arg10[%swap3A_344, %swap3A_345], %sub3A_340 {strides = array<i32>} : memref<3x10000xf32, #tpu.memory_space<vmem>>, vector<16xf32>,
      %add3A_347 = arith.constant 32 : i32
      %add3A_348 = arith.addi %mul3A_179, %add3A_347 : i32
      %add3A_349 = vector.broadcast %add3A_348 : i32 to vector<16xi32>
      %add3A_350 = arith.addi %iota3A, %add3A_349 : vector<16xi32>
      %gather3A_351 = tpu.vector_load_idx %arg6[%add3A_350, %broadcast_in_dim3A_3] : memref<2000x8xf32, #tpu.memory_space<vmem>>[vector<16xi32>, vector<16xi32>], vector<16xf32>,
      %add3A_352 = arith.constant 3 : i32
      %add3A_353 = vector.broadcast %add3A_352 : i32 to vector<16xi32>
      %add3A_354 = arith.addi %broadcast_in_dim3A_3, %add3A_353 : vector<16xi32>
      %gather3A_355 = tpu.vector_load_idx %arg7[%add3A_350, %add3A_354] : memref<2000x8xf32, #tpu.memory_space<vmem>>[vector<16xi32>, vector<16xi32>], vector<16xf32>,
      %add3A_356 = arith.addf %gather3A_351, %gather3A_355 : vector<16xf32>
      %add3A_357 = arith.constant 1 : i32
      %add3A_358 = vector.broadcast %add3A_357 : i32 to vector<16xi32>
      %add3A_359 = arith.addi %broadcast_in_dim3A_3, %add3A_358 : vector<16xi32>
      %gather3A_360 = tpu.vector_load_idx %arg6[%add3A_350, %add3A_359] : memref<2000x8xf32, #tpu.memory_space<vmem>>[vector<16xi32>, vector<16xi32>], vector<16xf32>,
      %add3A_361 = arith.constant 4 : i32
      %add3A_362 = vector.broadcast %add3A_361 : i32 to vector<16xi32>
      %add3A_363 = arith.addi %broadcast_in_dim3A_3, %add3A_362 : vector<16xi32>
      %gather3A_364 = tpu.vector_load_idx %arg7[%add3A_350, %add3A_363] : memref<2000x8xf32, #tpu.memory_space<vmem>>[vector<16xi32>, vector<16xi32>], vector<16xf32>,
      %add3A_365 = arith.addf %gather3A_360, %gather3A_364 : vector<16xf32>
      %add3A_366 = arith.constant 2 : i32
      %add3A_367 = vector.broadcast %add3A_366 : i32 to vector<16xi32>
      %add3A_368 = arith.addi %broadcast_in_dim3A_3, %add3A_367 : vector<16xi32>
      %gather3A_369 = tpu.vector_load_idx %arg6[%add3A_350, %add3A_368] : memref<2000x8xf32, #tpu.memory_space<vmem>>[vector<16xi32>, vector<16xi32>], vector<16xf32>,
      %add3A_370 = arith.constant 5 : i32
      %add3A_371 = vector.broadcast %add3A_370 : i32 to vector<16xi32>
      %add3A_372 = arith.addi %broadcast_in_dim3A_3, %add3A_371 : vector<16xi32>
      %gather3A_373 = tpu.vector_load_idx %arg7[%add3A_350, %add3A_372] : memref<2000x8xf32, #tpu.memory_space<vmem>>[vector<16xi32>, vector<16xi32>], vector<16xf32>,
      %add3A_374 = arith.addf %gather3A_369, %gather3A_373 : vector<16xf32>
      %max3A_375 = arith.maximumf %add3A_356, %add3A_365 : vector<16xf32>
      %min3A_376 = arith.minimumf %add3A_356, %add3A_365 : vector<16xf32>
      %max3A_377 = arith.maximumf %max3A_375, %add3A_374 : vector<16xf32>
      %sub3A_378 = arith.subf %min3A_376, %max3A_377 : vector<16xf32>
      %min3A_379 = arith.minimumf %max3A_375, %add3A_374 : vector<16xf32>
      %sub3A_380 = arith.subf %min3A_379, %max3A_377 : vector<16xf32>
      %exp3A_381 = math.exp %sub3A_378 : vector<16xf32>
      %add3A_382 = arith.constant 1.000000e+00 : f32
      %add3A_383 = vector.broadcast %add3A_382 : f32 to vector<16xf32>
      %add3A_384 = arith.addf %add3A_383, %exp3A_381 : vector<16xf32>
      %exp3A_385 = math.exp %sub3A_380 : vector<16xf32>
      %add3A_386 = arith.addf %add3A_384, %exp3A_385 : vector<16xf32>
      %mul3A_387 = arith.constant 5.000000e-01 : f32
      %mul3A_388 = vector.broadcast %mul3A_387 : f32 to vector<16xf32>
      %mul3A_389 = arith.mulf %mul3A_388, %add3A_386 : vector<16xf32>
      %sub3A_390 = arith.constant 1.000000e+00 : f32
      %sub3A_391 = vector.broadcast %sub3A_390 : f32 to vector<16xf32>
      %sub3A_392 = arith.subf %mul3A_389, %sub3A_391 : vector<16xf32>
      %add3A_393 = arith.constant 1.000000e+00 : f32
      %add3A_394 = vector.broadcast %add3A_393 : f32 to vector<16xf32>
      %add3A_395 = arith.addf %mul3A_389, %add3A_394 : vector<16xf32>
      %div3A_396 = arith.divf %sub3A_392, %add3A_395 : vector<16xf32>
      %mul3A_397 = arith.mulf %div3A_396, %div3A_396 : vector<16xf32>
      %mul3A_398 = arith.constant 4.000000e-01 : f32
      %mul3A_399 = vector.broadcast %mul3A_398 : f32 to vector<16xf32>
      %mul3A_400 = arith.mulf %mul3A_397, %mul3A_399 : vector<16xf32>
      %add3A_401 = arith.constant 0.666666686 : f32
      %add3A_402 = vector.broadcast %add3A_401 : f32 to vector<16xf32>
      %add3A_403 = arith.addf %add3A_402, %mul3A_400 : vector<16xf32>
      %mul3A_404 = arith.mulf %mul3A_397, %add3A_403 : vector<16xf32>
      %add3A_405 = arith.constant 2.000000e+00 : f32
      %add3A_406 = vector.broadcast %add3A_405 : f32 to vector<16xf32>
      %add3A_407 = arith.addf %add3A_406, %mul3A_404 : vector<16xf32>
      %mul3A_408 = arith.mulf %div3A_396, %add3A_407 : vector<16xf32>
      %add3A_409 = arith.constant 0.693147182 : f32
      %add3A_410 = vector.broadcast %add3A_409 : f32 to vector<16xf32>
      %add3A_411 = arith.addf %add3A_410, %mul3A_408 : vector<16xf32>
      %add3A_412 = arith.addf %max3A_377, %add3A_411 : vector<16xf32>
      %sub3A_413 = arith.subf %add3A_356, %add3A_412 : vector<16xf32>
      %add3A_414 = arith.constant 8000 : i32
      %add3A_415 = arith.addi %add3A_414, %add3A_348 : i32
      %swap3A_416 = arith.constant 0 : i32
      %swap3A_417 = arith.index_cast %swap3A_416 : i32 to index
      %swap3A_418 = arith.index_cast %add3A_415 : i32 to index
      %swap3A_419 = tpu.vector_load %arg10[%swap3A_417, %swap3A_418] {strides = array<i32>} : memref<3x10000xf32, #tpu.memory_space<vmem>>, vector<16xf32>,
      tpu.vector_store %arg10[%swap3A_417, %swap3A_418], %sub3A_413 {strides = array<i32>} : memref<3x10000xf32, #tpu.memory_space<vmem>>, vector<16xf32>,
      %sub3A_420 = arith.subf %add3A_365, %add3A_412 : vector<16xf32>
      %add3A_421 = arith.constant 8000 : i32
      %add3A_422 = arith.addi %add3A_421, %add3A_348 : i32
      %swap3A_423 = arith.constant 1 : i32
      %swap3A_424 = arith.index_cast %swap3A_423 : i32 to index
      %swap3A_425 = arith.index_cast %add3A_422 : i32 to index
      %swap3A_426 = tpu.vector_load %arg10[%swap3A_424, %swap3A_425] {strides = array<i32>} : memref<3x10000xf32, #tpu.memory_space<vmem>>, vector<16xf32>,
      tpu.vector_store %arg10[%swap3A_424, %swap3A_425], %sub3A_420 {strides = array<i32>} : memref<3x10000xf32, #tpu.memory_space<vmem>>, vector<16xf32>,
      %sub3A_427 = arith.subf %add3A_374, %add3A_412 : vector<16xf32>
      %add3A_428 = arith.constant 8000 : i32
      %add3A_429 = arith.addi %add3A_428, %add3A_348 : i32
      %swap3A_430 = arith.constant 2 : i32
      %swap3A_431 = arith.index_cast %swap3A_430 : i32 to index
      %swap3A_432 = arith.index_cast %add3A_429 : i32 to index
      %swap3A_433 = tpu.vector_load %arg10[%swap3A_431, %swap3A_432] {strides = array<i32>} : memref<3x10000xf32, #tpu.memory_space<vmem>>, vector<16xf32>,
      tpu.vector_store %arg10[%swap3A_431, %swap3A_432], %sub3A_427 {strides = array<i32>} : memref<3x10000xf32, #tpu.memory_space<vmem>>, vector<16xf32>,
      %add3A_434 = arith.constant 48 : i32
      %add3A_435 = arith.addi %mul3A_179, %add3A_434 : i32
      %add3A_436 = vector.broadcast %add3A_435 : i32 to vector<16xi32>
      %add3A_437 = arith.addi %iota3A, %add3A_436 : vector<16xi32>
      %gather3A_438 = tpu.vector_load_idx %arg6[%add3A_437, %broadcast_in_dim3A_3] : memref<2000x8xf32, #tpu.memory_space<vmem>>[vector<16xi32>, vector<16xi32>], vector<16xf32>,
      %add3A_439 = arith.constant 3 : i32
      %add3A_440 = vector.broadcast %add3A_439 : i32 to vector<16xi32>
      %add3A_441 = arith.addi %broadcast_in_dim3A_3, %add3A_440 : vector<16xi32>
      %gather3A_442 = tpu.vector_load_idx %arg7[%add3A_437, %add3A_441] : memref<2000x8xf32, #tpu.memory_space<vmem>>[vector<16xi32>, vector<16xi32>], vector<16xf32>,
      %add3A_443 = arith.addf %gather3A_438, %gather3A_442 : vector<16xf32>
      %add3A_444 = arith.constant 1 : i32
      %add3A_445 = vector.broadcast %add3A_444 : i32 to vector<16xi32>
      %add3A_446 = arith.addi %broadcast_in_dim3A_3, %add3A_445 : vector<16xi32>
      %gather3A_447 = tpu.vector_load_idx %arg6[%add3A_437, %add3A_446] : memref<2000x8xf32, #tpu.memory_space<vmem>>[vector<16xi32>, vector<16xi32>], vector<16xf32>,
      %add3A_448 = arith.constant 4 : i32
      %add3A_449 = vector.broadcast %add3A_448 : i32 to vector<16xi32>
      %add3A_450 = arith.addi %broadcast_in_dim3A_3, %add3A_449 : vector<16xi32>
      %gather3A_451 = tpu.vector_load_idx %arg7[%add3A_437, %add3A_450] : memref<2000x8xf32, #tpu.memory_space<vmem>>[vector<16xi32>, vector<16xi32>], vector<16xf32>,
      %add3A_452 = arith.addf %gather3A_447, %gather3A_451 : vector<16xf32>
      %add3A_453 = arith.constant 2 : i32
      %add3A_454 = vector.broadcast %add3A_453 : i32 to vector<16xi32>
      %add3A_455 = arith.addi %broadcast_in_dim3A_3, %add3A_454 : vector<16xi32>
      %gather3A_456 = tpu.vector_load_idx %arg6[%add3A_437, %add3A_455] : memref<2000x8xf32, #tpu.memory_space<vmem>>[vector<16xi32>, vector<16xi32>], vector<16xf32>,
      %add3A_457 = arith.constant 5 : i32
      %add3A_458 = vector.broadcast %add3A_457 : i32 to vector<16xi32>
      %add3A_459 = arith.addi %broadcast_in_dim3A_3, %add3A_458 : vector<16xi32>
      %gather3A_460 = tpu.vector_load_idx %arg7[%add3A_437, %add3A_459] : memref<2000x8xf32, #tpu.memory_space<vmem>>[vector<16xi32>, vector<16xi32>], vector<16xf32>,
      %add3A_461 = arith.addf %gather3A_456, %gather3A_460 : vector<16xf32>
      %max3A_462 = arith.maximumf %add3A_443, %add3A_452 : vector<16xf32>
      %min3A_463 = arith.minimumf %add3A_443, %add3A_452 : vector<16xf32>
      %max3A_464 = arith.maximumf %max3A_462, %add3A_461 : vector<16xf32>
      %sub3A_465 = arith.subf %min3A_463, %max3A_464 : vector<16xf32>
      %min3A_466 = arith.minimumf %max3A_462, %add3A_461 : vector<16xf32>
      %sub3A_467 = arith.subf %min3A_466, %max3A_464 : vector<16xf32>
      %exp3A_468 = math.exp %sub3A_465 : vector<16xf32>
      %add3A_469 = arith.constant 1.000000e+00 : f32
      %add3A_470 = vector.broadcast %add3A_469 : f32 to vector<16xf32>
      %add3A_471 = arith.addf %add3A_470, %exp3A_468 : vector<16xf32>
      %exp3A_472 = math.exp %sub3A_467 : vector<16xf32>
      %add3A_473 = arith.addf %add3A_471, %exp3A_472 : vector<16xf32>
      %mul3A_474 = arith.constant 5.000000e-01 : f32
      %mul3A_475 = vector.broadcast %mul3A_474 : f32 to vector<16xf32>
      %mul3A_476 = arith.mulf %mul3A_475, %add3A_473 : vector<16xf32>
      %sub3A_477 = arith.constant 1.000000e+00 : f32
      %sub3A_478 = vector.broadcast %sub3A_477 : f32 to vector<16xf32>
      %sub3A_479 = arith.subf %mul3A_476, %sub3A_478 : vector<16xf32>
      %add3A_480 = arith.constant 1.000000e+00 : f32
      %add3A_481 = vector.broadcast %add3A_480 : f32 to vector<16xf32>
      %add3A_482 = arith.addf %mul3A_476, %add3A_481 : vector<16xf32>
      %div3A_483 = arith.divf %sub3A_479, %add3A_482 : vector<16xf32>
      %mul3A_484 = arith.mulf %div3A_483, %div3A_483 : vector<16xf32>
      %mul3A_485 = arith.constant 4.000000e-01 : f32
      %mul3A_486 = vector.broadcast %mul3A_485 : f32 to vector<16xf32>
      %mul3A_487 = arith.mulf %mul3A_484, %mul3A_486 : vector<16xf32>
      %add3A_488 = arith.constant 0.666666686 : f32
      %add3A_489 = vector.broadcast %add3A_488 : f32 to vector<16xf32>
      %add3A_490 = arith.addf %add3A_489, %mul3A_487 : vector<16xf32>
      %mul3A_491 = arith.mulf %mul3A_484, %add3A_490 : vector<16xf32>
      %add3A_492 = arith.constant 2.000000e+00 : f32
      %add3A_493 = vector.broadcast %add3A_492 : f32 to vector<16xf32>
      %add3A_494 = arith.addf %add3A_493, %mul3A_491 : vector<16xf32>
      %mul3A_495 = arith.mulf %div3A_483, %add3A_494 : vector<16xf32>
      %add3A_496 = arith.constant 0.693147182 : f32
      %add3A_497 = vector.broadcast %add3A_496 : f32 to vector<16xf32>
      %add3A_498 = arith.addf %add3A_497, %mul3A_495 : vector<16xf32>
      %add3A_499 = arith.addf %max3A_464, %add3A_498 : vector<16xf32>
      %sub3A_500 = arith.subf %add3A_443, %add3A_499 : vector<16xf32>
      %add3A_501 = arith.constant 8000 : i32
      %add3A_502 = arith.addi %add3A_501, %add3A_435 : i32
      %swap3A_503 = arith.constant 0 : i32
      %swap3A_504 = arith.index_cast %swap3A_503 : i32 to index
      %swap3A_505 = arith.index_cast %add3A_502 : i32 to index
      %swap3A_506 = tpu.vector_load %arg10[%swap3A_504, %swap3A_505] {strides = array<i32>} : memref<3x10000xf32, #tpu.memory_space<vmem>>, vector<16xf32>,
      tpu.vector_store %arg10[%swap3A_504, %swap3A_505], %sub3A_500 {strides = array<i32>} : memref<3x10000xf32, #tpu.memory_space<vmem>>, vector<16xf32>,
      %sub3A_507 = arith.subf %add3A_452, %add3A_499 : vector<16xf32>
      %add3A_508 = arith.constant 8000 : i32
      %add3A_509 = arith.addi %add3A_508, %add3A_435 : i32
      %swap3A_510 = arith.constant 1 : i32
      %swap3A_511 = arith.index_cast %swap3A_510 : i32 to index
      %swap3A_512 = arith.index_cast %add3A_509 : i32 to index
      %swap3A_513 = tpu.vector_load %arg10[%swap3A_511, %swap3A_512] {strides = array<i32>} : memref<3x10000xf32, #tpu.memory_space<vmem>>, vector<16xf32>,
      tpu.vector_store %arg10[%swap3A_511, %swap3A_512], %sub3A_507 {strides = array<i32>} : memref<3x10000xf32, #tpu.memory_space<vmem>>, vector<16xf32>,
      %sub3A_514 = arith.subf %add3A_461, %add3A_499 : vector<16xf32>
      %add3A_515 = arith.constant 8000 : i32
      %add3A_516 = arith.addi %add3A_515, %add3A_435 : i32
      %swap3A_517 = arith.constant 2 : i32
      %swap3A_518 = arith.index_cast %swap3A_517 : i32 to index
      %swap3A_519 = arith.index_cast %add3A_516 : i32 to index
      %swap3A_520 = tpu.vector_load %arg10[%swap3A_518, %swap3A_519] {strides = array<i32>} : memref<3x10000xf32, #tpu.memory_space<vmem>>, vector<16xf32>,
      tpu.vector_store %arg10[%swap3A_518, %swap3A_519], %sub3A_514 {strides = array<i32>} : memref<3x10000xf32, #tpu.memory_space<vmem>>, vector<16xf32>,
      %add3A_521 = arith.constant 64 : i32
      %add3A_522 = arith.addi %mul3A_179, %add3A_521 : i32
      %add3A_523 = vector.broadcast %add3A_522 : i32 to vector<16xi32>
      %add3A_524 = arith.addi %iota3A, %add3A_523 : vector<16xi32>
      %gather3A_525 = tpu.vector_load_idx %arg6[%add3A_524, %broadcast_in_dim3A_3] : memref<2000x8xf32, #tpu.memory_space<vmem>>[vector<16xi32>, vector<16xi32>], vector<16xf32>,
      %add3A_526 = arith.constant 3 : i32
      %add3A_527 = vector.broadcast %add3A_526 : i32 to vector<16xi32>
      %add3A_528 = arith.addi %broadcast_in_dim3A_3, %add3A_527 : vector<16xi32>
      %gather3A_529 = tpu.vector_load_idx %arg7[%add3A_524, %add3A_528] : memref<2000x8xf32, #tpu.memory_space<vmem>>[vector<16xi32>, vector<16xi32>], vector<16xf32>,
      %add3A_530 = arith.addf %gather3A_525, %gather3A_529 : vector<16xf32>
      %add3A_531 = arith.constant 1 : i32
      %add3A_532 = vector.broadcast %add3A_531 : i32 to vector<16xi32>
      %add3A_533 = arith.addi %broadcast_in_dim3A_3, %add3A_532 : vector<16xi32>
      %gather3A_534 = tpu.vector_load_idx %arg6[%add3A_524, %add3A_533] : memref<2000x8xf32, #tpu.memory_space<vmem>>[vector<16xi32>, vector<16xi32>], vector<16xf32>,
      %add3A_535 = arith.constant 4 : i32
      %add3A_536 = vector.broadcast %add3A_535 : i32 to vector<16xi32>
      %add3A_537 = arith.addi %broadcast_in_dim3A_3, %add3A_536 : vector<16xi32>
      %gather3A_538 = tpu.vector_load_idx %arg7[%add3A_524, %add3A_537] : memref<2000x8xf32, #tpu.memory_space<vmem>>[vector<16xi32>, vector<16xi32>], vector<16xf32>,
      %add3A_539 = arith.addf %gather3A_534, %gather3A_538 : vector<16xf32>
      %add3A_540 = arith.constant 2 : i32
      %add3A_541 = vector.broadcast %add3A_540 : i32 to vector<16xi32>
      %add3A_542 = arith.addi %broadcast_in_dim3A_3, %add3A_541 : vector<16xi32>
      %gather3A_543 = tpu.vector_load_idx %arg6[%add3A_524, %add3A_542] : memref<2000x8xf32, #tpu.memory_space<vmem>>[vector<16xi32>, vector<16xi32>], vector<16xf32>,
      %add3A_544 = arith.constant 5 : i32
      %add3A_545 = vector.broadcast %add3A_544 : i32 to vector<16xi32>
      %add3A_546 = arith.addi %broadcast_in_dim3A_3, %add3A_545 : vector<16xi32>
      %gather3A_547 = tpu.vector_load_idx %arg7[%add3A_524, %add3A_546] : memref<2000x8xf32, #tpu.memory_space<vmem>>[vector<16xi32>, vector<16xi32>], vector<16xf32>,
      %add3A_548 = arith.addf %gather3A_543, %gather3A_547 : vector<16xf32>
      %max3A_549 = arith.maximumf %add3A_530, %add3A_539 : vector<16xf32>
      %min3A_550 = arith.minimumf %add3A_530, %add3A_539 : vector<16xf32>
      %max3A_551 = arith.maximumf %max3A_549, %add3A_548 : vector<16xf32>
      %sub3A_552 = arith.subf %min3A_550, %max3A_551 : vector<16xf32>
      %min3A_553 = arith.minimumf %max3A_549, %add3A_548 : vector<16xf32>
      %sub3A_554 = arith.subf %min3A_553, %max3A_551 : vector<16xf32>
      %exp3A_555 = math.exp %sub3A_552 : vector<16xf32>
      %add3A_556 = arith.constant 1.000000e+00 : f32
      %add3A_557 = vector.broadcast %add3A_556 : f32 to vector<16xf32>
      %add3A_558 = arith.addf %add3A_557, %exp3A_555 : vector<16xf32>
      %exp3A_559 = math.exp %sub3A_554 : vector<16xf32>
      %add3A_560 = arith.addf %add3A_558, %exp3A_559 : vector<16xf32>
      %mul3A_561 = arith.constant 5.000000e-01 : f32
      %mul3A_562 = vector.broadcast %mul3A_561 : f32 to vector<16xf32>
      %mul3A_563 = arith.mulf %mul3A_562, %add3A_560 : vector<16xf32>
      %sub3A_564 = arith.constant 1.000000e+00 : f32
      %sub3A_565 = vector.broadcast %sub3A_564 : f32 to vector<16xf32>
      %sub3A_566 = arith.subf %mul3A_563, %sub3A_565 : vector<16xf32>
      %add3A_567 = arith.constant 1.000000e+00 : f32
      %add3A_568 = vector.broadcast %add3A_567 : f32 to vector<16xf32>
      %add3A_569 = arith.addf %mul3A_563, %add3A_568 : vector<16xf32>
      %div3A_570 = arith.divf %sub3A_566, %add3A_569 : vector<16xf32>
      %mul3A_571 = arith.mulf %div3A_570, %div3A_570 : vector<16xf32>
      %mul3A_572 = arith.constant 4.000000e-01 : f32
      %mul3A_573 = vector.broadcast %mul3A_572 : f32 to vector<16xf32>
      %mul3A_574 = arith.mulf %mul3A_571, %mul3A_573 : vector<16xf32>
      %add3A_575 = arith.constant 0.666666686 : f32
      %add3A_576 = vector.broadcast %add3A_575 : f32 to vector<16xf32>
      %add3A_577 = arith.addf %add3A_576, %mul3A_574 : vector<16xf32>
      %mul3A_578 = arith.mulf %mul3A_571, %add3A_577 : vector<16xf32>
      %add3A_579 = arith.constant 2.000000e+00 : f32
      %add3A_580 = vector.broadcast %add3A_579 : f32 to vector<16xf32>
      %add3A_581 = arith.addf %add3A_580, %mul3A_578 : vector<16xf32>
      %mul3A_582 = arith.mulf %div3A_570, %add3A_581 : vector<16xf32>
      %add3A_583 = arith.constant 0.693147182 : f32
      %add3A_584 = vector.broadcast %add3A_583 : f32 to vector<16xf32>
      %add3A_585 = arith.addf %add3A_584, %mul3A_582 : vector<16xf32>
      %add3A_586 = arith.addf %max3A_551, %add3A_585 : vector<16xf32>
      %sub3A_587 = arith.subf %add3A_530, %add3A_586 : vector<16xf32>
      %add3A_588 = arith.constant 8000 : i32
      %add3A_589 = arith.addi %add3A_588, %add3A_522 : i32
      %swap3A_590 = arith.constant 0 : i32
      %swap3A_591 = arith.index_cast %swap3A_590 : i32 to index
      %swap3A_592 = arith.index_cast %add3A_589 : i32 to index
      %swap3A_593 = tpu.vector_load %arg10[%swap3A_591, %swap3A_592] {strides = array<i32>} : memref<3x10000xf32, #tpu.memory_space<vmem>>, vector<16xf32>,
      tpu.vector_store %arg10[%swap3A_591, %swap3A_592], %sub3A_587 {strides = array<i32>} : memref<3x10000xf32, #tpu.memory_space<vmem>>, vector<16xf32>,
      %sub3A_594 = arith.subf %add3A_539, %add3A_586 : vector<16xf32>
      %add3A_595 = arith.constant 8000 : i32
      %add3A_596 = arith.addi %add3A_595, %add3A_522 : i32
      %swap3A_597 = arith.constant 1 : i32
      %swap3A_598 = arith.index_cast %swap3A_597 : i32 to index
      %swap3A_599 = arith.index_cast %add3A_596 : i32 to index
      %swap3A_600 = tpu.vector_load %arg10[%swap3A_598, %swap3A_599] {strides = array<i32>} : memref<3x10000xf32, #tpu.memory_space<vmem>>, vector<16xf32>,
      tpu.vector_store %arg10[%swap3A_598, %swap3A_599], %sub3A_594 {strides = array<i32>} : memref<3x10000xf32, #tpu.memory_space<vmem>>, vector<16xf32>,
      %sub3A_601 = arith.subf %add3A_548, %add3A_586 : vector<16xf32>
      %add3A_602 = arith.constant 8000 : i32
      %add3A_603 = arith.addi %add3A_602, %add3A_522 : i32
      %swap3A_604 = arith.constant 2 : i32
      %swap3A_605 = arith.index_cast %swap3A_604 : i32 to index
      %swap3A_606 = arith.index_cast %add3A_603 : i32 to index
      %swap3A_607 = tpu.vector_load %arg10[%swap3A_605, %swap3A_606] {strides = array<i32>} : memref<3x10000xf32, #tpu.memory_space<vmem>>, vector<16xf32>,
      tpu.vector_store %arg10[%swap3A_605, %swap3A_606], %sub3A_601 {strides = array<i32>} : memref<3x10000xf32, #tpu.memory_space<vmem>>, vector<16xf32>,
      %scan3A_608 = arith.constant 0 : i32
      scf.yield %scan3A_608 : i32
    }
    %scan3A_175 = arith.constant 25 : i32
    "tpu.region"() ({
      %run_scoped3A = tpu.sem_alloc : memref<!tpu.dma_semaphore, #tpu.memory_space<semaphore_mem>>
      %dma_start3A_176 = arith.constant 0 : i32
      %dma_start3A_177 = tpu.memref_slice %arg4[%dma_start3A_176, %mul3A_2] : memref<3x320000xf32, #tpu.memory_space<hbm>> -> memref<3x10000xf32, #tpu.memory_space<hbm>>
      %dma_start3A_178 = arith.constant 0 : i32
      %dma_start3A_179 = tpu.memref_slice %arg4[%dma_start3A_178, %mul3A_2] : memref<3x320000xf32, #tpu.memory_space<hbm>> -> memref<3x10000xf32, #tpu.memory_space<hbm>>
      tpu.enqueue_dma source(%arg10 : memref<3x10000xf32, #tpu.memory_space<vmem>>) target(%dma_start3A_179 : memref<3x10000xf32, #tpu.memory_space<hbm>>) target_semaphore(%run_scoped3A : memref<!tpu.dma_semaphore, #tpu.memory_space<semaphore_mem>>)
      %dma_wait3A_180 = arith.constant 0 : i32
      %dma_wait3A_181 = tpu.memref_slice %arg4[%dma_wait3A_180, %mul3A_2] : memref<3x320000xf32, #tpu.memory_space<hbm>> -> memref<3x10000xf32, #tpu.memory_space<hbm>>
      %dma_wait3A_182 = arith.constant 0 : i32
      %dma_wait3A_183 = tpu.memref_slice %arg4[%dma_wait3A_182, %mul3A_2] : memref<3x320000xf32, #tpu.memory_space<hbm>> -> memref<3x10000xf32, #tpu.memory_space<hbm>>
      tpu.wait_dma2 semaphore(%run_scoped3A : memref<!tpu.dma_semaphore, #tpu.memory_space<semaphore_mem>>) src(%arg10 : memref<3x10000xf32, #tpu.memory_space<vmem>>) dst(%dma_wait3A_183 : memref<3x10000xf32, #tpu.memory_space<hbm>>)
      tpu.yield
    }) : () -> ()
    return
  }
}

module attributes {stable_mosaic.version = 14 : i64} {
  func.func @_tc_table_body(%arg0: memref<10000x128xf32, #tpu.memory_space<vmem>>, %arg1: memref<256x3xf32, #tpu.memory_space<vmem>>, %arg2: memref<1x3xf32, #tpu.memory_space<vmem>>, %arg3: memref<10000x8xf32, #tpu.memory_space<vmem>>) attributes {dimension_semantics = [], scalar_prefetch = 0 : i64, scratch_operands = 0 : i64, tpu.core_type = #tpu.core_type<tc>} {
    %get3A = arith.constant 0 : index
    %get3A_0 = arith.constant 0 : index
    %get3A_1 = vector.load %arg0[%get3A, %get3A_0] : memref<10000x128xf32, #tpu.memory_space<vmem>>, vector<10000x128xf32>
    %get3A_2 = arith.constant 0 : index
    %get3A_3 = arith.constant 0 : index
    %get3A_4 = vector.load %arg1[%get3A_2, %get3A_3] : memref<256x3xf32, #tpu.memory_space<vmem>>, vector<128x3xf32>
    %dot_general3A = arith.constant dense<0.000000e+00> : vector<10000x3xf32>
    %dot_general3A_5 = tpu.matmul %get3A_1, %get3A_4, %dot_general3A {dimension_numbers = #tpu.dot_dimension_numbers<[1], [0], [0], [1], [0, 0, 1, 1], [], []>, transpose_lhs_hint = false} : vector<10000x128xf32>, vector<128x3xf32>, vector<10000x3xf32> -> vector<10000x3xf32>
    %get3A_6 = arith.constant 0 : index
    %get3A_7 = arith.constant 0 : index
    %get3A_8 = vector.load %arg2[%get3A_6, %get3A_7] : memref<1x3xf32, #tpu.memory_space<vmem>>, vector<1x3xf32>
    %add3A = vector.broadcast %get3A_8 : vector<1x3xf32> to vector<10000x3xf32>
    %add3A_9 = arith.addf %dot_general3A_5, %add3A : vector<10000x3xf32>
    %get3A_10 = arith.constant 128 : index
    %get3A_11 = arith.constant 0 : index
    %get3A_12 = vector.load %arg1[%get3A_10, %get3A_11] : memref<256x3xf32, #tpu.memory_space<vmem>>, vector<128x3xf32>
    %dot_general3A_13 = arith.constant dense<0.000000e+00> : vector<10000x3xf32>
    %dot_general3A_14 = tpu.matmul %get3A_1, %get3A_12, %dot_general3A_13 {dimension_numbers = #tpu.dot_dimension_numbers<[1], [0], [0], [1], [0, 0, 1, 1], [], []>, transpose_lhs_hint = false} : vector<10000x128xf32>, vector<128x3xf32>, vector<10000x3xf32> -> vector<10000x3xf32>
    %broadcast_in_dim3A = arith.constant 0.000000e+00 : f32
    %broadcast_in_dim3A_15 = vector.broadcast %broadcast_in_dim3A : f32 to vector<10000x2xf32>
    %concatenate3A = tpu.concatenate %add3A_9, %dot_general3A_14, %broadcast_in_dim3A_15 in 1 : vector<10000x3xf32>, vector<10000x3xf32>, vector<10000x2xf32> -> vector<10000x8xf32>
    %swap3A = arith.constant 0 : index
    %swap3A_16 = arith.constant 0 : index
    %swap3A_17 = vector.load %arg3[%swap3A, %swap3A_16] : memref<10000x8xf32, #tpu.memory_space<vmem>>, vector<10000x8xf32>
    tpu.vector_store %arg3[%swap3A, %swap3A_16], %concatenate3A {strides = array<i32>} : memref<10000x8xf32, #tpu.memory_space<vmem>>, vector<10000x8xf32>,
    return
  }
}

</mosaic_0001>

<sc_bundles>
// kernel: kernel.4.cloned.1.call-start
scs
__scs_entry_jumppad:
0x0: {  	(pc) =	sbr.rel $0x88, $3  }
0x1: {  	(tag) =	ssettag $0x0;
	lr =	simm.s32 $0x1  }
0x2: {  	[smem:$0x3F9D] =	sst lr;
	_ =	strace $0xD0000000  }
0x3: {  	_ = 	snop  }
0x4: {  	_ = 	snop  }
0x5: {  	_ = 	snop  }
0x6: {  	_ = 	snop  }
0x7: {  	_ = 	snop  }
__scs_overlays_trampoline_lowered:
0x8: {  	[smem:$0x3FAC] =	sst s0  }
0x9: {  	[smem:$0x3FAD] =	sst s1  }
0xa: {  	[smem:$0x3FAE] =	sst s2  }
0xb: {  	[smem:$0x3FAF] =	sst s3  }
0xc: {  	[smem:$0x3FB0] =	sst s4  }
0xd: {  	[smem:$0x3FB1] =	sst s5  }
0xe: {  	[smem:$0x3FB2] =	sst s6  }
0xf: {  	[smem:$0x3FB3] =	sst s7  }
0x10: {  	[smem:$0x3FB4] =	sst s8  }
0x11: {  	[smem:$0x3FB5] =	sst s9;
	s0 =	simm.s32 @!p0 $0x0  }
0x12: {  	s1 =	sld [smem:$0x3F9B];
	s0 =	simm.s32 @p0 $0x1  }
0x13: {  	[smem:$0x3FB6] =	sst s0;
	s0 =	simm.s32 @!p1 $0x0  }
0x14: {  	s2 =	sld [smem:$0x3F9A];
	s0 =	simm.s32 @p1 $0x1  }
0x15: {  	[smem:$0x3FB7] =	sst s0;
	s0 =	simm.s32 @!p2 $0x0  }
0x16: {  	s3 =	sld [smem:$0x3FDB];
	s0 =	simm.s32 @p2 $0x1  }
0x17: {  	s4 =	simm.s32 $0x1BF5;
	[smem:$0x3FB9] =	sst s0  }
0x18: {  	s0 =	sld [smem:$0x3F9C];
	_ =	swait.ge [sflag:s4], $0x0  }
0x19: {  	s7 =	sld [smem:$0x3F9D]  }
0x1a: {  	s8 =	sadd.s32 $0xFFFFE003, lr  }
0x1b: {  	s9 =	sadd.s32 $0xFFFFFEF7, lr;
	s5 =	simm.s32 $0xFFFFFFFF;
	p2 =	slt.u32 s8, $0xFFFFF086  }
0x1c: {  	p1 =	slt.u32 s9, $0xF7A;
	s5 =	simm.s32 @!p2 $0x0  }
0x1d: {  	s5 =	simm.s32 @p1 $0x1;
	p0 =	seq.s32 s7, s2  }
0x1e: {  	s7 =	smul.u32 @!p0 $0xF7A, s2;
	p2 =	seq.s32 @!p0 s5, $0x0  }
0x1f: {  	s9 =	smul.u32 $0xF7A, s1;
	s8 =	simm.s32 @!p0 $0x1BF5;
	p2 =	por !p2, p0  }
0x20: {  	[sflag:s8] =	ssyncset.s32 @!p0 $0xFFFFF086;
	s6 =	sadd.s32 @!p0 s3, s7;
	s7 =	simm.s32 @!p0 $0x108  }
0x21: {  	s3 =	sadd.s32 s3, s9;
	s6 =	sadd.s32 @!p0 $0x88, s6;
	s7 =	simm.s32 @p2 $0x1082  }
0x22: {  	[simem:s7], [sflag:s8] =	dma.local @!p0 [hbm:s6], $0xF7A  }
0x23: {  	s9 =	sor.u32 $0xD0000000, s2;
	s6 =	simm.s32 $0x108;
	_ =	swait.ge @!p0 [sflag:s8], $0x0  }
0x24: {  	s3 =	sadd.s32 $0x88, s3;
	s6 =	simm.s32 @!p1 $0x1082;
	[sflag:s4] =	ssyncset.s32 $0xFFFFF086  }
0x25: {  	[simem:s6], [sflag:s4] =	dma.local [hbm:s3], $0xF7A  }
0x26: {  	[smem:$0x3F9D] =	sst s1;
	(tag) =	ssettag s2;
	_ =	strace s9  }
0x27: {  	s1 =	sld [smem:$0x3FAD]  }
0x28: {  	s2 =	sld [smem:$0x3FAE]  }
0x29: {  	s4 =	sld [smem:$0x3FB0]  }
0x2a: {  	p0 =	seq.s32 s5, $0x0;
	s5 =	sld [smem:$0x3FB1]  }
0x2b: {  	s6 =	sld [smem:$0x3FB2]  }
0x2c: {  	s7 =	sld [smem:$0x3FB3]  }
0x2d: {  	s3 =	simm.s32 $0x108;
	s8 =	sld [smem:$0x3FB4]  }
0x2e: {  	s3 =	simm.s32 @!p0 $0x1082;
	s9 =	sld [smem:$0x3FB5]  }
0x2f: {  	lr =	sadd.s32 s0, s3;
	s0 =	sld [smem:$0x3FAC]  }
0x30: {  	s3 =	sld [smem:$0x3FAF]  }
0x31: {  	[smem:$0x3FB8] =	sst s10  }
0x32: {  	s10 =	sld [smem:$0x3FB6];
	_ =	sdelay $0x3  }
0x33: {  	p0 =	seq.s32 s10, $0x1;
	s10 =	sld [smem:$0x3FB8];
	_ =	sdelay $0x3  }
0x34: {  	[smem:$0x3FB8] =	sst s10  }
0x35: {  	s10 =	sld [smem:$0x3FB7];
	_ =	sdelay $0x3  }
0x36: {  	p1 =	seq.s32 s10, $0x1;
	s10 =	sld [smem:$0x3FB8];
	_ =	sdelay $0x3  }
0x37: {  	[smem:$0x3FB8] =	sst s10  }
0x38: {  	s10 =	sld [smem:$0x3FB9]  }
0x39: {  	_ = 	snop;
	(pc) =	sbr.ind lr, $3  }
0x3a: {  	_ = 	snop  }
0x3b: {  	_ = 	snop  }
0x3c: {  	p2 =	seq.s32 s10, $0x1;
	s10 =	sld [smem:$0x3FB8]  }
0x3d: {  	_ =	shalt  }
0x3e: {  	_ =	shalt  }
0x3f: {  	_ =	shalt  }
0x40: {  	_ =	shalt  }
0x41: {  	_ =	shalt  }
0x42: {  	_ =	shalt  }
0x43: {  	_ =	shalt  }
0x44: {  	_ =	shalt  }
0x45: {  	_ =	shalt  }
0x46: {  	_ =	shalt  }
0x47: {  	_ =	shalt  }
0x48: {  	_ =	shalt  }
0x49: {  	_ =	shalt  }
0x4a: {  	_ =	shalt  }
0x4b: {  	_ =	shalt  }
0x4c: {  	_ =	shalt  }
0x4d: {  	_ =	shalt  }
0x4e: {  	_ =	shalt  }
0x4f: {  	_ =	shalt  }
0x50: {  	_ =	shalt  }
0x51: {  	_ =	shalt  }
0x52: {  	_ =	shalt  }
0x53: {  	_ =	shalt  }
0x54: {  	_ =	shalt  }
0x55: {  	_ =	shalt  }
0x56: {  	_ =	shalt  }
0x57: {  	_ =	shalt  }
0x58: {  	_ =	shalt  }
0x59: {  	_ =	shalt  }
0x5a: {  	_ =	shalt  }
0x5b: {  	_ =	shalt  }
0x5c: {  	_ =	shalt  }
0x5d: {  	_ =	shalt  }
0x5e: {  	_ =	shalt  }
0x5f: {  	_ =	shalt  }
0x60: {  	_ =	shalt  }
0x61: {  	_ =	shalt  }
0x62: {  	_ =	shalt  }
0x63: {  	_ =	shalt  }
0x64: {  	_ =	shalt  }
0x65: {  	_ =	shalt  }
0x66: {  	_ =	shalt  }
0x67: {  	_ =	shalt  }
0x68: {  	_ =	shalt  }
0x69: {  	_ =	shalt  }
0x6a: {  	_ =	shalt  }
0x6b: {  	_ =	shalt  }
0x6c: {  	_ =	shalt  }
0x6d: {  	_ =	shalt  }
0x6e: {  	_ =	shalt  }
0x6f: {  	_ =	shalt  }
0x70: {  	_ =	shalt  }
0x71: {  	_ =	shalt  }
0x72: {  	_ =	shalt  }
0x73: {  	_ =	shalt  }
0x74: {  	_ =	shalt  }
0x75: {  	_ =	shalt  }
0x76: {  	_ =	shalt  }
0x77: {  	_ =	shalt  }
0x78: {  	_ =	shalt  }
0x79: {  	_ =	shalt  }
0x7a: {  	_ =	shalt  }
0x7b: {  	_ =	shalt  }
0x7c: {  	_ =	shalt  }
0x7d: {  	_ =	shalt  }
0x7e: {  	_ =	shalt  }
0x7f: {  	_ =	shalt  }
0x80: {  	_ =	shalt  }
0x81: {  	_ =	shalt  }
0x82: {  	_ =	shalt  }
0x83: {  	_ =	shalt  }
0x84: {  	_ =	shalt  }
0x85: {  	_ =	shalt  }
0x86: {  	_ =	shalt  }
0x87: {  	_ =	shalt  }
.Lfunc_end0:
.L_simem_size_0:
called_computation_lowered:
.L_overlay_start_0:
0x88: {  	s2 =	sld [smem:$0x3FD9]  }
0x89: {  	s3 =	sld [smem:$0x3FFE];
	_ =	sdelay $0x1  }
0x8a: {  	s1 =	srdreg.scid  }
0x8b: {  	s0 =	sand.u32 $0x1, s1  }
0x8c: {  	s17 =	sshll.u32 s0, $0xA;
	s2 =	sadd.s32 s3, s2  }
0x8d: {  	s2 =	sadd.s32 s2, s17  }
0x8e: {  	[smem:$0x3FC4] =	sst s2  }
0x8f: {  	_ = 	snop  }
0x90: {  	s2 =	sld [smem:$0x3FD0];
	(tm) =	ssettm $0x1  }
0x91: {  	s18 =	sld [smem:$0x3FFB];
	_ =	sdelay $0x3  }
0x92: {  	_ =	strace s18  }
0x93: {  	s3 =	sld [smem:$0x3FFC];
	_ =	sdelay $0x3  }
0x94: {  	_ =	strace s3  }
0x95: {  	s3 =	sld [smem:$0x3FFD];
	_ =	sdelay $0x3  }
0x96: {  	_ =	strace s3  }
0x97: {  	_ =	strace $0x8FFFFFFF  }
0x98: {  	s19 =	sld [smem:$0x3FDB];
	_ =	sdelay $0x1  }
0x99: {  	s4 =	simm.s32 $_scs_section_size  }
0x9a: {  	s5 =	simm.s32 $_size__tile_overlayer_lowered;
	s6 =	simm.s32 $_tile_overlayer_lowered  }
0x9b: {  	s22 =	simm.s32 $0x1BFF;
	s21 =	sshll.u32 s6, $0x1;
	s3 =	sadd.s32 s4, s19  }
0x9c: {  	s7 =	simm.s32 $0x0;
	s20 =	sshll.u32 s5, $0x1;
	s5 =	sadd.s32 s21, s3  }
0x9d: {  	[timem:s7], [sflag:s22] =	dma.local [hbm:s5], s20  }
0x9e: {  	_ =	swait.ge [sflag:s22], s20  }
0x9f: {  	s4 =	ssub.s32 $0x0, s20;
	[sflag:s22] =	ssyncset.done $0x0  }
0xa0: {  	[sflag:s22] =	ssyncadd.s32 s4;
	_ =	sdelay $0x1  }
0xa1: {  	s23 =	simm.s32 $0x1B8B  }
0xa2: {  	_ =	swait.ge [sflag:s23], $0x1  }
0xa3: {  	[sflag:s23] =	ssyncset.done $0x0  }
0xa4: {  	s25 =	simm.s32 $0x1B8E;
	s24 =	sld [smem:$0x3FFE];
	[sflag:s23] =	ssyncadd.s32 $0xFFFFFFFF  }
0xa5: {  	s26 =	simm.s32 $execute0_lowered;
	[smem:$0x3FD2] =	sst s25  }
0xa6: {  	s5 =	sshll.u32 s26, $0x1;
	_ =	strace $0x80000046;
	[dreg:$0x1] =	wrdreg $0xFFFFFFFF  }
0xa7: {  	s28 =	simm.s32 $_size_execute0_lowered;
	s3 =	sadd.s32 s3, s5;
	[dreg:$0x0] =	wrdreg $0x0  }
0xa8: {  	s5 =	sshll.u32 s28, $0x1;
	[dreg:$0x2] =	wrdreg s3  }
0xa9: {  	[dreg:$0x3] =	wrdreg s5  }
0xaa: {  	[dreg:$0x4] =	wrdreg $0xC0  }
0xab: {  	_ =	task [dreg:s7], $0x5FFFF  }
0xac: {  	[dreg:$0x1] =	wrdreg $0xFFFFFFFF  }
0xad: {  	[dreg:$0x0] =	wrdreg $0x60  }
0xae: {  	[dreg:$0x2] =	wrdreg s24  }
0xaf: {  	[dreg:$0x3] =	wrdreg s2  }
0xb0: {  	[dreg:$0x4] =	wrdreg $0x9  }
0xb1: {  	_ =	task.clear_ibuf [dreg:s7], $0x5FFFF;
	_ =	strace $0x90000046  }
0xb2: {  	s29 =	simm.s32 $0x9;
	_ =	strace $0x80000048  }
0xb3: {  	_ =	swait.ge [sflag:s29], $0x1  }
0xb4: {  	[sflag:s29] =	ssyncadd.s32 $0xFFFFFFFF  }
0xb5: {  	_ =	strace $0x90000048  }
0xb6: {  	_ =	sfence  }
0xb7: {  	s30 =	sld [smem:$0x0];
	_ =	sdelay $0x2  }
0xb8: {  	s31 =	sshll.u32 s1, $0xD;
	s1 =	sshrl.u32 s1, $0x2  }
0xb9: {  	s3 =	sand.u32 $0x4000, s31;
	s1 =	sadd.s32 s1, s30  }
0xba: {  	s0 =	sor.u32 s3, s0;
	s1 =	sshll.u32 s1, $0x11  }
0xbb: {  	s0 =	sor.u32 s1, s0  }
0xbc: {  	s0 =	sadd.s32 $0x8F2B, s0  }
0xbd: {  	[sflag:s0] =	ssyncadd.remote.s32 $0x1  }
0xbe: {  	_ =	sfence.sel $0xFFFF  }
0xbf: {  	[dreg:$0x0] =	wrdreg $0xFFFFFFFF;
	(pc) =	sbr.abs _section_cstart, $3  }
0xc0: {  	[dreg:$0x1] =	wrdreg $0xFFFFFFFF  }
0xc1: {  	_ =	task.clear_ibuf [dreg:s7], $0x2FFFF;
	_ =	strace $0x9FFFFFFF  }
0xc2: {  	(tm) =	ssettm $0x7FFFFFFF  }
0xc3: {  	_ =	shalt  }
tec
execute0_lowered:
.L_overlay_start_1:
0x0: {  	(tag) =	ssettag $0x1  }
0x1: {  	s4 =	rddreg [dreg:$0x0]  }
0x2: {  	s1 =	srdreg.scid;
	s0 =	stileid.u32  }
0x3: {  	s5 =	rddreg [dreg:$0x1];
	s2 =	simm.s32 $0x0;
	s10 =	simm.s32 $0x7D0  }
0x4: {  	s11 =	simm.s32 $0x4E20;
	s12 =	simm.s32 $0x8CA0;
	s13 =	simm.s32 $0xCB20  }
0x5: {  	s14 =	simm.s32 $0x2EE0;
	s15 =	simm.s32 $0x109A0;
	s16 =	simm.s32 $0x1  }
0x6: {  	s17 =	simm.s32 $0xFA0;
	s18 =	simm.s32 $0x36B0;
	s19 =	simm.s32 $0x2  }
0x7: {  	s20 =	simm.s32 $0x1770;
	s21 =	simm.s32 $0x3E80;
	s22 =	simm.s32 $0x1F40  }
0x8: {  	s23 =	simm.s32 $0x4650;
	s24 =	simm.s32 $0x14820;
	s25 =	simm.s32 $0x0  }
0x9: {  	s3 =	sand.u32 $0x1, s1;
	s6 =	sshll.u32 s0, $0x1;
	s1 =	rddreg [dreg:$0x2]  }
0xa: {  	[smem:$0x7FF] =	sst s2;
	s6 =	sor.u32 s3, s6;
	s7 =	ssub.s32 $0x2, s3  }
0xb: {  	_ =	strace $0x80000047;
	s6 =	smul.u32 $0x4E2, s6;
	s8 =	sshrl.u32 s7, $0x1  }
0xc: {  	s3 =	sadd.s32 $0x800, s4;
	s7 =	ssub.s32 s7, s8;
	s8 =	simm.s32 $0x4E200  }
0xd: {  	v0 =	vlaneseq.u32;
	s9 =	sadd.s32 s6, s4;
	s4 =	sadd.s32 s5, s6;
	s6 =	smax.u32 s7, $0x1  }
0xe: {  	v0 =	vmul.u32 $0x8, v0;
	s7 =	simm.s32 $0x2710;
	s5 =	sadd.s32 $0x3000, s9;
	s9 =	simm.s32 $0x3  }
.LBB2_1:
0xf: {  	[tilespmem:s2], [sflag:$0x3] =	stream.strided.gather [hbm4b:s4+s7], $0x4E20, s8, s7, $0x38;
	[tilespmem:$0x1BD50] =	vst v63  }
0x10: {  	_ =	swait.ge [sflag:s9], $0x4E20  }
0x11: {  	[sflag:s9] =	ssyncset.done $0x0  }
0x12: {  	[sflag:s9] =	ssyncadd.s32 $0xFFFFB1E0  }
0x13: {  	[tilespmem:s11], [sflag:$0x1] =	stream.indirect.gather [hbm4b:s3+s10], $0x8, s2, s10, $0xb8;
	[tilespmem:$0x1BD50] =	vst v63  }
0x14: {  	_ = 	snop  }
0x15: {  	[tilespmem:s12], [sflag:$0x1] =	stream.indirect.gather [hbm4b:s3+s10], $0x8, s7, s10, $0xb8;
	[tilespmem:$0x1BD50] =	vst v63  }
0x16: {  	_ = 	snop  }
0x17: {  	[tilespmem:s13], [sflag:$0x2] =	stream.indirect.gather [hbm4b:s3+s10], $0x8, s10, s10, $0xb8;
	[tilespmem:$0x1BD50] =	vst v63  }
0x18: {  	_ = 	snop  }
0x19: {  	[tilespmem:s15], [sflag:$0x2] =	stream.indirect.gather [hbm4b:s3+s10], $0x8, s14, s10, $0xb8;
	[tilespmem:$0x1BD50] =	vst v63  }
0x1a: {  	_ =	swait.ge [sflag:s16], $0x3E80  }
0x1b: {  	[sflag:s16] =	ssyncset.done $0x0  }
0x1c: {  	[sflag:s16] =	ssyncadd.s32 $0xFFFFC180  }
0x1d: {  	_ =	swait.ge [sflag:s16], $0x3E80  }
0x1e: {  	[sflag:s16] =	ssyncset.done $0x0  }
0x1f: {  	s26 =	simm.s32 $0x0;
	s28 =	simm.s32 $0x0;
	[sflag:s16] =	ssyncadd.s32 $0xFFFFC180  }
.LBB2_2:
0x20: {  	v1 =	vmov s26  }
0x21: {  	v1 =	vshll.u32 v1, $0x3  }
0x22: {  	v1 =	vor.u32 v0, v1  }
0x23: {  	v2 =	vor.u32 $0x3, v1  }
0x24: {  	v3 =	vor.u32 $0x1, v1  }
0x25: {  	v4 =	vor.u32 $0x4, v1  }
0x26: {  	v5 =	vor.u32 $0x2, v1  }
0x27: {  	v6 =	vld.idx.msk [tilespmem:v1+s11+$0x0], $0xffff;
	v1 =	vor.u32 $0x5, v1  }
0x28: {  	v2 =	vld.idx.msk [tilespmem:v2+s12+$0x0], $0xffff  }
0x29: {  	v3 =	vld.idx.msk [tilespmem:v3+s11+$0x0], $0xffff  }
0x2a: {  	v4 =	vld.idx.msk [tilespmem:v4+s12+$0x0], $0xffff  }
0x2b: {  	v5 =	vld.idx.msk [tilespmem:v5+s11+$0x0], $0xffff  }
0x2c: {  	v1 =	vld.idx.msk [tilespmem:v1+s12+$0x0], $0xffff;
	_ =	sdelay $0x3  }
0x2d: {  	v2 =	vadd.f32 v2, v6;
	v3 =	vadd.f32 v4, v3  }
0x2e: {  	v1 =	vadd.f32 v1, v5  }
0x2f: {  	v4 =	vmax.f32 v2, v3  }
0x30: {  	v30 =	vmin.f32 v2, v3;
	v31 =	vmax.f32 v4, v1  }
0x31: {  	v5 =	vsub.f32 v30, v31  }
0x32: {  	v4 =	vmin.f32 v4, v1  }
0x33: {  	v4 =	vsub.f32 v4, v31;
	v5 =	vmul.f32 $1.442695020e+00, v5;
	_ =	sdelay $0x1  }
0x34: {  	v4 =	vmul.f32 $1.442695020e+00, v4;
	(erf) = vpow2.f32 v5;
	_ =	sdelay $0x1  }
0x35: {  	(erf) = vpow2.f32 v4;
	_ =	sdelay $0x6  }
0x36: {  	v32 =	vpop (erf)  }
0x37: {  	v4 =	vadd.f32 $1.000000000e+00, v32  }
0x38: {  	v33 =	vpop (erf)  }
0x39: {  	v4 =	vadd.f32 v4, v33;
	_ =	sdelay $0x1  }
0x3a: {  	v4 =	vmul.f32 $5.000000000e-01, v4;
	_ =	sdelay $0x1  }
0x3b: {  	v34 =	vadd.f32 $1.000000000e+00, v4;
	_ =	sdelay $0x1  }
0x3c: {  	(erf) = vrcp.f32 v34;
	_ =	sdelay $0x7  }
0x3d: {  	v4 =	vadd.f32 $-1.000000000e+00, v4  }
0x3e: {  	v5 =	vpop (erf)  }
0x3f: {  	v4 =	vmul.f32 v5, v4;
	_ =	sdelay $0x1  }
0x40: {  	v5 =	vmul.f32 v4, v4;
	_ =	sdelay $0x1  }
0x41: {  	v7 =	vmul.f32 $4.000000060e-01, v5;
	_ =	sdelay $0x1  }
0x42: {  	v7 =	vadd.f32 $6.666666860e-01, v7;
	_ =	sdelay $0x1  }
0x43: {  	v5 =	vmul.f32 v7, v5;
	_ =	sdelay $0x1  }
0x44: {  	v5 =	vadd.f32 $2.000000000e+00, v5;
	_ =	sdelay $0x1  }
0x45: {  	v4 =	vmul.f32 v5, v4;
	_ =	sdelay $0x1  }
0x46: {  	v4 =	vadd.f32 $6.931471820e-01, v4  }
0x47: {  	s29 =	sadd.s32 $0x10, s26  }
0x48: {  	v35 =	vmov s29;
	v4 =	vadd.f32 v4, v31  }
0x49: {  	v5 =	vshll.u32 v35, $0x3  }
0x4a: {  	v5 =	vor.u32 v0, v5;
	v2 =	vsub.f32 v2, v4  }
0x4b: {  	s29 =	sshra.s32 s28, $0x2;
	v36 =	vor.u32 $0x3, v5;
	v3 =	vsub.f32 v3, v4  }
0x4c: {  	v1 =	vsub.f32 v1, v4;
	[tilespmem:s29+$0x14820] =	vst v2;
	v2 =	vor.u32 $0x1, v5  }
0x4d: {  	[tilespmem:s29+$0x16F30] =	vst v3;
	v3 =	vor.u32 $0x4, v5  }
0x4e: {  	[tilespmem:s29+$0x19640] =	vst v1;
	v1 =	vor.u32 $0x2, v5  }
0x4f: {  	v37 =	vld.idx.msk [tilespmem:v5+s11+$0x0], $0xffff;
	v5 =	vor.u32 $0x5, v5  }
0x50: {  	v6 =	vld.idx.msk [tilespmem:v36+s12+$0x0], $0xffff  }
0x51: {  	v2 =	vld.idx.msk [tilespmem:v2+s11+$0x0], $0xffff  }
0x52: {  	v3 =	vld.idx.msk [tilespmem:v3+s12+$0x0], $0xffff  }
0x53: {  	v1 =	vld.idx.msk [tilespmem:v1+s11+$0x0], $0xffff  }
0x54: {  	v5 =	vld.idx.msk [tilespmem:v5+s12+$0x0], $0xffff;
	_ =	sdelay $0x3  }
0x55: {  	v4 =	vadd.f32 v6, v37;
	v2 =	vadd.f32 v3, v2  }
0x56: {  	v1 =	vadd.f32 v5, v1  }
0x57: {  	v3 =	vmax.f32 v4, v2  }
0x58: {  	v38 =	vmin.f32 v4, v2;
	v39 =	vmax.f32 v3, v1  }
0x59: {  	v5 =	vsub.f32 v38, v39  }
0x5a: {  	v3 =	vmin.f32 v3, v1  }
0x5b: {  	v3 =	vsub.f32 v3, v39;
	v5 =	vmul.f32 $1.442695020e+00, v5;
	_ =	sdelay $0x1  }
0x5c: {  	v3 =	vmul.f32 $1.442695020e+00, v3;
	(erf) = vpow2.f32 v5;
	_ =	sdelay $0x1  }
0x5d: {  	(erf) = vpow2.f32 v3;
	_ =	sdelay $0x6  }
0x5e: {  	v3 =	vpop (erf)  }
0x5f: {  	v3 =	vadd.f32 $1.000000000e+00, v3  }
0x60: {  	v40 =	vpop (erf)  }
0x61: {  	v3 =	vadd.f32 v3, v40;
	_ =	sdelay $0x1  }
0x62: {  	v3 =	vmul.f32 $5.000000000e-01, v3;
	_ =	sdelay $0x1  }
0x63: {  	v41 =	vadd.f32 $1.000000000e+00, v3;
	_ =	sdelay $0x1  }
0x64: {  	(erf) = vrcp.f32 v41;
	_ =	sdelay $0x7  }
0x65: {  	v3 =	vadd.f32 $-1.000000000e+00, v3  }
0x66: {  	v5 =	vpop (erf)  }
0x67: {  	v3 =	vmul.f32 v5, v3;
	_ =	sdelay $0x1  }
0x68: {  	v5 =	vmul.f32 v3, v3;
	_ =	sdelay $0x1  }
0x69: {  	v42 =	vmul.f32 $4.000000060e-01, v5;
	_ =	sdelay $0x1  }
0x6a: {  	v7 =	vadd.f32 $6.666666860e-01, v42;
	_ =	sdelay $0x1  }
0x6b: {  	v5 =	vmul.f32 v7, v5;
	_ =	sdelay $0x1  }
0x6c: {  	v5 =	vadd.f32 $2.000000000e+00, v5;
	_ =	sdelay $0x1  }
0x6d: {  	v3 =	vmul.f32 v5, v3;
	_ =	sdelay $0x1  }
0x6e: {  	v3 =	vadd.f32 $6.931471820e-01, v3  }
0x6f: {  	s30 =	sadd.s32 $0x20, s26  }
0x70: {  	v43 =	vmov s30;
	v3 =	vadd.f32 v3, v39  }
0x71: {  	v5 =	vshll.u32 v43, $0x3  }
0x72: {  	v5 =	vor.u32 v0, v5;
	v4 =	vsub.f32 v4, v3  }
0x73: {  	v44 =	vor.u32 $0x3, v5;
	v2 =	vsub.f32 v2, v3  }
0x74: {  	v1 =	vsub.f32 v1, v3;
	v3 =	vor.u32 $0x1, v5;
	[tilespmem:s29+$0x14830] =	vst v4  }
0x75: {  	[tilespmem:s29+$0x16F40] =	vst v2;
	v2 =	vor.u32 $0x4, v5  }
0x76: {  	[tilespmem:s29+$0x19650] =	vst v1;
	v1 =	vor.u32 $0x2, v5  }
0x77: {  	v4 =	vld.idx.msk [tilespmem:v5+s11+$0x0], $0xffff;
	v5 =	vor.u32 $0x5, v5  }
0x78: {  	v6 =	vld.idx.msk [tilespmem:v44+s12+$0x0], $0xffff  }
0x79: {  	v3 =	vld.idx.msk [tilespmem:v3+s11+$0x0], $0xffff  }
0x7a: {  	v2 =	vld.idx.msk [tilespmem:v2+s12+$0x0], $0xffff  }
0x7b: {  	v1 =	vld.idx.msk [tilespmem:v1+s11+$0x0], $0xffff  }
0x7c: {  	v5 =	vld.idx.msk [tilespmem:v5+s12+$0x0], $0xffff;
	_ =	sdelay $0x3  }
0x7d: {  	v4 =	vadd.f32 v6, v4;
	v2 =	vadd.f32 v2, v3  }
0x7e: {  	v1 =	vadd.f32 v5, v1  }
0x7f: {  	v3 =	vmax.f32 v4, v2  }
0x80: {  	v45 =	vmin.f32 v4, v2;
	v46 =	vmax.f32 v3, v1  }
0x81: {  	v5 =	vsub.f32 v45, v46  }
0x82: {  	v3 =	vmin.f32 v3, v1  }
0x83: {  	v3 =	vsub.f32 v3, v46;
	v5 =	vmul.f32 $1.442695020e+00, v5;
	_ =	sdelay $0x1  }
0x84: {  	v3 =	vmul.f32 $1.442695020e+00, v3;
	(erf) = vpow2.f32 v5;
	_ =	sdelay $0x1  }
0x85: {  	(erf) = vpow2.f32 v3;
	_ =	sdelay $0x6  }
0x86: {  	v3 =	vpop (erf)  }
0x87: {  	v3 =	vadd.f32 $1.000000000e+00, v3  }
0x88: {  	v47 =	vpop (erf)  }
0x89: {  	v3 =	vadd.f32 v3, v47;
	_ =	sdelay $0x1  }
0x8a: {  	v3 =	vmul.f32 $5.000000000e-01, v3;
	_ =	sdelay $0x1  }
0x8b: {  	v48 =	vadd.f32 $1.000000000e+00, v3;
	_ =	sdelay $0x1  }
0x8c: {  	(erf) = vrcp.f32 v48;
	_ =	sdelay $0x7  }
0x8d: {  	v3 =	vadd.f32 $-1.000000000e+00, v3  }
0x8e: {  	v5 =	vpop (erf)  }
0x8f: {  	v3 =	vmul.f32 v5, v3;
	_ =	sdelay $0x1  }
0x90: {  	v5 =	vmul.f32 v3, v3;
	_ =	sdelay $0x1  }
0x91: {  	v49 =	vmul.f32 $4.000000060e-01, v5;
	_ =	sdelay $0x1  }
0x92: {  	v7 =	vadd.f32 $6.666666860e-01, v49;
	_ =	sdelay $0x1  }
0x93: {  	v5 =	vmul.f32 v7, v5;
	_ =	sdelay $0x1  }
0x94: {  	v5 =	vadd.f32 $2.000000000e+00, v5;
	_ =	sdelay $0x1  }
0x95: {  	v3 =	vmul.f32 v5, v3;
	_ =	sdelay $0x1  }
0x96: {  	v3 =	vadd.f32 $6.931471820e-01, v3  }
0x97: {  	s31 =	sadd.s32 $0x30, s26  }
0x98: {  	v50 =	vmov s31;
	v3 =	vadd.f32 v3, v46  }
0x99: {  	v5 =	vshll.u32 v50, $0x3  }
0x9a: {  	v5 =	vor.u32 v0, v5;
	v4 =	vsub.f32 v4, v3  }
0x9b: {  	v51 =	vor.u32 $0x3, v5;
	v2 =	vsub.f32 v2, v3  }
0x9c: {  	v1 =	vsub.f32 v1, v3;
	v3 =	vor.u32 $0x1, v5;
	[tilespmem:s29+$0x14840] =	vst v4  }
0x9d: {  	[tilespmem:s29+$0x16F50] =	vst v2;
	v2 =	vor.u32 $0x4, v5  }
0x9e: {  	[tilespmem:s29+$0x19660] =	vst v1;
	v1 =	vor.u32 $0x2, v5  }
0x9f: {  	v4 =	vld.idx.msk [tilespmem:v5+s11+$0x0], $0xffff;
	v5 =	vor.u32 $0x5, v5  }
0xa0: {  	v6 =	vld.idx.msk [tilespmem:v51+s12+$0x0], $0xffff  }
0xa1: {  	v3 =	vld.idx.msk [tilespmem:v3+s11+$0x0], $0xffff  }
0xa2: {  	v2 =	vld.idx.msk [tilespmem:v2+s12+$0x0], $0xffff  }
0xa3: {  	v1 =	vld.idx.msk [tilespmem:v1+s11+$0x0], $0xffff  }
0xa4: {  	v5 =	vld.idx.msk [tilespmem:v5+s12+$0x0], $0xffff;
	_ =	sdelay $0x3  }
0xa5: {  	v4 =	vadd.f32 v6, v4;
	v2 =	vadd.f32 v2, v3  }
0xa6: {  	v1 =	vadd.f32 v5, v1  }
0xa7: {  	v3 =	vmax.f32 v4, v2  }
0xa8: {  	v52 =	vmin.f32 v4, v2;
	v53 =	vmax.f32 v3, v1  }
0xa9: {  	v5 =	vsub.f32 v52, v53  }
0xaa: {  	v3 =	vmin.f32 v3, v1  }
0xab: {  	v3 =	vsub.f32 v3, v53;
	v5 =	vmul.f32 $1.442695020e+00, v5;
	_ =	sdelay $0x1  }
0xac: {  	v3 =	vmul.f32 $1.442695020e+00, v3;
	(erf) = vpow2.f32 v5;
	_ =	sdelay $0x1  }
0xad: {  	(erf) = vpow2.f32 v3;
	_ =	sdelay $0x6  }
0xae: {  	v3 =	vpop (erf)  }
0xaf: {  	v3 =	vadd.f32 $1.000000000e+00, v3  }
0xb0: {  	v54 =	vpop (erf)  }
0xb1: {  	v3 =	vadd.f32 v3, v54;
	_ =	sdelay $0x1  }
0xb2: {  	v3 =	vmul.f32 $5.000000000e-01, v3;
	_ =	sdelay $0x1  }
0xb3: {  	v55 =	vadd.f32 $1.000000000e+00, v3;
	_ =	sdelay $0x1  }
0xb4: {  	(erf) = vrcp.f32 v55;
	_ =	sdelay $0x7  }
0xb5: {  	v3 =	vadd.f32 $-1.000000000e+00, v3  }
0xb6: {  	v5 =	vpop (erf)  }
0xb7: {  	v3 =	vmul.f32 v5, v3;
	_ =	sdelay $0x1  }
0xb8: {  	v5 =	vmul.f32 v3, v3;
	_ =	sdelay $0x1  }
0xb9: {  	v56 =	vmul.f32 $4.000000060e-01, v5;
	_ =	sdelay $0x1  }
0xba: {  	v7 =	vadd.f32 $6.666666860e-01, v56;
	_ =	sdelay $0x1  }
0xbb: {  	v5 =	vmul.f32 v7, v5;
	_ =	sdelay $0x1  }
0xbc: {  	v5 =	vadd.f32 $2.000000000e+00, v5;
	_ =	sdelay $0x1  }
0xbd: {  	v3 =	vmul.f32 v5, v3;
	_ =	sdelay $0x1  }
0xbe: {  	v3 =	vadd.f32 $6.931471820e-01, v3  }
0xbf: {  	s31 =	sadd.s32 $0x40, s26  }
0xc0: {  	v57 =	vmov s31;
	v3 =	vadd.f32 v3, v53  }
0xc1: {  	v5 =	vshll.u32 v57, $0x3  }
0xc2: {  	v5 =	vor.u32 v0, v5;
	v4 =	vsub.f32 v4, v3  }
0xc3: {  	v58 =	vor.u32 $0x3, v5;
	v2 =	vsub.f32 v2, v3  }
0xc4: {  	v1 =	vsub.f32 v1, v3;
	v3 =	vor.u32 $0x1, v5;
	[tilespmem:s29+$0x14850] =	vst v4  }
0xc5: {  	[tilespmem:s29+$0x16F60] =	vst v2;
	v2 =	vor.u32 $0x4, v5  }
0xc6: {  	[tilespmem:s29+$0x19670] =	vst v1;
	v1 =	vor.u32 $0x2, v5  }
0xc7: {  	v4 =	vld.idx.msk [tilespmem:v5+s11+$0x0], $0xffff;
	v5 =	vor.u32 $0x5, v5  }
0xc8: {  	v6 =	vld.idx.msk [tilespmem:v58+s12+$0x0], $0xffff  }
0xc9: {  	v3 =	vld.idx.msk [tilespmem:v3+s11+$0x0], $0xffff  }
0xca: {  	v2 =	vld.idx.msk [tilespmem:v2+s12+$0x0], $0xffff  }
0xcb: {  	v1 =	vld.idx.msk [tilespmem:v1+s11+$0x0], $0xffff  }
0xcc: {  	v5 =	vld.idx.msk [tilespmem:v5+s12+$0x0], $0xffff;
	_ =	sdelay $0x3  }
0xcd: {  	v4 =	vadd.f32 v6, v4;
	v2 =	vadd.f32 v2, v3  }
0xce: {  	v1 =	vadd.f32 v5, v1  }
0xcf: {  	v3 =	vmax.f32 v4, v2  }
0xd0: {  	v59 =	vmin.f32 v4, v2;
	v60 =	vmax.f32 v3, v1  }
0xd1: {  	v5 =	vsub.f32 v59, v60  }
0xd2: {  	v3 =	vmin.f32 v3, v1  }
0xd3: {  	v3 =	vsub.f32 v3, v60;
	v5 =	vmul.f32 $1.442695020e+00, v5;
	_ =	sdelay $0x1  }
0xd4: {  	v3 =	vmul.f32 $1.442695020e+00, v3;
	(erf) = vpow2.f32 v5;
	_ =	sdelay $0x1  }
0xd5: {  	(erf) = vpow2.f32 v3;
	_ =	sdelay $0x6  }
0xd6: {  	v3 =	vpop (erf)  }
0xd7: {  	v3 =	vadd.f32 $1.000000000e+00, v3  }
0xd8: {  	v61 =	vpop (erf)  }
0xd9: {  	v3 =	vadd.f32 v3, v61;
	_ =	sdelay $0x1  }
0xda: {  	v3 =	vmul.f32 $5.000000000e-01, v3;
	_ =	sdelay $0x1  }
0xdb: {  	v62 =	vadd.f32 $1.000000000e+00, v3;
	_ =	sdelay $0x1  }
0xdc: {  	(erf) = vrcp.f32 v62;
	_ =	sdelay $0x7  }
0xdd: {  	v3 =	vadd.f32 $-1.000000000e+00, v3  }
0xde: {  	v5 =	vpop (erf)  }
0xdf: {  	v3 =	vmul.f32 v5, v3;
	_ =	sdelay $0x1  }
0xe0: {  	v5 =	vmul.f32 v3, v3;
	_ =	sdelay $0x1  }
0xe1: {  	v63 =	vmul.f32 $4.000000060e-01, v5;
	_ =	sdelay $0x1  }
0xe2: {  	v7 =	vadd.f32 $6.666666860e-01, v63;
	_ =	sdelay $0x1  }
0xe3: {  	v5 =	vmul.f32 v7, v5;
	_ =	sdelay $0x1  }
0xe4: {  	v5 =	vadd.f32 $2.000000000e+00, v5;
	_ =	sdelay $0x1  }
0xe5: {  	v3 =	vmul.f32 v5, v3;
	_ =	sdelay $0x1  }
0xe6: {  	v3 =	vadd.f32 $6.931471820e-01, v3;
	_ =	sdelay $0x1  }
0xe7: {  	v3 =	vadd.f32 v3, v60  }
0xe8: {  	p0 =	sne.s32 s28, $0x1E00  }
.Ltmp0:
0xe9: {  	v4 =	vsub.f32 v4, v3;
	(pc) =	sbr.rel @p0 .LBB2_2-.Ltmp0, $4  }
0xea: {  	v2 =	vsub.f32 v2, v3  }
0xeb: {  	v1 =	vsub.f32 v1, v3;
	[tilespmem:s29+$0x14860] =	vst v4  }
0xec: {  	[tilespmem:s29+$0x16F70] =	vst v2  }
0xed: {  	s26 =	sadd.s32 $0x50, s26;
	s28 =	sadd.s32 $0x140, s28;
	[tilespmem:s29+$0x19680] =	vst v1  }
0xee: {  	[tilespmem:s11], [sflag:$0x1] =	stream.indirect.gather [hbm4b:s3+s10], $0x8, s17, s10, $0xb8;
	[tilespmem:$0x1BD50] =	vst v63  }
0xef: {  	_ = 	snop  }
0xf0: {  	[tilespmem:s12], [sflag:$0x1] =	stream.indirect.gather [hbm4b:s3+s10], $0x8, s18, s10, $0xb8;
	[tilespmem:$0x1BD50] =	vst v63  }
0xf1: {  	_ =	swait.ge [sflag:s19], $0x3E80  }
0xf2: {  	[sflag:s19] =	ssyncset.done $0x0  }
0xf3: {  	[sflag:s19] =	ssyncadd.s32 $0xFFFFC180  }
0xf4: {  	_ =	swait.ge [sflag:s19], $0x3E80  }
0xf5: {  	[sflag:s19] =	ssyncset.done $0x0  }
0xf6: {  	s26 =	simm.s32 $0x0;
	s28 =	simm.s32 $0x0;
	[sflag:s19] =	ssyncadd.s32 $0xFFFFC180  }
.LBB2_4:
0xf7: {  	v1 =	vmov s26  }
0xf8: {  	v1 =	vshll.u32 v1, $0x3  }
0xf9: {  	v1 =	vor.u32 v0, v1  }
0xfa: {  	v2 =	vor.u32 $0x3, v1  }
0xfb: {  	v3 =	vor.u32 $0x1, v1  }
0xfc: {  	v4 =	vor.u32 $0x4, v1  }
0xfd: {  	v5 =	vor.u32 $0x2, v1  }
0xfe: {  	v6 =	vld.idx.msk [tilespmem:v1+s13+$0x0], $0xffff;
	v1 =	vor.u32 $0x5, v1  }
0xff: {  	v2 =	vld.idx.msk [tilespmem:v2+s15+$0x0], $0xffff  }
0x100: {  	v3 =	vld.idx.msk [tilespmem:v3+s13+$0x0], $0xffff  }
0x101: {  	v4 =	vld.idx.msk [tilespmem:v4+s15+$0x0], $0xffff  }
0x102: {  	v5 =	vld.idx.msk [tilespmem:v5+s13+$0x0], $0xffff  }
0x103: {  	v1 =	vld.idx.msk [tilespmem:v1+s15+$0x0], $0xffff;
	_ =	sdelay $0x3  }
0x104: {  	v2 =	vadd.f32 v2, v6;
	v3 =	vadd.f32 v4, v3  }
0x105: {  	v1 =	vadd.f32 v1, v5  }
0x106: {  	v4 =	vmax.f32 v2, v3  }
0x107: {  	v30 =	vmin.f32 v2, v3;
	v31 =	vmax.f32 v4, v1  }
0x108: {  	v5 =	vsub.f32 v30, v31  }
0x109: {  	v4 =	vmin.f32 v4, v1  }
0x10a: {  	v4 =	vsub.f32 v4, v31;
	v5 =	vmul.f32 $1.442695020e+00, v5;
	_ =	sdelay $0x1  }
0x10b: {  	v4 =	vmul.f32 $1.442695020e+00, v4;
	(erf) = vpow2.f32 v5;
	_ =	sdelay $0x1  }
0x10c: {  	(erf) = vpow2.f32 v4;
	_ =	sdelay $0x6  }
0x10d: {  	v32 =	vpop (erf)  }
0x10e: {  	v4 =	vadd.f32 $1.000000000e+00, v32  }
0x10f: {  	v33 =	vpop (erf)  }
0x110: {  	v4 =	vadd.f32 v4, v33;
	_ =	sdelay $0x1  }
0x111: {  	v4 =	vmul.f32 $5.000000000e-01, v4;
	_ =	sdelay $0x1  }
0x112: {  	v34 =	vadd.f32 $1.000000000e+00, v4;
	_ =	sdelay $0x1  }
0x113: {  	(erf) = vrcp.f32 v34;
	_ =	sdelay $0x7  }
0x114: {  	v4 =	vadd.f32 $-1.000000000e+00, v4  }
0x115: {  	v5 =	vpop (erf)  }
0x116: {  	v4 =	vmul.f32 v5, v4;
	_ =	sdelay $0x1  }
0x117: {  	v5 =	vmul.f32 v4, v4;
	_ =	sdelay $0x1  }
0x118: {  	v7 =	vmul.f32 $4.000000060e-01, v5;
	_ =	sdelay $0x1  }
0x119: {  	v7 =	vadd.f32 $6.666666860e-01, v7;
	_ =	sdelay $0x1  }
0x11a: {  	v5 =	vmul.f32 v7, v5;
	_ =	sdelay $0x1  }
0x11b: {  	v5 =	vadd.f32 $2.000000000e+00, v5;
	_ =	sdelay $0x1  }
0x11c: {  	v4 =	vmul.f32 v5, v4;
	_ =	sdelay $0x1  }
0x11d: {  	v4 =	vadd.f32 $6.931471820e-01, v4  }
0x11e: {  	s29 =	sadd.s32 $0x10, s26  }
0x11f: {  	v35 =	vmov s29;
	v4 =	vadd.f32 v4, v31  }
0x120: {  	v5 =	vshll.u32 v35, $0x3  }
0x121: {  	v5 =	vor.u32 v0, v5;
	v2 =	vsub.f32 v2, v4  }
0x122: {  	s29 =	sshra.s32 s28, $0x2;
	v36 =	vor.u32 $0x3, v5;
	v3 =	vsub.f32 v3, v4  }
0x123: {  	v1 =	vsub.f32 v1, v4;
	[tilespmem:s29+$0x14FF0] =	vst v2;
	v2 =	vor.u32 $0x1, v5  }
0x124: {  	[tilespmem:s29+$0x17700] =	vst v3;
	v3 =	vor.u32 $0x4, v5  }
0x125: {  	[tilespmem:s29+$0x19E10] =	vst v1;
	v1 =	vor.u32 $0x2, v5  }
0x126: {  	v37 =	vld.idx.msk [tilespmem:v5+s13+$0x0], $0xffff;
	v5 =	vor.u32 $0x5, v5  }
0x127: {  	v6 =	vld.idx.msk [tilespmem:v36+s15+$0x0], $0xffff  }
0x128: {  	v2 =	vld.idx.msk [tilespmem:v2+s13+$0x0], $0xffff  }
0x129: {  	v3 =	vld.idx.msk [tilespmem:v3+s15+$0x0], $0xffff  }
0x12a: {  	v1 =	vld.idx.msk [tilespmem:v1+s13+$0x0], $0xffff  }
0x12b: {  	v5 =	vld.idx.msk [tilespmem:v5+s15+$0x0], $0xffff;
	_ =	sdelay $0x3  }
0x12c: {  	v4 =	vadd.f32 v6, v37;
	v2 =	vadd.f32 v3, v2  }
0x12d: {  	v1 =	vadd.f32 v5, v1  }
0x12e: {  	v3 =	vmax.f32 v4, v2  }
0x12f: {  	v38 =	vmin.f32 v4, v2;
	v39 =	vmax.f32 v3, v1  }
0x130: {  	v5 =	vsub.f32 v38, v39  }
0x131: {  	v3 =	vmin.f32 v3, v1  }
0x132: {  	v3 =	vsub.f32 v3, v39;
	v5 =	vmul.f32 $1.442695020e+00, v5;
	_ =	sdelay $0x1  }
0x133: {  	v3 =	vmul.f32 $1.442695020e+00, v3;
	(erf) = vpow2.f32 v5;
	_ =	sdelay $0x1  }
0x134: {  	(erf) = vpow2.f32 v3;
	_ =	sdelay $0x6  }
0x135: {  	v3 =	vpop (erf)  }
0x136: {  	v3 =	vadd.f32 $1.000000000e+00, v3  }
0x137: {  	v40 =	vpop (erf)  }
0x138: {  	v3 =	vadd.f32 v3, v40;
	_ =	sdelay $0x1  }
0x139: {  	v3 =	vmul.f32 $5.000000000e-01, v3;
	_ =	sdelay $0x1  }
0x13a: {  	v41 =	vadd.f32 $1.000000000e+00, v3;
	_ =	sdelay $0x1  }
0x13b: {  	(erf) = vrcp.f32 v41;
	_ =	sdelay $0x7  }
0x13c: {  	v3 =	vadd.f32 $-1.000000000e+00, v3  }
0x13d: {  	v5 =	vpop (erf)  }
0x13e: {  	v3 =	vmul.f32 v5, v3;
	_ =	sdelay $0x1  }
0x13f: {  	v5 =	vmul.f32 v3, v3;
	_ =	sdelay $0x1  }
0x140: {  	v42 =	vmul.f32 $4.000000060e-01, v5;
	_ =	sdelay $0x1  }
0x141: {  	v7 =	vadd.f32 $6.666666860e-01, v42;
	_ =	sdelay $0x1  }
0x142: {  	v5 =	vmul.f32 v7, v5;
	_ =	sdelay $0x1  }
0x143: {  	v5 =	vadd.f32 $2.000000000e+00, v5;
	_ =	sdelay $0x1  }
0x144: {  	v3 =	vmul.f32 v5, v3;
	_ =	sdelay $0x1  }
0x145: {  	v3 =	vadd.f32 $6.931471820e-01, v3  }
0x146: {  	s30 =	sadd.s32 $0x20, s26  }
0x147: {  	v43 =	vmov s30;
	v3 =	vadd.f32 v3, v39  }
0x148: {  	v5 =	vshll.u32 v43, $0x3  }
0x149: {  	v5 =	vor.u32 v0, v5;
	v4 =	vsub.f32 v4, v3  }
0x14a: {  	v44 =	vor.u32 $0x3, v5;
	v2 =	vsub.f32 v2, v3  }
0x14b: {  	v1 =	vsub.f32 v1, v3;
	v3 =	vor.u32 $0x1, v5;
	[tilespmem:s29+$0x15000] =	vst v4  }
0x14c: {  	[tilespmem:s29+$0x17710] =	vst v2;
	v2 =	vor.u32 $0x4, v5  }
0x14d: {  	[tilespmem:s29+$0x19E20] =	vst v1;
	v1 =	vor.u32 $0x2, v5  }
0x14e: {  	v4 =	vld.idx.msk [tilespmem:v5+s13+$0x0], $0xffff;
	v5 =	vor.u32 $0x5, v5  }
0x14f: {  	v6 =	vld.idx.msk [tilespmem:v44+s15+$0x0], $0xffff  }
0x150: {  	v3 =	vld.idx.msk [tilespmem:v3+s13+$0x0], $0xffff  }
0x151: {  	v2 =	vld.idx.msk [tilespmem:v2+s15+$0x0], $0xffff  }
0x152: {  	v1 =	vld.idx.msk [tilespmem:v1+s13+$0x0], $0xffff  }
0x153: {  	v5 =	vld.idx.msk [tilespmem:v5+s15+$0x0], $0xffff;
	_ =	sdelay $0x3  }
0x154: {  	v4 =	vadd.f32 v6, v4;
	v2 =	vadd.f32 v2, v3  }
0x155: {  	v1 =	vadd.f32 v5, v1  }
0x156: {  	v3 =	vmax.f32 v4, v2  }
0x157: {  	v45 =	vmin.f32 v4, v2;
	v46 =	vmax.f32 v3, v1  }
0x158: {  	v5 =	vsub.f32 v45, v46  }
0x159: {  	v3 =	vmin.f32 v3, v1  }
0x15a: {  	v3 =	vsub.f32 v3, v46;
	v5 =	vmul.f32 $1.442695020e+00, v5;
	_ =	sdelay $0x1  }
0x15b: {  	v3 =	vmul.f32 $1.442695020e+00, v3;
	(erf) = vpow2.f32 v5;
	_ =	sdelay $0x1  }
0x15c: {  	(erf) = vpow2.f32 v3;
	_ =	sdelay $0x6  }
0x15d: {  	v3 =	vpop (erf)  }
0x15e: {  	v3 =	vadd.f32 $1.000000000e+00, v3  }
0x15f: {  	v47 =	vpop (erf)  }
0x160: {  	v3 =	vadd.f32 v3, v47;
	_ =	sdelay $0x1  }
0x161: {  	v3 =	vmul.f32 $5.000000000e-01, v3;
	_ =	sdelay $0x1  }
0x162: {  	v48 =	vadd.f32 $1.000000000e+00, v3;
	_ =	sdelay $0x1  }
0x163: {  	(erf) = vrcp.f32 v48;
	_ =	sdelay $0x7  }
0x164: {  	v3 =	vadd.f32 $-1.000000000e+00, v3  }
0x165: {  	v5 =	vpop (erf)  }
0x166: {  	v3 =	vmul.f32 v5, v3;
	_ =	sdelay $0x1  }
0x167: {  	v5 =	vmul.f32 v3, v3;
	_ =	sdelay $0x1  }
0x168: {  	v49 =	vmul.f32 $4.000000060e-01, v5;
	_ =	sdelay $0x1  }
0x169: {  	v7 =	vadd.f32 $6.666666860e-01, v49;
	_ =	sdelay $0x1  }
0x16a: {  	v5 =	vmul.f32 v7, v5;
	_ =	sdelay $0x1  }
0x16b: {  	v5 =	vadd.f32 $2.000000000e+00, v5;
	_ =	sdelay $0x1  }
0x16c: {  	v3 =	vmul.f32 v5, v3;
	_ =	sdelay $0x1  }
0x16d: {  	v3 =	vadd.f32 $6.931471820e-01, v3  }
0x16e: {  	s31 =	sadd.s32 $0x30, s26  }
0x16f: {  	v50 =	vmov s31;
	v3 =	vadd.f32 v3, v46  }
0x170: {  	v5 =	vshll.u32 v50, $0x3  }
0x171: {  	v5 =	vor.u32 v0, v5;
	v4 =	vsub.f32 v4, v3  }
0x172: {  	v51 =	vor.u32 $0x3, v5;
	v2 =	vsub.f32 v2, v3  }
0x173: {  	v1 =	vsub.f32 v1, v3;
	v3 =	vor.u32 $0x1, v5;
	[tilespmem:s29+$0x15010] =	vst v4  }
0x174: {  	[tilespmem:s29+$0x17720] =	vst v2;
	v2 =	vor.u32 $0x4, v5  }
0x175: {  	[tilespmem:s29+$0x19E30] =	vst v1;
	v1 =	vor.u32 $0x2, v5  }
0x176: {  	v4 =	vld.idx.msk [tilespmem:v5+s13+$0x0], $0xffff;
	v5 =	vor.u32 $0x5, v5  }
0x177: {  	v6 =	vld.idx.msk [tilespmem:v51+s15+$0x0], $0xffff  }
0x178: {  	v3 =	vld.idx.msk [tilespmem:v3+s13+$0x0], $0xffff  }
0x179: {  	v2 =	vld.idx.msk [tilespmem:v2+s15+$0x0], $0xffff  }
0x17a: {  	v1 =	vld.idx.msk [tilespmem:v1+s13+$0x0], $0xffff  }
0x17b: {  	v5 =	vld.idx.msk [tilespmem:v5+s15+$0x0], $0xffff;
	_ =	sdelay $0x3  }
0x17c: {  	v4 =	vadd.f32 v6, v4;
	v2 =	vadd.f32 v2, v3  }
0x17d: {  	v1 =	vadd.f32 v5, v1  }
0x17e: {  	v3 =	vmax.f32 v4, v2  }
0x17f: {  	v52 =	vmin.f32 v4, v2;
	v53 =	vmax.f32 v3, v1  }
0x180: {  	v5 =	vsub.f32 v52, v53  }
0x181: {  	v3 =	vmin.f32 v3, v1  }
0x182: {  	v3 =	vsub.f32 v3, v53;
	v5 =	vmul.f32 $1.442695020e+00, v5;
	_ =	sdelay $0x1  }
0x183: {  	v3 =	vmul.f32 $1.442695020e+00, v3;
	(erf) = vpow2.f32 v5;
	_ =	sdelay $0x1  }
0x184: {  	(erf) = vpow2.f32 v3;
	_ =	sdelay $0x6  }
0x185: {  	v3 =	vpop (erf)  }
0x186: {  	v3 =	vadd.f32 $1.000000000e+00, v3  }
0x187: {  	v54 =	vpop (erf)  }
0x188: {  	v3 =	vadd.f32 v3, v54;
	_ =	sdelay $0x1  }
0x189: {  	v3 =	vmul.f32 $5.000000000e-01, v3;
	_ =	sdelay $0x1  }
0x18a: {  	v55 =	vadd.f32 $1.000000000e+00, v3;
	_ =	sdelay $0x1  }
0x18b: {  	(erf) = vrcp.f32 v55;
	_ =	sdelay $0x7  }
0x18c: {  	v3 =	vadd.f32 $-1.000000000e+00, v3  }
0x18d: {  	v5 =	vpop (erf)  }
0x18e: {  	v3 =	vmul.f32 v5, v3;
	_ =	sdelay $0x1  }
0x18f: {  	v5 =	vmul.f32 v3, v3;
	_ =	sdelay $0x1  }
0x190: {  	v56 =	vmul.f32 $4.000000060e-01, v5;
	_ =	sdelay $0x1  }
0x191: {  	v7 =	vadd.f32 $6.666666860e-01, v56;
	_ =	sdelay $0x1  }
0x192: {  	v5 =	vmul.f32 v7, v5;
	_ =	sdelay $0x1  }
0x193: {  	v5 =	vadd.f32 $2.000000000e+00, v5;
	_ =	sdelay $0x1  }
0x194: {  	v3 =	vmul.f32 v5, v3;
	_ =	sdelay $0x1  }
0x195: {  	v3 =	vadd.f32 $6.931471820e-01, v3  }
0x196: {  	s31 =	sadd.s32 $0x40, s26  }
0x197: {  	v57 =	vmov s31;
	v3 =	vadd.f32 v3, v53  }
0x198: {  	v5 =	vshll.u32 v57, $0x3  }
0x199: {  	v5 =	vor.u32 v0, v5;
	v4 =	vsub.f32 v4, v3  }
0x19a: {  	v58 =	vor.u32 $0x3, v5;
	v2 =	vsub.f32 v2, v3  }
0x19b: {  	v1 =	vsub.f32 v1, v3;
	v3 =	vor.u32 $0x1, v5;
	[tilespmem:s29+$0x15020] =	vst v4  }
0x19c: {  	[tilespmem:s29+$0x17730] =	vst v2;
	v2 =	vor.u32 $0x4, v5  }
0x19d: {  	[tilespmem:s29+$0x19E40] =	vst v1;
	v1 =	vor.u32 $0x2, v5  }
0x19e: {  	v4 =	vld.idx.msk [tilespmem:v5+s13+$0x0], $0xffff;
	v5 =	vor.u32 $0x5, v5  }
0x19f: {  	v6 =	vld.idx.msk [tilespmem:v58+s15+$0x0], $0xffff  }
0x1a0: {  	v3 =	vld.idx.msk [tilespmem:v3+s13+$0x0], $0xffff  }
0x1a1: {  	v2 =	vld.idx.msk [tilespmem:v2+s15+$0x0], $0xffff  }
0x1a2: {  	v1 =	vld.idx.msk [tilespmem:v1+s13+$0x0], $0xffff  }
0x1a3: {  	v5 =	vld.idx.msk [tilespmem:v5+s15+$0x0], $0xffff;
	_ =	sdelay $0x3  }
0x1a4: {  	v4 =	vadd.f32 v6, v4;
	v2 =	vadd.f32 v2, v3  }
0x1a5: {  	v1 =	vadd.f32 v5, v1  }
0x1a6: {  	v3 =	vmax.f32 v4, v2  }
0x1a7: {  	v59 =	vmin.f32 v4, v2;
	v60 =	vmax.f32 v3, v1  }
0x1a8: {  	v5 =	vsub.f32 v59, v60  }
0x1a9: {  	v3 =	vmin.f32 v3, v1  }
0x1aa: {  	v3 =	vsub.f32 v3, v60;
	v5 =	vmul.f32 $1.442695020e+00, v5;
	_ =	sdelay $0x1  }
0x1ab: {  	v3 =	vmul.f32 $1.442695020e+00, v3;
	(erf) = vpow2.f32 v5;
	_ =	sdelay $0x1  }
0x1ac: {  	(erf) = vpow2.f32 v3;
	_ =	sdelay $0x6  }
0x1ad: {  	v3 =	vpop (erf)  }
0x1ae: {  	v3 =	vadd.f32 $1.000000000e+00, v3  }
0x1af: {  	v61 =	vpop (erf)  }
0x1b0: {  	v3 =	vadd.f32 v3, v61;
	_ =	sdelay $0x1  }
0x1b1: {  	v3 =	vmul.f32 $5.000000000e-01, v3;
	_ =	sdelay $0x1  }
0x1b2: {  	v62 =	vadd.f32 $1.000000000e+00, v3;
	_ =	sdelay $0x1  }
0x1b3: {  	(erf) = vrcp.f32 v62;
	_ =	sdelay $0x7  }
0x1b4: {  	v3 =	vadd.f32 $-1.000000000e+00, v3  }
0x1b5: {  	v5 =	vpop (erf)  }
0x1b6: {  	v3 =	vmul.f32 v5, v3;
	_ =	sdelay $0x1  }
0x1b7: {  	v5 =	vmul.f32 v3, v3;
	_ =	sdelay $0x1  }
0x1b8: {  	v63 =	vmul.f32 $4.000000060e-01, v5;
	_ =	sdelay $0x1  }
0x1b9: {  	v7 =	vadd.f32 $6.666666860e-01, v63;
	_ =	sdelay $0x1  }
0x1ba: {  	v5 =	vmul.f32 v7, v5;
	_ =	sdelay $0x1  }
0x1bb: {  	v5 =	vadd.f32 $2.000000000e+00, v5;
	_ =	sdelay $0x1  }
0x1bc: {  	v3 =	vmul.f32 v5, v3;
	_ =	sdelay $0x1  }
0x1bd: {  	v3 =	vadd.f32 $6.931471820e-01, v3;
	_ =	sdelay $0x1  }
0x1be: {  	v3 =	vadd.f32 v3, v60  }
0x1bf: {  	p0 =	sne.s32 s28, $0x1E00  }
.Ltmp1:
0x1c0: {  	v4 =	vsub.f32 v4, v3;
	(pc) =	sbr.rel @p0 .LBB2_4-.Ltmp1, $4  }
0x1c1: {  	v2 =	vsub.f32 v2, v3  }
0x1c2: {  	v1 =	vsub.f32 v1, v3;
	[tilespmem:s29+$0x15030] =	vst v4  }
0x1c3: {  	[tilespmem:s29+$0x17740] =	vst v2  }
0x1c4: {  	s26 =	sadd.s32 $0x50, s26;
	s28 =	sadd.s32 $0x140, s28;
	[tilespmem:s29+$0x19E50] =	vst v1  }
0x1c5: {  	[tilespmem:s13], [sflag:$0x2] =	stream.indirect.gather [hbm4b:s3+s10], $0x8, s20, s10, $0xb8;
	[tilespmem:$0x1BD50] =	vst v63  }
0x1c6: {  	_ = 	snop  }
0x1c7: {  	[tilespmem:s15], [sflag:$0x2] =	stream.indirect.gather [hbm4b:s3+s10], $0x8, s21, s10, $0xb8;
	[tilespmem:$0x1BD50] =	vst v63  }
0x1c8: {  	_ =	swait.ge [sflag:s16], $0x3E80  }
0x1c9: {  	[sflag:s16] =	ssyncset.done $0x0  }
0x1ca: {  	[sflag:s16] =	ssyncadd.s32 $0xFFFFC180  }
0x1cb: {  	_ =	swait.ge [sflag:s16], $0x3E80  }
0x1cc: {  	[sflag:s16] =	ssyncset.done $0x0  }
0x1cd: {  	s26 =	simm.s32 $0x0;
	s28 =	simm.s32 $0x0;
	[sflag:s16] =	ssyncadd.s32 $0xFFFFC180  }
.LBB2_6:
0x1ce: {  	v1 =	vmov s26  }
0x1cf: {  	v1 =	vshll.u32 v1, $0x3  }
0x1d0: {  	v1 =	vor.u32 v0, v1  }
0x1d1: {  	v2 =	vor.u32 $0x3, v1  }
0x1d2: {  	v3 =	vor.u32 $0x1, v1  }
0x1d3: {  	v4 =	vor.u32 $0x4, v1  }
0x1d4: {  	v5 =	vor.u32 $0x2, v1  }
0x1d5: {  	v6 =	vld.idx.msk [tilespmem:v1+s11+$0x0], $0xffff;
	v1 =	vor.u32 $0x5, v1  }
0x1d6: {  	v2 =	vld.idx.msk [tilespmem:v2+s12+$0x0], $0xffff  }
0x1d7: {  	v3 =	vld.idx.msk [tilespmem:v3+s11+$0x0], $0xffff  }
0x1d8: {  	v4 =	vld.idx.msk [tilespmem:v4+s12+$0x0], $0xffff  }
0x1d9: {  	v5 =	vld.idx.msk [tilespmem:v5+s11+$0x0], $0xffff  }
0x1da: {  	v1 =	vld.idx.msk [tilespmem:v1+s12+$0x0], $0xffff;
	_ =	sdelay $0x3  }
0x1db: {  	v2 =	vadd.f32 v2, v6;
	v3 =	vadd.f32 v4, v3  }
0x1dc: {  	v1 =	vadd.f32 v1, v5  }
0x1dd: {  	v4 =	vmax.f32 v2, v3  }
0x1de: {  	v30 =	vmin.f32 v2, v3;
	v31 =	vmax.f32 v4, v1  }
0x1df: {  	v5 =	vsub.f32 v30, v31  }
0x1e0: {  	v4 =	vmin.f32 v4, v1  }
0x1e1: {  	v4 =	vsub.f32 v4, v31;
	v5 =	vmul.f32 $1.442695020e+00, v5;
	_ =	sdelay $0x1  }
0x1e2: {  	v4 =	vmul.f32 $1.442695020e+00, v4;
	(erf) = vpow2.f32 v5;
	_ =	sdelay $0x1  }
0x1e3: {  	(erf) = vpow2.f32 v4;
	_ =	sdelay $0x6  }
0x1e4: {  	v32 =	vpop (erf)  }
0x1e5: {  	v4 =	vadd.f32 $1.000000000e+00, v32  }
0x1e6: {  	v33 =	vpop (erf)  }
0x1e7: {  	v4 =	vadd.f32 v4, v33;
	_ =	sdelay $0x1  }
0x1e8: {  	v4 =	vmul.f32 $5.000000000e-01, v4;
	_ =	sdelay $0x1  }
0x1e9: {  	v34 =	vadd.f32 $1.000000000e+00, v4;
	_ =	sdelay $0x1  }
0x1ea: {  	(erf) = vrcp.f32 v34;
	_ =	sdelay $0x7  }
0x1eb: {  	v4 =	vadd.f32 $-1.000000000e+00, v4  }
0x1ec: {  	v5 =	vpop (erf)  }
0x1ed: {  	v4 =	vmul.f32 v5, v4;
	_ =	sdelay $0x1  }
0x1ee: {  	v5 =	vmul.f32 v4, v4;
	_ =	sdelay $0x1  }
0x1ef: {  	v7 =	vmul.f32 $4.000000060e-01, v5;
	_ =	sdelay $0x1  }
0x1f0: {  	v7 =	vadd.f32 $6.666666860e-01, v7;
	_ =	sdelay $0x1  }
0x1f1: {  	v5 =	vmul.f32 v7, v5;
	_ =	sdelay $0x1  }
0x1f2: {  	v5 =	vadd.f32 $2.000000000e+00, v5;
	_ =	sdelay $0x1  }
0x1f3: {  	v4 =	vmul.f32 v5, v4;
	_ =	sdelay $0x1  }
0x1f4: {  	v4 =	vadd.f32 $6.931471820e-01, v4  }
0x1f5: {  	s29 =	sadd.s32 $0x10, s26  }
0x1f6: {  	v35 =	vmov s29;
	v4 =	vadd.f32 v4, v31  }
0x1f7: {  	v5 =	vshll.u32 v35, $0x3  }
0x1f8: {  	v5 =	vor.u32 v0, v5;
	v2 =	vsub.f32 v2, v4  }
0x1f9: {  	s29 =	sshra.s32 s28, $0x2;
	v36 =	vor.u32 $0x3, v5;
	v3 =	vsub.f32 v3, v4  }
0x1fa: {  	v1 =	vsub.f32 v1, v4;
	[tilespmem:s29+$0x157C0] =	vst v2;
	v2 =	vor.u32 $0x1, v5  }
0x1fb: {  	[tilespmem:s29+$0x17ED0] =	vst v3;
	v3 =	vor.u32 $0x4, v5  }
0x1fc: {  	[tilespmem:s29+$0x1A5E0] =	vst v1;
	v1 =	vor.u32 $0x2, v5  }
0x1fd: {  	v37 =	vld.idx.msk [tilespmem:v5+s11+$0x0], $0xffff;
	v5 =	vor.u32 $0x5, v5  }
0x1fe: {  	v6 =	vld.idx.msk [tilespmem:v36+s12+$0x0], $0xffff  }
0x1ff: {  	v2 =	vld.idx.msk [tilespmem:v2+s11+$0x0], $0xffff  }
0x200: {  	v3 =	vld.idx.msk [tilespmem:v3+s12+$0x0], $0xffff  }
0x201: {  	v1 =	vld.idx.msk [tilespmem:v1+s11+$0x0], $0xffff  }
0x202: {  	v5 =	vld.idx.msk [tilespmem:v5+s12+$0x0], $0xffff;
	_ =	sdelay $0x3  }
0x203: {  	v4 =	vadd.f32 v6, v37;
	v2 =	vadd.f32 v3, v2  }
0x204: {  	v1 =	vadd.f32 v5, v1  }
0x205: {  	v3 =	vmax.f32 v4, v2  }
0x206: {  	v38 =	vmin.f32 v4, v2;
	v39 =	vmax.f32 v3, v1  }
0x207: {  	v5 =	vsub.f32 v38, v39  }
0x208: {  	v3 =	vmin.f32 v3, v1  }
0x209: {  	v3 =	vsub.f32 v3, v39;
	v5 =	vmul.f32 $1.442695020e+00, v5;
	_ =	sdelay $0x1  }
0x20a: {  	v3 =	vmul.f32 $1.442695020e+00, v3;
	(erf) = vpow2.f32 v5;
	_ =	sdelay $0x1  }
0x20b: {  	(erf) = vpow2.f32 v3;
	_ =	sdelay $0x6  }
0x20c: {  	v3 =	vpop (erf)  }
0x20d: {  	v3 =	vadd.f32 $1.000000000e+00, v3  }
0x20e: {  	v40 =	vpop (erf)  }
0x20f: {  	v3 =	vadd.f32 v3, v40;
	_ =	sdelay $0x1  }
0x210: {  	v3 =	vmul.f32 $5.000000000e-01, v3;
	_ =	sdelay $0x1  }
0x211: {  	v41 =	vadd.f32 $1.000000000e+00, v3;
	_ =	sdelay $0x1  }
0x212: {  	(erf) = vrcp.f32 v41;
	_ =	sdelay $0x7  }
0x213: {  	v3 =	vadd.f32 $-1.000000000e+00, v3  }
0x214: {  	v5 =	vpop (erf)  }
0x215: {  	v3 =	vmul.f32 v5, v3;
	_ =	sdelay $0x1  }
0x216: {  	v5 =	vmul.f32 v3, v3;
	_ =	sdelay $0x1  }
0x217: {  	v42 =	vmul.f32 $4.000000060e-01, v5;
	_ =	sdelay $0x1  }
0x218: {  	v7 =	vadd.f32 $6.666666860e-01, v42;
	_ =	sdelay $0x1  }
0x219: {  	v5 =	vmul.f32 v7, v5;
	_ =	sdelay $0x1  }
0x21a: {  	v5 =	vadd.f32 $2.000000000e+00, v5;
	_ =	sdelay $0x1  }
0x21b: {  	v3 =	vmul.f32 v5, v3;
	_ =	sdelay $0x1  }
0x21c: {  	v3 =	vadd.f32 $6.931471820e-01, v3  }
0x21d: {  	s30 =	sadd.s32 $0x20, s26  }
0x21e: {  	v43 =	vmov s30;
	v3 =	vadd.f32 v3, v39  }
0x21f: {  	v5 =	vshll.u32 v43, $0x3  }
0x220: {  	v5 =	vor.u32 v0, v5;
	v4 =	vsub.f32 v4, v3  }
0x221: {  	v44 =	vor.u32 $0x3, v5;
	v2 =	vsub.f32 v2, v3  }
0x222: {  	v1 =	vsub.f32 v1, v3;
	v3 =	vor.u32 $0x1, v5;
	[tilespmem:s29+$0x157D0] =	vst v4  }
0x223: {  	[tilespmem:s29+$0x17EE0] =	vst v2;
	v2 =	vor.u32 $0x4, v5  }
0x224: {  	[tilespmem:s29+$0x1A5F0] =	vst v1;
	v1 =	vor.u32 $0x2, v5  }
0x225: {  	v4 =	vld.idx.msk [tilespmem:v5+s11+$0x0], $0xffff;
	v5 =	vor.u32 $0x5, v5  }
0x226: {  	v6 =	vld.idx.msk [tilespmem:v44+s12+$0x0], $0xffff  }
0x227: {  	v3 =	vld.idx.msk [tilespmem:v3+s11+$0x0], $0xffff  }
0x228: {  	v2 =	vld.idx.msk [tilespmem:v2+s12+$0x0], $0xffff  }
0x229: {  	v1 =	vld.idx.msk [tilespmem:v1+s11+$0x0], $0xffff  }
0x22a: {  	v5 =	vld.idx.msk [tilespmem:v5+s12+$0x0], $0xffff;
	_ =	sdelay $0x3  }
0x22b: {  	v4 =	vadd.f32 v6, v4;
	v2 =	vadd.f32 v2, v3  }
0x22c: {  	v1 =	vadd.f32 v5, v1  }
0x22d: {  	v3 =	vmax.f32 v4, v2  }
0x22e: {  	v45 =	vmin.f32 v4, v2;
	v46 =	vmax.f32 v3, v1  }
0x22f: {  	v5 =	vsub.f32 v45, v46  }
0x230: {  	v3 =	vmin.f32 v3, v1  }
0x231: {  	v3 =	vsub.f32 v3, v46;
	v5 =	vmul.f32 $1.442695020e+00, v5;
	_ =	sdelay $0x1  }
0x232: {  	v3 =	vmul.f32 $1.442695020e+00, v3;
	(erf) = vpow2.f32 v5;
	_ =	sdelay $0x1  }
0x233: {  	(erf) = vpow2.f32 v3;
	_ =	sdelay $0x6  }
0x234: {  	v3 =	vpop (erf)  }
0x235: {  	v3 =	vadd.f32 $1.000000000e+00, v3  }
0x236: {  	v47 =	vpop (erf)  }
0x237: {  	v3 =	vadd.f32 v3, v47;
	_ =	sdelay $0x1  }
0x238: {  	v3 =	vmul.f32 $5.000000000e-01, v3;
	_ =	sdelay $0x1  }
0x239: {  	v48 =	vadd.f32 $1.000000000e+00, v3;
	_ =	sdelay $0x1  }
0x23a: {  	(erf) = vrcp.f32 v48;
	_ =	sdelay $0x7  }
0x23b: {  	v3 =	vadd.f32 $-1.000000000e+00, v3  }
0x23c: {  	v5 =	vpop (erf)  }
0x23d: {  	v3 =	vmul.f32 v5, v3;
	_ =	sdelay $0x1  }
0x23e: {  	v5 =	vmul.f32 v3, v3;
	_ =	sdelay $0x1  }
0x23f: {  	v49 =	vmul.f32 $4.000000060e-01, v5;
	_ =	sdelay $0x1  }
0x240: {  	v7 =	vadd.f32 $6.666666860e-01, v49;
	_ =	sdelay $0x1  }
0x241: {  	v5 =	vmul.f32 v7, v5;
	_ =	sdelay $0x1  }
0x242: {  	v5 =	vadd.f32 $2.000000000e+00, v5;
	_ =	sdelay $0x1  }
0x243: {  	v3 =	vmul.f32 v5, v3;
	_ =	sdelay $0x1  }
0x244: {  	v3 =	vadd.f32 $6.931471820e-01, v3  }
0x245: {  	s31 =	sadd.s32 $0x30, s26  }
0x246: {  	v50 =	vmov s31;
	v3 =	vadd.f32 v3, v46  }
0x247: {  	v5 =	vshll.u32 v50, $0x3  }
0x248: {  	v5 =	vor.u32 v0, v5;
	v4 =	vsub.f32 v4, v3  }
0x249: {  	v51 =	vor.u32 $0x3, v5;
	v2 =	vsub.f32 v2, v3  }
0x24a: {  	v1 =	vsub.f32 v1, v3;
	v3 =	vor.u32 $0x1, v5;
	[tilespmem:s29+$0x157E0] =	vst v4  }
0x24b: {  	[tilespmem:s29+$0x17EF0] =	vst v2;
	v2 =	vor.u32 $0x4, v5  }
0x24c: {  	[tilespmem:s29+$0x1A600] =	vst v1;
	v1 =	vor.u32 $0x2, v5  }
0x24d: {  	v4 =	vld.idx.msk [tilespmem:v5+s11+$0x0], $0xffff;
	v5 =	vor.u32 $0x5, v5  }
0x24e: {  	v6 =	vld.idx.msk [tilespmem:v51+s12+$0x0], $0xffff  }
0x24f: {  	v3 =	vld.idx.msk [tilespmem:v3+s11+$0x0], $0xffff  }
0x250: {  	v2 =	vld.idx.msk [tilespmem:v2+s12+$0x0], $0xffff  }
0x251: {  	v1 =	vld.idx.msk [tilespmem:v1+s11+$0x0], $0xffff  }
0x252: {  	v5 =	vld.idx.msk [tilespmem:v5+s12+$0x0], $0xffff;
	_ =	sdelay $0x3  }
0x253: {  	v4 =	vadd.f32 v6, v4;
	v2 =	vadd.f32 v2, v3  }
0x254: {  	v1 =	vadd.f32 v5, v1  }
0x255: {  	v3 =	vmax.f32 v4, v2  }
0x256: {  	v52 =	vmin.f32 v4, v2;
	v53 =	vmax.f32 v3, v1  }
0x257: {  	v5 =	vsub.f32 v52, v53  }
0x258: {  	v3 =	vmin.f32 v3, v1  }
0x259: {  	v3 =	vsub.f32 v3, v53;
	v5 =	vmul.f32 $1.442695020e+00, v5;
	_ =	sdelay $0x1  }
0x25a: {  	v3 =	vmul.f32 $1.442695020e+00, v3;
	(erf) = vpow2.f32 v5;
	_ =	sdelay $0x1  }
0x25b: {  	(erf) = vpow2.f32 v3;
	_ =	sdelay $0x6  }
0x25c: {  	v3 =	vpop (erf)  }
0x25d: {  	v3 =	vadd.f32 $1.000000000e+00, v3  }
0x25e: {  	v54 =	vpop (erf)  }
0x25f: {  	v3 =	vadd.f32 v3, v54;
	_ =	sdelay $0x1  }
0x260: {  	v3 =	vmul.f32 $5.000000000e-01, v3;
	_ =	sdelay $0x1  }
0x261: {  	v55 =	vadd.f32 $1.000000000e+00, v3;
	_ =	sdelay $0x1  }
0x262: {  	(erf) = vrcp.f32 v55;
	_ =	sdelay $0x7  }
0x263: {  	v3 =	vadd.f32 $-1.000000000e+00, v3  }
0x264: {  	v5 =	vpop (erf)  }
0x265: {  	v3 =	vmul.f32 v5, v3;
	_ =	sdelay $0x1  }
0x266: {  	v5 =	vmul.f32 v3, v3;
	_ =	sdelay $0x1  }
0x267: {  	v56 =	vmul.f32 $4.000000060e-01, v5;
	_ =	sdelay $0x1  }
0x268: {  	v7 =	vadd.f32 $6.666666860e-01, v56;
	_ =	sdelay $0x1  }
0x269: {  	v5 =	vmul.f32 v7, v5;
	_ =	sdelay $0x1  }
0x26a: {  	v5 =	vadd.f32 $2.000000000e+00, v5;
	_ =	sdelay $0x1  }
0x26b: {  	v3 =	vmul.f32 v5, v3;
	_ =	sdelay $0x1  }
0x26c: {  	v3 =	vadd.f32 $6.931471820e-01, v3  }
0x26d: {  	s31 =	sadd.s32 $0x40, s26  }
0x26e: {  	v57 =	vmov s31;
	v3 =	vadd.f32 v3, v53  }
0x26f: {  	v5 =	vshll.u32 v57, $0x3  }
0x270: {  	v5 =	vor.u32 v0, v5;
	v4 =	vsub.f32 v4, v3  }
0x271: {  	v58 =	vor.u32 $0x3, v5;
	v2 =	vsub.f32 v2, v3  }
0x272: {  	v1 =	vsub.f32 v1, v3;
	v3 =	vor.u32 $0x1, v5;
	[tilespmem:s29+$0x157F0] =	vst v4  }
0x273: {  	[tilespmem:s29+$0x17F00] =	vst v2;
	v2 =	vor.u32 $0x4, v5  }
0x274: {  	[tilespmem:s29+$0x1A610] =	vst v1;
	v1 =	vor.u32 $0x2, v5  }
0x275: {  	v4 =	vld.idx.msk [tilespmem:v5+s11+$0x0], $0xffff;
	v5 =	vor.u32 $0x5, v5  }
0x276: {  	v6 =	vld.idx.msk [tilespmem:v58+s12+$0x0], $0xffff  }
0x277: {  	v3 =	vld.idx.msk [tilespmem:v3+s11+$0x0], $0xffff  }
0x278: {  	v2 =	vld.idx.msk [tilespmem:v2+s12+$0x0], $0xffff  }
0x279: {  	v1 =	vld.idx.msk [tilespmem:v1+s11+$0x0], $0xffff  }
0x27a: {  	v5 =	vld.idx.msk [tilespmem:v5+s12+$0x0], $0xffff;
	_ =	sdelay $0x3  }
0x27b: {  	v4 =	vadd.f32 v6, v4;
	v2 =	vadd.f32 v2, v3  }
0x27c: {  	v1 =	vadd.f32 v5, v1  }
0x27d: {  	v3 =	vmax.f32 v4, v2  }
0x27e: {  	v59 =	vmin.f32 v4, v2;
	v60 =	vmax.f32 v3, v1  }
0x27f: {  	v5 =	vsub.f32 v59, v60  }
0x280: {  	v3 =	vmin.f32 v3, v1  }
0x281: {  	v3 =	vsub.f32 v3, v60;
	v5 =	vmul.f32 $1.442695020e+00, v5;
	_ =	sdelay $0x1  }
0x282: {  	v3 =	vmul.f32 $1.442695020e+00, v3;
	(erf) = vpow2.f32 v5;
	_ =	sdelay $0x1  }
0x283: {  	(erf) = vpow2.f32 v3;
	_ =	sdelay $0x6  }
0x284: {  	v3 =	vpop (erf)  }
0x285: {  	v3 =	vadd.f32 $1.000000000e+00, v3  }
0x286: {  	v61 =	vpop (erf)  }
0x287: {  	v3 =	vadd.f32 v3, v61;
	_ =	sdelay $0x1  }
0x288: {  	v3 =	vmul.f32 $5.000000000e-01, v3;
	_ =	sdelay $0x1  }
0x289: {  	v62 =	vadd.f32 $1.000000000e+00, v3;
	_ =	sdelay $0x1  }
0x28a: {  	(erf) = vrcp.f32 v62;
	_ =	sdelay $0x7  }
0x28b: {  	v3 =	vadd.f32 $-1.000000000e+00, v3  }
0x28c: {  	v5 =	vpop (erf)  }
0x28d: {  	v3 =	vmul.f32 v5, v3;
	_ =	sdelay $0x1  }
0x28e: {  	v5 =	vmul.f32 v3, v3;
	_ =	sdelay $0x1  }
0x28f: {  	v63 =	vmul.f32 $4.000000060e-01, v5;
	_ =	sdelay $0x1  }
0x290: {  	v7 =	vadd.f32 $6.666666860e-01, v63;
	_ =	sdelay $0x1  }
0x291: {  	v5 =	vmul.f32 v7, v5;
	_ =	sdelay $0x1  }
0x292: {  	v5 =	vadd.f32 $2.000000000e+00, v5;
	_ =	sdelay $0x1  }
0x293: {  	v3 =	vmul.f32 v5, v3;
	_ =	sdelay $0x1  }
0x294: {  	v3 =	vadd.f32 $6.931471820e-01, v3;
	_ =	sdelay $0x1  }
0x295: {  	v3 =	vadd.f32 v3, v60  }
0x296: {  	p0 =	sne.s32 s28, $0x1E00  }
.Ltmp2:
0x297: {  	v4 =	vsub.f32 v4, v3;
	(pc) =	sbr.rel @p0 .LBB2_6-.Ltmp2, $4  }
0x298: {  	v2 =	vsub.f32 v2, v3  }
0x299: {  	v1 =	vsub.f32 v1, v3;
	[tilespmem:s29+$0x15800] =	vst v4  }
0x29a: {  	[tilespmem:s29+$0x17F10] =	vst v2  }
0x29b: {  	s26 =	sadd.s32 $0x50, s26;
	s28 =	sadd.s32 $0x140, s28;
	[tilespmem:s29+$0x1A620] =	vst v1  }
0x29c: {  	[tilespmem:s11], [sflag:$0x1] =	stream.indirect.gather [hbm4b:s3+s10], $0x8, s22, s10, $0xb8;
	[tilespmem:$0x1BD50] =	vst v63  }
0x29d: {  	_ = 	snop  }
0x29e: {  	[tilespmem:s12], [sflag:$0x1] =	stream.indirect.gather [hbm4b:s3+s10], $0x8, s23, s10, $0xb8;
	[tilespmem:$0x1BD50] =	vst v63  }
0x29f: {  	_ =	swait.ge [sflag:s19], $0x3E80  }
0x2a0: {  	[sflag:s19] =	ssyncset.done $0x0  }
0x2a1: {  	[sflag:s19] =	ssyncadd.s32 $0xFFFFC180  }
0x2a2: {  	_ =	swait.ge [sflag:s19], $0x3E80  }
0x2a3: {  	[sflag:s19] =	ssyncset.done $0x0  }
0x2a4: {  	s26 =	simm.s32 $0x0;
	s28 =	simm.s32 $0x0;
	[sflag:s19] =	ssyncadd.s32 $0xFFFFC180  }
.LBB2_8:
0x2a5: {  	v1 =	vmov s26  }
0x2a6: {  	v1 =	vshll.u32 v1, $0x3  }
0x2a7: {  	v1 =	vor.u32 v0, v1  }
0x2a8: {  	v2 =	vor.u32 $0x3, v1  }
0x2a9: {  	v3 =	vor.u32 $0x1, v1  }
0x2aa: {  	v4 =	vor.u32 $0x4, v1  }
0x2ab: {  	v5 =	vor.u32 $0x2, v1  }
0x2ac: {  	v6 =	vld.idx.msk [tilespmem:v1+s13+$0x0], $0xffff;
	v1 =	vor.u32 $0x5, v1  }
0x2ad: {  	v2 =	vld.idx.msk [tilespmem:v2+s15+$0x0], $0xffff  }
0x2ae: {  	v3 =	vld.idx.msk [tilespmem:v3+s13+$0x0], $0xffff  }
0x2af: {  	v4 =	vld.idx.msk [tilespmem:v4+s15+$0x0], $0xffff  }
0x2b0: {  	v5 =	vld.idx.msk [tilespmem:v5+s13+$0x0], $0xffff  }
0x2b1: {  	v1 =	vld.idx.msk [tilespmem:v1+s15+$0x0], $0xffff;
	_ =	sdelay $0x3  }
0x2b2: {  	v2 =	vadd.f32 v2, v6;
	v3 =	vadd.f32 v4, v3  }
0x2b3: {  	v1 =	vadd.f32 v1, v5  }
0x2b4: {  	v4 =	vmax.f32 v2, v3  }
0x2b5: {  	v30 =	vmin.f32 v2, v3;
	v31 =	vmax.f32 v4, v1  }
0x2b6: {  	v5 =	vsub.f32 v30, v31  }
0x2b7: {  	v4 =	vmin.f32 v4, v1  }
0x2b8: {  	v4 =	vsub.f32 v4, v31;
	v5 =	vmul.f32 $1.442695020e+00, v5;
	_ =	sdelay $0x1  }
0x2b9: {  	v4 =	vmul.f32 $1.442695020e+00, v4;
	(erf) = vpow2.f32 v5;
	_ =	sdelay $0x1  }
0x2ba: {  	(erf) = vpow2.f32 v4;
	_ =	sdelay $0x6  }
0x2bb: {  	v32 =	vpop (erf)  }
0x2bc: {  	v4 =	vadd.f32 $1.000000000e+00, v32  }
0x2bd: {  	v33 =	vpop (erf)  }
0x2be: {  	v4 =	vadd.f32 v4, v33;
	_ =	sdelay $0x1  }
0x2bf: {  	v4 =	vmul.f32 $5.000000000e-01, v4;
	_ =	sdelay $0x1  }
0x2c0: {  	v34 =	vadd.f32 $1.000000000e+00, v4;
	_ =	sdelay $0x1  }
0x2c1: {  	(erf) = vrcp.f32 v34;
	_ =	sdelay $0x7  }
0x2c2: {  	v4 =	vadd.f32 $-1.000000000e+00, v4  }
0x2c3: {  	v5 =	vpop (erf)  }
0x2c4: {  	v4 =	vmul.f32 v5, v4;
	_ =	sdelay $0x1  }
0x2c5: {  	v5 =	vmul.f32 v4, v4;
	_ =	sdelay $0x1  }
0x2c6: {  	v7 =	vmul.f32 $4.000000060e-01, v5;
	_ =	sdelay $0x1  }
0x2c7: {  	v7 =	vadd.f32 $6.666666860e-01, v7;
	_ =	sdelay $0x1  }
0x2c8: {  	v5 =	vmul.f32 v7, v5;
	_ =	sdelay $0x1  }
0x2c9: {  	v5 =	vadd.f32 $2.000000000e+00, v5;
	_ =	sdelay $0x1  }
0x2ca: {  	v4 =	vmul.f32 v5, v4;
	_ =	sdelay $0x1  }
0x2cb: {  	v4 =	vadd.f32 $6.931471820e-01, v4  }
0x2cc: {  	s29 =	sadd.s32 $0x10, s26  }
0x2cd: {  	v35 =	vmov s29;
	v4 =	vadd.f32 v4, v31  }
0x2ce: {  	v5 =	vshll.u32 v35, $0x3  }
0x2cf: {  	v5 =	vor.u32 v0, v5;
	v2 =	vsub.f32 v2, v4  }
0x2d0: {  	s29 =	sshra.s32 s28, $0x2;
	v36 =	vor.u32 $0x3, v5;
	v3 =	vsub.f32 v3, v4  }
0x2d1: {  	v1 =	vsub.f32 v1, v4;
	[tilespmem:s29+$0x15F90] =	vst v2;
	v2 =	vor.u32 $0x1, v5  }
0x2d2: {  	[tilespmem:s29+$0x186A0] =	vst v3;
	v3 =	vor.u32 $0x4, v5  }
0x2d3: {  	[tilespmem:s29+$0x1ADB0] =	vst v1;
	v1 =	vor.u32 $0x2, v5  }
0x2d4: {  	v37 =	vld.idx.msk [tilespmem:v5+s13+$0x0], $0xffff;
	v5 =	vor.u32 $0x5, v5  }
0x2d5: {  	v6 =	vld.idx.msk [tilespmem:v36+s15+$0x0], $0xffff  }
0x2d6: {  	v2 =	vld.idx.msk [tilespmem:v2+s13+$0x0], $0xffff  }
0x2d7: {  	v3 =	vld.idx.msk [tilespmem:v3+s15+$0x0], $0xffff  }
0x2d8: {  	v1 =	vld.idx.msk [tilespmem:v1+s13+$0x0], $0xffff  }
0x2d9: {  	v5 =	vld.idx.msk [tilespmem:v5+s15+$0x0], $0xffff;
	_ =	sdelay $0x3  }
0x2da: {  	v4 =	vadd.f32 v6, v37;
	v2 =	vadd.f32 v3, v2  }
0x2db: {  	v1 =	vadd.f32 v5, v1  }
0x2dc: {  	v3 =	vmax.f32 v4, v2  }
0x2dd: {  	v38 =	vmin.f32 v4, v2;
	v39 =	vmax.f32 v3, v1  }
0x2de: {  	v5 =	vsub.f32 v38, v39  }
0x2df: {  	v3 =	vmin.f32 v3, v1  }
0x2e0: {  	v3 =	vsub.f32 v3, v39;
	v5 =	vmul.f32 $1.442695020e+00, v5;
	_ =	sdelay $0x1  }
0x2e1: {  	v3 =	vmul.f32 $1.442695020e+00, v3;
	(erf) = vpow2.f32 v5;
	_ =	sdelay $0x1  }
0x2e2: {  	(erf) = vpow2.f32 v3;
	_ =	sdelay $0x6  }
0x2e3: {  	v3 =	vpop (erf)  }
0x2e4: {  	v3 =	vadd.f32 $1.000000000e+00, v3  }
0x2e5: {  	v40 =	vpop (erf)  }
0x2e6: {  	v3 =	vadd.f32 v3, v40;
	_ =	sdelay $0x1  }
0x2e7: {  	v3 =	vmul.f32 $5.000000000e-01, v3;
	_ =	sdelay $0x1  }
0x2e8: {  	v41 =	vadd.f32 $1.000000000e+00, v3;
	_ =	sdelay $0x1  }
0x2e9: {  	(erf) = vrcp.f32 v41;
	_ =	sdelay $0x7  }
0x2ea: {  	v3 =	vadd.f32 $-1.000000000e+00, v3  }
0x2eb: {  	v5 =	vpop (erf)  }
0x2ec: {  	v3 =	vmul.f32 v5, v3;
	_ =	sdelay $0x1  }
0x2ed: {  	v5 =	vmul.f32 v3, v3;
	_ =	sdelay $0x1  }
0x2ee: {  	v42 =	vmul.f32 $4.000000060e-01, v5;
	_ =	sdelay $0x1  }
0x2ef: {  	v7 =	vadd.f32 $6.666666860e-01, v42;
	_ =	sdelay $0x1  }
0x2f0: {  	v5 =	vmul.f32 v7, v5;
	_ =	sdelay $0x1  }
0x2f1: {  	v5 =	vadd.f32 $2.000000000e+00, v5;
	_ =	sdelay $0x1  }
0x2f2: {  	v3 =	vmul.f32 v5, v3;
	_ =	sdelay $0x1  }
0x2f3: {  	v3 =	vadd.f32 $6.931471820e-01, v3  }
0x2f4: {  	s30 =	sadd.s32 $0x20, s26  }
0x2f5: {  	v43 =	vmov s30;
	v3 =	vadd.f32 v3, v39  }
0x2f6: {  	v5 =	vshll.u32 v43, $0x3  }
0x2f7: {  	v5 =	vor.u32 v0, v5;
	v4 =	vsub.f32 v4, v3  }
0x2f8: {  	v44 =	vor.u32 $0x3, v5;
	v2 =	vsub.f32 v2, v3  }
0x2f9: {  	v1 =	vsub.f32 v1, v3;
	v3 =	vor.u32 $0x1, v5;
	[tilespmem:s29+$0x15FA0] =	vst v4  }
0x2fa: {  	[tilespmem:s29+$0x186B0] =	vst v2;
	v2 =	vor.u32 $0x4, v5  }
0x2fb: {  	[tilespmem:s29+$0x1ADC0] =	vst v1;
	v1 =	vor.u32 $0x2, v5  }
0x2fc: {  	v4 =	vld.idx.msk [tilespmem:v5+s13+$0x0], $0xffff;
	v5 =	vor.u32 $0x5, v5  }
0x2fd: {  	v6 =	vld.idx.msk [tilespmem:v44+s15+$0x0], $0xffff  }
0x2fe: {  	v3 =	vld.idx.msk [tilespmem:v3+s13+$0x0], $0xffff  }
0x2ff: {  	v2 =	vld.idx.msk [tilespmem:v2+s15+$0x0], $0xffff  }
0x300: {  	v1 =	vld.idx.msk [tilespmem:v1+s13+$0x0], $0xffff  }
0x301: {  	v5 =	vld.idx.msk [tilespmem:v5+s15+$0x0], $0xffff;
	_ =	sdelay $0x3  }
0x302: {  	v4 =	vadd.f32 v6, v4;
	v2 =	vadd.f32 v2, v3  }
0x303: {  	v1 =	vadd.f32 v5, v1  }
0x304: {  	v3 =	vmax.f32 v4, v2  }
0x305: {  	v45 =	vmin.f32 v4, v2;
	v46 =	vmax.f32 v3, v1  }
0x306: {  	v5 =	vsub.f32 v45, v46  }
0x307: {  	v3 =	vmin.f32 v3, v1  }
0x308: {  	v3 =	vsub.f32 v3, v46;
	v5 =	vmul.f32 $1.442695020e+00, v5;
	_ =	sdelay $0x1  }
0x309: {  	v3 =	vmul.f32 $1.442695020e+00, v3;
	(erf) = vpow2.f32 v5;
	_ =	sdelay $0x1  }
0x30a: {  	(erf) = vpow2.f32 v3;
	_ =	sdelay $0x6  }
0x30b: {  	v3 =	vpop (erf)  }
0x30c: {  	v3 =	vadd.f32 $1.000000000e+00, v3  }
0x30d: {  	v47 =	vpop (erf)  }
0x30e: {  	v3 =	vadd.f32 v3, v47;
	_ =	sdelay $0x1  }
0x30f: {  	v3 =	vmul.f32 $5.000000000e-01, v3;
	_ =	sdelay $0x1  }
0x310: {  	v48 =	vadd.f32 $1.000000000e+00, v3;
	_ =	sdelay $0x1  }
0x311: {  	(erf) = vrcp.f32 v48;
	_ =	sdelay $0x7  }
0x312: {  	v3 =	vadd.f32 $-1.000000000e+00, v3  }
0x313: {  	v5 =	vpop (erf)  }
0x314: {  	v3 =	vmul.f32 v5, v3;
	_ =	sdelay $0x1  }
0x315: {  	v5 =	vmul.f32 v3, v3;
	_ =	sdelay $0x1  }
0x316: {  	v49 =	vmul.f32 $4.000000060e-01, v5;
	_ =	sdelay $0x1  }
0x317: {  	v7 =	vadd.f32 $6.666666860e-01, v49;
	_ =	sdelay $0x1  }
0x318: {  	v5 =	vmul.f32 v7, v5;
	_ =	sdelay $0x1  }
0x319: {  	v5 =	vadd.f32 $2.000000000e+00, v5;
	_ =	sdelay $0x1  }
0x31a: {  	v3 =	vmul.f32 v5, v3;
	_ =	sdelay $0x1  }
0x31b: {  	v3 =	vadd.f32 $6.931471820e-01, v3  }
0x31c: {  	s31 =	sadd.s32 $0x30, s26  }
0x31d: {  	v50 =	vmov s31;
	v3 =	vadd.f32 v3, v46  }
0x31e: {  	v5 =	vshll.u32 v50, $0x3  }
0x31f: {  	v5 =	vor.u32 v0, v5;
	v4 =	vsub.f32 v4, v3  }
0x320: {  	v51 =	vor.u32 $0x3, v5;
	v2 =	vsub.f32 v2, v3  }
0x321: {  	v1 =	vsub.f32 v1, v3;
	v3 =	vor.u32 $0x1, v5;
	[tilespmem:s29+$0x15FB0] =	vst v4  }
0x322: {  	[tilespmem:s29+$0x186C0] =	vst v2;
	v2 =	vor.u32 $0x4, v5  }
0x323: {  	[tilespmem:s29+$0x1ADD0] =	vst v1;
	v1 =	vor.u32 $0x2, v5  }
0x324: {  	v4 =	vld.idx.msk [tilespmem:v5+s13+$0x0], $0xffff;
	v5 =	vor.u32 $0x5, v5  }
0x325: {  	v6 =	vld.idx.msk [tilespmem:v51+s15+$0x0], $0xffff  }
0x326: {  	v3 =	vld.idx.msk [tilespmem:v3+s13+$0x0], $0xffff  }
0x327: {  	v2 =	vld.idx.msk [tilespmem:v2+s15+$0x0], $0xffff  }
0x328: {  	v1 =	vld.idx.msk [tilespmem:v1+s13+$0x0], $0xffff  }
0x329: {  	v5 =	vld.idx.msk [tilespmem:v5+s15+$0x0], $0xffff;
	_ =	sdelay $0x3  }
0x32a: {  	v4 =	vadd.f32 v6, v4;
	v2 =	vadd.f32 v2, v3  }
0x32b: {  	v1 =	vadd.f32 v5, v1  }
0x32c: {  	v3 =	vmax.f32 v4, v2  }
0x32d: {  	v52 =	vmin.f32 v4, v2;
	v53 =	vmax.f32 v3, v1  }
0x32e: {  	v5 =	vsub.f32 v52, v53  }
0x32f: {  	v3 =	vmin.f32 v3, v1  }
0x330: {  	v3 =	vsub.f32 v3, v53;
	v5 =	vmul.f32 $1.442695020e+00, v5;
	_ =	sdelay $0x1  }
0x331: {  	v3 =	vmul.f32 $1.442695020e+00, v3;
	(erf) = vpow2.f32 v5;
	_ =	sdelay $0x1  }
0x332: {  	(erf) = vpow2.f32 v3;
	_ =	sdelay $0x6  }
0x333: {  	v3 =	vpop (erf)  }
0x334: {  	v3 =	vadd.f32 $1.000000000e+00, v3  }
0x335: {  	v54 =	vpop (erf)  }
0x336: {  	v3 =	vadd.f32 v3, v54;
	_ =	sdelay $0x1  }
0x337: {  	v3 =	vmul.f32 $5.000000000e-01, v3;
	_ =	sdelay $0x1  }
0x338: {  	v55 =	vadd.f32 $1.000000000e+00, v3;
	_ =	sdelay $0x1  }
0x339: {  	(erf) = vrcp.f32 v55;
	_ =	sdelay $0x7  }
0x33a: {  	v3 =	vadd.f32 $-1.000000000e+00, v3  }
0x33b: {  	v5 =	vpop (erf)  }
0x33c: {  	v3 =	vmul.f32 v5, v3;
	_ =	sdelay $0x1  }
0x33d: {  	v5 =	vmul.f32 v3, v3;
	_ =	sdelay $0x1  }
0x33e: {  	v56 =	vmul.f32 $4.000000060e-01, v5;
	_ =	sdelay $0x1  }
0x33f: {  	v7 =	vadd.f32 $6.666666860e-01, v56;
	_ =	sdelay $0x1  }
0x340: {  	v5 =	vmul.f32 v7, v5;
	_ =	sdelay $0x1  }
0x341: {  	v5 =	vadd.f32 $2.000000000e+00, v5;
	_ =	sdelay $0x1  }
0x342: {  	v3 =	vmul.f32 v5, v3;
	_ =	sdelay $0x1  }
0x343: {  	v3 =	vadd.f32 $6.931471820e-01, v3  }
0x344: {  	s31 =	sadd.s32 $0x40, s26  }
0x345: {  	v57 =	vmov s31;
	v3 =	vadd.f32 v3, v53  }
0x346: {  	v5 =	vshll.u32 v57, $0x3  }
0x347: {  	v5 =	vor.u32 v0, v5;
	v4 =	vsub.f32 v4, v3  }
0x348: {  	v58 =	vor.u32 $0x3, v5;
	v2 =	vsub.f32 v2, v3  }
0x349: {  	v1 =	vsub.f32 v1, v3;
	v3 =	vor.u32 $0x1, v5;
	[tilespmem:s29+$0x15FC0] =	vst v4  }
0x34a: {  	[tilespmem:s29+$0x186D0] =	vst v2;
	v2 =	vor.u32 $0x4, v5  }
0x34b: {  	[tilespmem:s29+$0x1ADE0] =	vst v1;
	v1 =	vor.u32 $0x2, v5  }
0x34c: {  	v4 =	vld.idx.msk [tilespmem:v5+s13+$0x0], $0xffff;
	v5 =	vor.u32 $0x5, v5  }
0x34d: {  	v6 =	vld.idx.msk [tilespmem:v58+s15+$0x0], $0xffff  }
0x34e: {  	v3 =	vld.idx.msk [tilespmem:v3+s13+$0x0], $0xffff  }
0x34f: {  	v2 =	vld.idx.msk [tilespmem:v2+s15+$0x0], $0xffff  }
0x350: {  	v1 =	vld.idx.msk [tilespmem:v1+s13+$0x0], $0xffff  }
0x351: {  	v5 =	vld.idx.msk [tilespmem:v5+s15+$0x0], $0xffff;
	_ =	sdelay $0x3  }
0x352: {  	v4 =	vadd.f32 v6, v4;
	v2 =	vadd.f32 v2, v3  }
0x353: {  	v1 =	vadd.f32 v5, v1  }
0x354: {  	v3 =	vmax.f32 v4, v2  }
0x355: {  	v59 =	vmin.f32 v4, v2;
	v60 =	vmax.f32 v3, v1  }
0x356: {  	v5 =	vsub.f32 v59, v60  }
0x357: {  	v3 =	vmin.f32 v3, v1  }
0x358: {  	v3 =	vsub.f32 v3, v60;
	v5 =	vmul.f32 $1.442695020e+00, v5;
	_ =	sdelay $0x1  }
0x359: {  	v3 =	vmul.f32 $1.442695020e+00, v3;
	(erf) = vpow2.f32 v5;
	_ =	sdelay $0x1  }
0x35a: {  	(erf) = vpow2.f32 v3;
	_ =	sdelay $0x6  }
0x35b: {  	v3 =	vpop (erf)  }
0x35c: {  	v3 =	vadd.f32 $1.000000000e+00, v3  }
0x35d: {  	v61 =	vpop (erf)  }
0x35e: {  	v3 =	vadd.f32 v3, v61;
	_ =	sdelay $0x1  }
0x35f: {  	v3 =	vmul.f32 $5.000000000e-01, v3;
	_ =	sdelay $0x1  }
0x360: {  	v62 =	vadd.f32 $1.000000000e+00, v3;
	_ =	sdelay $0x1  }
0x361: {  	(erf) = vrcp.f32 v62;
	_ =	sdelay $0x7  }
0x362: {  	v3 =	vadd.f32 $-1.000000000e+00, v3  }
0x363: {  	v5 =	vpop (erf)  }
0x364: {  	v3 =	vmul.f32 v5, v3;
	_ =	sdelay $0x1  }
0x365: {  	v5 =	vmul.f32 v3, v3;
	_ =	sdelay $0x1  }
0x366: {  	v63 =	vmul.f32 $4.000000060e-01, v5;
	_ =	sdelay $0x1  }
0x367: {  	v7 =	vadd.f32 $6.666666860e-01, v63;
	_ =	sdelay $0x1  }
0x368: {  	v5 =	vmul.f32 v7, v5;
	_ =	sdelay $0x1  }
0x369: {  	v5 =	vadd.f32 $2.000000000e+00, v5;
	_ =	sdelay $0x1  }
0x36a: {  	v3 =	vmul.f32 v5, v3;
	_ =	sdelay $0x1  }
0x36b: {  	v3 =	vadd.f32 $6.931471820e-01, v3;
	_ =	sdelay $0x1  }
0x36c: {  	v3 =	vadd.f32 v3, v60  }
0x36d: {  	p0 =	sne.s32 s28, $0x1E00  }
.Ltmp3:
0x36e: {  	v4 =	vsub.f32 v4, v3;
	(pc) =	sbr.rel @p0 .LBB2_8-.Ltmp3, $4  }
0x36f: {  	v2 =	vsub.f32 v2, v3  }
0x370: {  	v1 =	vsub.f32 v1, v3;
	[tilespmem:s29+$0x15FD0] =	vst v4  }
0x371: {  	[tilespmem:s29+$0x186E0] =	vst v2  }
0x372: {  	s26 =	sadd.s32 $0x50, s26;
	s28 =	sadd.s32 $0x140, s28;
	[tilespmem:s29+$0x1ADF0] =	vst v1  }
0x373: {  	_ =	swait.ge [sflag:s16], $0x3E80  }
0x374: {  	[sflag:s16] =	ssyncset.done $0x0  }
0x375: {  	[sflag:s16] =	ssyncadd.s32 $0xFFFFC180  }
0x376: {  	_ =	swait.ge [sflag:s16], $0x3E80  }
0x377: {  	[sflag:s16] =	ssyncset.done $0x0  }
0x378: {  	s26 =	simm.s32 $0x0;
	s28 =	simm.s32 $0x0;
	[sflag:s16] =	ssyncadd.s32 $0xFFFFC180  }
.LBB2_10:
0x379: {  	v1 =	vmov s26  }
0x37a: {  	v1 =	vshll.u32 v1, $0x3  }
0x37b: {  	v1 =	vor.u32 v0, v1  }
0x37c: {  	v2 =	vor.u32 $0x3, v1  }
0x37d: {  	v3 =	vor.u32 $0x1, v1  }
0x37e: {  	v4 =	vor.u32 $0x4, v1  }
0x37f: {  	v5 =	vor.u32 $0x2, v1  }
0x380: {  	v6 =	vld.idx.msk [tilespmem:v1+s11+$0x0], $0xffff;
	v1 =	vor.u32 $0x5, v1  }
0x381: {  	v2 =	vld.idx.msk [tilespmem:v2+s12+$0x0], $0xffff  }
0x382: {  	v3 =	vld.idx.msk [tilespmem:v3+s11+$0x0], $0xffff  }
0x383: {  	v4 =	vld.idx.msk [tilespmem:v4+s12+$0x0], $0xffff  }
0x384: {  	v5 =	vld.idx.msk [tilespmem:v5+s11+$0x0], $0xffff  }
0x385: {  	v1 =	vld.idx.msk [tilespmem:v1+s12+$0x0], $0xffff;
	_ =	sdelay $0x3  }
0x386: {  	v2 =	vadd.f32 v2, v6;
	v3 =	vadd.f32 v4, v3  }
0x387: {  	v1 =	vadd.f32 v1, v5  }
0x388: {  	v4 =	vmax.f32 v2, v3  }
0x389: {  	v30 =	vmin.f32 v2, v3;
	v31 =	vmax.f32 v4, v1  }
0x38a: {  	v5 =	vsub.f32 v30, v31  }
0x38b: {  	v4 =	vmin.f32 v4, v1  }
0x38c: {  	v4 =	vsub.f32 v4, v31;
	v5 =	vmul.f32 $1.442695020e+00, v5;
	_ =	sdelay $0x1  }
0x38d: {  	v4 =	vmul.f32 $1.442695020e+00, v4;
	(erf) = vpow2.f32 v5;
	_ =	sdelay $0x1  }
0x38e: {  	(erf) = vpow2.f32 v4;
	_ =	sdelay $0x6  }
0x38f: {  	v32 =	vpop (erf)  }
0x390: {  	v4 =	vadd.f32 $1.000000000e+00, v32  }
0x391: {  	v33 =	vpop (erf)  }
0x392: {  	v4 =	vadd.f32 v4, v33;
	_ =	sdelay $0x1  }
0x393: {  	v4 =	vmul.f32 $5.000000000e-01, v4;
	_ =	sdelay $0x1  }
0x394: {  	v34 =	vadd.f32 $1.000000000e+00, v4;
	_ =	sdelay $0x1  }
0x395: {  	(erf) = vrcp.f32 v34;
	_ =	sdelay $0x7  }
0x396: {  	v4 =	vadd.f32 $-1.000000000e+00, v4  }
0x397: {  	v5 =	vpop (erf)  }
0x398: {  	v4 =	vmul.f32 v5, v4;
	_ =	sdelay $0x1  }
0x399: {  	v5 =	vmul.f32 v4, v4;
	_ =	sdelay $0x1  }
0x39a: {  	v7 =	vmul.f32 $4.000000060e-01, v5;
	_ =	sdelay $0x1  }
0x39b: {  	v7 =	vadd.f32 $6.666666860e-01, v7;
	_ =	sdelay $0x1  }
0x39c: {  	v5 =	vmul.f32 v7, v5;
	_ =	sdelay $0x1  }
0x39d: {  	v5 =	vadd.f32 $2.000000000e+00, v5;
	_ =	sdelay $0x1  }
0x39e: {  	v4 =	vmul.f32 v5, v4;
	_ =	sdelay $0x1  }
0x39f: {  	v4 =	vadd.f32 $6.931471820e-01, v4  }
0x3a0: {  	s29 =	sadd.s32 $0x10, s26  }
0x3a1: {  	v35 =	vmov s29;
	v4 =	vadd.f32 v4, v31  }
0x3a2: {  	v5 =	vshll.u32 v35, $0x3  }
0x3a3: {  	v5 =	vor.u32 v0, v5;
	v2 =	vsub.f32 v2, v4  }
0x3a4: {  	s29 =	sshra.s32 s28, $0x2;
	v36 =	vor.u32 $0x3, v5;
	v3 =	vsub.f32 v3, v4  }
0x3a5: {  	v1 =	vsub.f32 v1, v4;
	[tilespmem:s29+$0x16760] =	vst v2;
	v2 =	vor.u32 $0x1, v5  }
0x3a6: {  	[tilespmem:s29+$0x18E70] =	vst v3;
	v3 =	vor.u32 $0x4, v5  }
0x3a7: {  	[tilespmem:s29+$0x1B580] =	vst v1;
	v1 =	vor.u32 $0x2, v5  }
0x3a8: {  	v37 =	vld.idx.msk [tilespmem:v5+s11+$0x0], $0xffff;
	v5 =	vor.u32 $0x5, v5  }
0x3a9: {  	v6 =	vld.idx.msk [tilespmem:v36+s12+$0x0], $0xffff  }
0x3aa: {  	v2 =	vld.idx.msk [tilespmem:v2+s11+$0x0], $0xffff  }
0x3ab: {  	v3 =	vld.idx.msk [tilespmem:v3+s12+$0x0], $0xffff  }
0x3ac: {  	v1 =	vld.idx.msk [tilespmem:v1+s11+$0x0], $0xffff  }
0x3ad: {  	v5 =	vld.idx.msk [tilespmem:v5+s12+$0x0], $0xffff;
	_ =	sdelay $0x3  }
0x3ae: {  	v4 =	vadd.f32 v6, v37;
	v2 =	vadd.f32 v3, v2  }
0x3af: {  	v1 =	vadd.f32 v5, v1  }
0x3b0: {  	v3 =	vmax.f32 v4, v2  }
0x3b1: {  	v38 =	vmin.f32 v4, v2;
	v39 =	vmax.f32 v3, v1  }
0x3b2: {  	v5 =	vsub.f32 v38, v39  }
0x3b3: {  	v3 =	vmin.f32 v3, v1  }
0x3b4: {  	v3 =	vsub.f32 v3, v39;
	v5 =	vmul.f32 $1.442695020e+00, v5;
	_ =	sdelay $0x1  }
0x3b5: {  	v3 =	vmul.f32 $1.442695020e+00, v3;
	(erf) = vpow2.f32 v5;
	_ =	sdelay $0x1  }
0x3b6: {  	(erf) = vpow2.f32 v3;
	_ =	sdelay $0x6  }
0x3b7: {  	v3 =	vpop (erf)  }
0x3b8: {  	v3 =	vadd.f32 $1.000000000e+00, v3  }
0x3b9: {  	v40 =	vpop (erf)  }
0x3ba: {  	v3 =	vadd.f32 v3, v40;
	_ =	sdelay $0x1  }
0x3bb: {  	v3 =	vmul.f32 $5.000000000e-01, v3;
	_ =	sdelay $0x1  }
0x3bc: {  	v41 =	vadd.f32 $1.000000000e+00, v3;
	_ =	sdelay $0x1  }
0x3bd: {  	(erf) = vrcp.f32 v41;
	_ =	sdelay $0x7  }
0x3be: {  	v3 =	vadd.f32 $-1.000000000e+00, v3  }
0x3bf: {  	v5 =	vpop (erf)  }
0x3c0: {  	v3 =	vmul.f32 v5, v3;
	_ =	sdelay $0x1  }
0x3c1: {  	v5 =	vmul.f32 v3, v3;
	_ =	sdelay $0x1  }
0x3c2: {  	v42 =	vmul.f32 $4.000000060e-01, v5;
	_ =	sdelay $0x1  }
0x3c3: {  	v7 =	vadd.f32 $6.666666860e-01, v42;
	_ =	sdelay $0x1  }
0x3c4: {  	v5 =	vmul.f32 v7, v5;
	_ =	sdelay $0x1  }
0x3c5: {  	v5 =	vadd.f32 $2.000000000e+00, v5;
	_ =	sdelay $0x1  }
0x3c6: {  	v3 =	vmul.f32 v5, v3;
	_ =	sdelay $0x1  }
0x3c7: {  	v3 =	vadd.f32 $6.931471820e-01, v3  }
0x3c8: {  	s30 =	sadd.s32 $0x20, s26  }
0x3c9: {  	v43 =	vmov s30;
	v3 =	vadd.f32 v3, v39  }
0x3ca: {  	v5 =	vshll.u32 v43, $0x3  }
0x3cb: {  	v5 =	vor.u32 v0, v5;
	v4 =	vsub.f32 v4, v3  }
0x3cc: {  	v44 =	vor.u32 $0x3, v5;
	v2 =	vsub.f32 v2, v3  }
0x3cd: {  	v1 =	vsub.f32 v1, v3;
	v3 =	vor.u32 $0x1, v5;
	[tilespmem:s29+$0x16770] =	vst v4  }
0x3ce: {  	[tilespmem:s29+$0x18E80] =	vst v2;
	v2 =	vor.u32 $0x4, v5  }
0x3cf: {  	[tilespmem:s29+$0x1B590] =	vst v1;
	v1 =	vor.u32 $0x2, v5  }
0x3d0: {  	v4 =	vld.idx.msk [tilespmem:v5+s11+$0x0], $0xffff;
	v5 =	vor.u32 $0x5, v5  }
0x3d1: {  	v6 =	vld.idx.msk [tilespmem:v44+s12+$0x0], $0xffff  }
0x3d2: {  	v3 =	vld.idx.msk [tilespmem:v3+s11+$0x0], $0xffff  }
0x3d3: {  	v2 =	vld.idx.msk [tilespmem:v2+s12+$0x0], $0xffff  }
0x3d4: {  	v1 =	vld.idx.msk [tilespmem:v1+s11+$0x0], $0xffff  }
0x3d5: {  	v5 =	vld.idx.msk [tilespmem:v5+s12+$0x0], $0xffff;
	_ =	sdelay $0x3  }
0x3d6: {  	v4 =	vadd.f32 v6, v4;
	v2 =	vadd.f32 v2, v3  }
0x3d7: {  	v1 =	vadd.f32 v5, v1  }
0x3d8: {  	v3 =	vmax.f32 v4, v2  }
0x3d9: {  	v45 =	vmin.f32 v4, v2;
	v46 =	vmax.f32 v3, v1  }
0x3da: {  	v5 =	vsub.f32 v45, v46  }
0x3db: {  	v3 =	vmin.f32 v3, v1  }
0x3dc: {  	v3 =	vsub.f32 v3, v46;
	v5 =	vmul.f32 $1.442695020e+00, v5;
	_ =	sdelay $0x1  }
0x3dd: {  	v3 =	vmul.f32 $1.442695020e+00, v3;
	(erf) = vpow2.f32 v5;
	_ =	sdelay $0x1  }
0x3de: {  	(erf) = vpow2.f32 v3;
	_ =	sdelay $0x6  }
0x3df: {  	v3 =	vpop (erf)  }
0x3e0: {  	v3 =	vadd.f32 $1.000000000e+00, v3  }
0x3e1: {  	v47 =	vpop (erf)  }
0x3e2: {  	v3 =	vadd.f32 v3, v47;
	_ =	sdelay $0x1  }
0x3e3: {  	v3 =	vmul.f32 $5.000000000e-01, v3;
	_ =	sdelay $0x1  }
0x3e4: {  	v48 =	vadd.f32 $1.000000000e+00, v3;
	_ =	sdelay $0x1  }
0x3e5: {  	(erf) = vrcp.f32 v48;
	_ =	sdelay $0x7  }
0x3e6: {  	v3 =	vadd.f32 $-1.000000000e+00, v3  }
0x3e7: {  	v5 =	vpop (erf)  }
0x3e8: {  	v3 =	vmul.f32 v5, v3;
	_ =	sdelay $0x1  }
0x3e9: {  	v5 =	vmul.f32 v3, v3;
	_ =	sdelay $0x1  }
0x3ea: {  	v49 =	vmul.f32 $4.000000060e-01, v5;
	_ =	sdelay $0x1  }
0x3eb: {  	v7 =	vadd.f32 $6.666666860e-01, v49;
	_ =	sdelay $0x1  }
0x3ec: {  	v5 =	vmul.f32 v7, v5;
	_ =	sdelay $0x1  }
0x3ed: {  	v5 =	vadd.f32 $2.000000000e+00, v5;
	_ =	sdelay $0x1  }
0x3ee: {  	v3 =	vmul.f32 v5, v3;
	_ =	sdelay $0x1  }
0x3ef: {  	v3 =	vadd.f32 $6.931471820e-01, v3  }
0x3f0: {  	s31 =	sadd.s32 $0x30, s26  }
0x3f1: {  	v50 =	vmov s31;
	v3 =	vadd.f32 v3, v46  }
0x3f2: {  	v5 =	vshll.u32 v50, $0x3  }
0x3f3: {  	v5 =	vor.u32 v0, v5;
	v4 =	vsub.f32 v4, v3  }
0x3f4: {  	v51 =	vor.u32 $0x3, v5;
	v2 =	vsub.f32 v2, v3  }
0x3f5: {  	v1 =	vsub.f32 v1, v3;
	v3 =	vor.u32 $0x1, v5;
	[tilespmem:s29+$0x16780] =	vst v4  }
0x3f6: {  	[tilespmem:s29+$0x18E90] =	vst v2;
	v2 =	vor.u32 $0x4, v5  }
0x3f7: {  	[tilespmem:s29+$0x1B5A0] =	vst v1;
	v1 =	vor.u32 $0x2, v5  }
0x3f8: {  	v4 =	vld.idx.msk [tilespmem:v5+s11+$0x0], $0xffff;
	v5 =	vor.u32 $0x5, v5  }
0x3f9: {  	v6 =	vld.idx.msk [tilespmem:v51+s12+$0x0], $0xffff  }
0x3fa: {  	v3 =	vld.idx.msk [tilespmem:v3+s11+$0x0], $0xffff  }
0x3fb: {  	v2 =	vld.idx.msk [tilespmem:v2+s12+$0x0], $0xffff  }
0x3fc: {  	v1 =	vld.idx.msk [tilespmem:v1+s11+$0x0], $0xffff  }
0x3fd: {  	v5 =	vld.idx.msk [tilespmem:v5+s12+$0x0], $0xffff;
	_ =	sdelay $0x3  }
0x3fe: {  	v4 =	vadd.f32 v6, v4;
	v2 =	vadd.f32 v2, v3  }
0x3ff: {  	v1 =	vadd.f32 v5, v1  }
0x400: {  	v3 =	vmax.f32 v4, v2  }
0x401: {  	v52 =	vmin.f32 v4, v2;
	v53 =	vmax.f32 v3, v1  }
0x402: {  	v5 =	vsub.f32 v52, v53  }
0x403: {  	v3 =	vmin.f32 v3, v1  }
0x404: {  	v3 =	vsub.f32 v3, v53;
	v5 =	vmul.f32 $1.442695020e+00, v5;
	_ =	sdelay $0x1  }
0x405: {  	v3 =	vmul.f32 $1.442695020e+00, v3;
	(erf) = vpow2.f32 v5;
	_ =	sdelay $0x1  }
0x406: {  	(erf) = vpow2.f32 v3;
	_ =	sdelay $0x6  }
0x407: {  	v3 =	vpop (erf)  }
0x408: {  	v3 =	vadd.f32 $1.000000000e+00, v3  }
0x409: {  	v54 =	vpop (erf)  }
0x40a: {  	v3 =	vadd.f32 v3, v54;
	_ =	sdelay $0x1  }
0x40b: {  	v3 =	vmul.f32 $5.000000000e-01, v3;
	_ =	sdelay $0x1  }
0x40c: {  	v55 =	vadd.f32 $1.000000000e+00, v3;
	_ =	sdelay $0x1  }
0x40d: {  	(erf) = vrcp.f32 v55;
	_ =	sdelay $0x7  }
0x40e: {  	v3 =	vadd.f32 $-1.000000000e+00, v3  }
0x40f: {  	v5 =	vpop (erf)  }
0x410: {  	v3 =	vmul.f32 v5, v3;
	_ =	sdelay $0x1  }
0x411: {  	v5 =	vmul.f32 v3, v3;
	_ =	sdelay $0x1  }
0x412: {  	v56 =	vmul.f32 $4.000000060e-01, v5;
	_ =	sdelay $0x1  }
0x413: {  	v7 =	vadd.f32 $6.666666860e-01, v56;
	_ =	sdelay $0x1  }
0x414: {  	v5 =	vmul.f32 v7, v5;
	_ =	sdelay $0x1  }
0x415: {  	v5 =	vadd.f32 $2.000000000e+00, v5;
	_ =	sdelay $0x1  }
0x416: {  	v3 =	vmul.f32 v5, v3;
	_ =	sdelay $0x1  }
0x417: {  	v3 =	vadd.f32 $6.931471820e-01, v3  }
0x418: {  	s31 =	sadd.s32 $0x40, s26  }
0x419: {  	v57 =	vmov s31;
	v3 =	vadd.f32 v3, v53  }
0x41a: {  	v5 =	vshll.u32 v57, $0x3  }
0x41b: {  	v5 =	vor.u32 v0, v5;
	v4 =	vsub.f32 v4, v3  }
0x41c: {  	v58 =	vor.u32 $0x3, v5;
	v2 =	vsub.f32 v2, v3  }
0x41d: {  	v1 =	vsub.f32 v1, v3;
	v3 =	vor.u32 $0x1, v5;
	[tilespmem:s29+$0x16790] =	vst v4  }
0x41e: {  	[tilespmem:s29+$0x18EA0] =	vst v2;
	v2 =	vor.u32 $0x4, v5  }
0x41f: {  	[tilespmem:s29+$0x1B5B0] =	vst v1;
	v1 =	vor.u32 $0x2, v5  }
0x420: {  	v4 =	vld.idx.msk [tilespmem:v5+s11+$0x0], $0xffff;
	v5 =	vor.u32 $0x5, v5  }
0x421: {  	v6 =	vld.idx.msk [tilespmem:v58+s12+$0x0], $0xffff  }
0x422: {  	v3 =	vld.idx.msk [tilespmem:v3+s11+$0x0], $0xffff  }
0x423: {  	v2 =	vld.idx.msk [tilespmem:v2+s12+$0x0], $0xffff  }
0x424: {  	v1 =	vld.idx.msk [tilespmem:v1+s11+$0x0], $0xffff  }
0x425: {  	v5 =	vld.idx.msk [tilespmem:v5+s12+$0x0], $0xffff;
	_ =	sdelay $0x3  }
0x426: {  	v4 =	vadd.f32 v6, v4;
	v2 =	vadd.f32 v2, v3  }
0x427: {  	v1 =	vadd.f32 v5, v1  }
0x428: {  	v3 =	vmax.f32 v4, v2  }
0x429: {  	v59 =	vmin.f32 v4, v2;
	v60 =	vmax.f32 v3, v1  }
0x42a: {  	v5 =	vsub.f32 v59, v60  }
0x42b: {  	v3 =	vmin.f32 v3, v1  }
0x42c: {  	v3 =	vsub.f32 v3, v60;
	v5 =	vmul.f32 $1.442695020e+00, v5;
	_ =	sdelay $0x1  }
0x42d: {  	v3 =	vmul.f32 $1.442695020e+00, v3;
	(erf) = vpow2.f32 v5;
	_ =	sdelay $0x1  }
0x42e: {  	(erf) = vpow2.f32 v3;
	_ =	sdelay $0x6  }
0x42f: {  	v3 =	vpop (erf)  }
0x430: {  	v3 =	vadd.f32 $1.000000000e+00, v3  }
0x431: {  	v61 =	vpop (erf)  }
0x432: {  	v3 =	vadd.f32 v3, v61;
	_ =	sdelay $0x1  }
0x433: {  	v3 =	vmul.f32 $5.000000000e-01, v3;
	_ =	sdelay $0x1  }
0x434: {  	v62 =	vadd.f32 $1.000000000e+00, v3;
	_ =	sdelay $0x1  }
0x435: {  	(erf) = vrcp.f32 v62;
	_ =	sdelay $0x7  }
0x436: {  	v3 =	vadd.f32 $-1.000000000e+00, v3  }
0x437: {  	v5 =	vpop (erf)  }
0x438: {  	v3 =	vmul.f32 v5, v3;
	_ =	sdelay $0x1  }
0x439: {  	v5 =	vmul.f32 v3, v3;
	_ =	sdelay $0x1  }
0x43a: {  	v63 =	vmul.f32 $4.000000060e-01, v5;
	_ =	sdelay $0x1  }
0x43b: {  	v7 =	vadd.f32 $6.666666860e-01, v63;
	_ =	sdelay $0x1  }
0x43c: {  	v5 =	vmul.f32 v7, v5;
	_ =	sdelay $0x1  }
0x43d: {  	v5 =	vadd.f32 $2.000000000e+00, v5;
	_ =	sdelay $0x1  }
0x43e: {  	v3 =	vmul.f32 v5, v3;
	_ =	sdelay $0x1  }
0x43f: {  	v3 =	vadd.f32 $6.931471820e-01, v3;
	_ =	sdelay $0x1  }
0x440: {  	v3 =	vadd.f32 v3, v60  }
0x441: {  	p0 =	sne.s32 s28, $0x1E00  }
.Ltmp4:
0x442: {  	v4 =	vsub.f32 v4, v3;
	(pc) =	sbr.rel @p0 .LBB2_10-.Ltmp4, $4  }
0x443: {  	v2 =	vsub.f32 v2, v3  }
0x444: {  	v1 =	vsub.f32 v1, v3;
	[tilespmem:s29+$0x167A0] =	vst v4  }
0x445: {  	[tilespmem:s29+$0x18EB0] =	vst v2  }
0x446: {  	s26 =	sadd.s32 $0x50, s26;
	s28 =	sadd.s32 $0x140, s28;
	[tilespmem:s29+$0x1B5C0] =	vst v1  }
0x447: {  	s25 =	sadd.s32 $0x1, s25  }
0x448: {  	p0 =	sne.s32 s25, s6  }
.Ltmp5:
0x449: {  	_ = 	snop;
	(pc) =	sbr.rel @p0 .LBB2_1-.Ltmp5, $4  }
0x44a: {  	[hbm4b:s5+s7] =	stream.strided.scatter [tilespmem:s24], [sflag:$0x3], $0x7530, s8, s7, $0x38;
	[tilespmem:$0x1BD50] =	vst v63  }
0x44b: {  	_ =	swait.ge [sflag:s9], $0x7530  }
0x44c: {  	[sflag:s9] =	ssyncset.done $0x0  }
0x44d: {  	[sflag:s9] =	ssyncadd.s32 $0xFFFF8AD0  }
0x44e: {  	_ =	sfence.sel $0x180000  }
0x44f: {  	[bflag:$0x0] =	sbarrier.arrive $0xFFFF  }
0x450: {  	p0 =	sne.s32 s0, $0x0;
	_ =	strace $0x90000047  }
0x451: {  	s0 =	sadd.s32 @!p0 $0x100000, s1;
	[bflag:$0x2] =	sbarrier.arrive $0xFFFF  }
0x452: {  	[sflag:s0] =	ssyncadd.tile.s32 @!p0 $0x1;
	_ =	shalt  }
.Lfunc_end2:
_tile_overlayer_lowered:
.L_overlay_start_2:
0x453: {  	(tag) =	ssettag $0x2  }
0x454: {  	s0 =	rddreg [dreg:$0x0];
	s2 =	stileid.u32  }
0x455: {  	s1 =	rddreg [dreg:$0x1];
	p0 =	sne.s32 s2, $0x0  }
0x456: {  	s3 =	rddreg [dreg:$0x2];
	[bflag:$0x3] =	sbarrier.arrive $0xFFFF;
	s2 =	simm.s32 @!p0 $0x1C03  }
0x457: {  	[timem:s3], [sflag:s2] =	dma.local @!p0 [hbm:s0], s1  }
0x458: {  	s0 =	simm.s32 @!p0 $0x3  }
0x459: {  	_ =	swait.ge @!p0 [sflag:s0], s1  }
0x45a: {  	s1 =	ssub.s32 @!p0 $0x0, s1;
	[sflag:s0] =	ssyncset.done @!p0 $0x0  }
0x45b: {  	[sflag:s0] =	ssyncadd.s32 @!p0 s1  }
0x45c: {  	[bflag:$0x3] =	sbarrier.arrive $0xFFFF  }
0x45d: {  	_ =	shalt  }

</sc_bundles>
